<compile_context>
chip_gen: v7x
topology: tpu7x:2x2x1
jax: 0.10.2.dev20260603
libtpu: 0.0.44.dev20260713+nightly
codegen_flags: <defaults>
</compile_context>

<pallas_src>
import dataclasses

import jax
import jax.numpy as jnp
from jax.experimental import pallas as pl
from jax.experimental.pallas import tpu as pltpu
from jax.experimental.pallas import tpu_sc as plsc

N = 10000
E = 320000
D = 128
DE = 16

NC = 2
NS = 16
LANES = 16
K = 80
EPW = E // (NC * NS)
CHUNKS = EPW // K
NP = 10240
RPS = NP // NS
NQ = 1280
QPS = NQ // NS

_HIGHEST = jax.lax.Precision.HIGHEST



def _node_body(x_ref, wn_ref, bn_ref, wm_ref, h_ref, hm_ref):
    h = jnp.maximum(
        jnp.dot(x_ref[...], wn_ref[...], precision=_HIGHEST,
                preferred_element_type=jnp.float32) + bn_ref[...], 0.0)
    h_ref[...] = h
    hm_ref[...] = jnp.dot(h, wm_ref[...], precision=_HIGHEST,
                          preferred_element_type=jnp.float32)


def _node_embed(x, W_node, b_node, W_msg):
    return pl.pallas_call(
        _node_body,
        out_shape=(jax.ShapeDtypeStruct((N, D), jnp.float32),
                   jax.ShapeDtypeStruct((N, D), jnp.float32)),
    )(x, W_node, b_node.reshape(1, D), W_msg)



BE2 = 2000

def _edge_body(ea_ref, w1_ref, b1_ref, w2_ref, b2_ref, eme_ref, emo_ref):
    z = jnp.dot(ea_ref[...], w1_ref[...], preferred_element_type=jnp.float32)
    e = jnp.maximum(z + b1_ref[...], 0.0).astype(jnp.bfloat16)
    em = jnp.dot(e, w2_ref[...],
                 preferred_element_type=jnp.float32) + b2_ref[...]
    eme_ref[...] = em[:, :D]
    emo_ref[...] = em[:, D:]


def _edge_embed(edge_attr, W_edge, b_edge, W_msg, b_msg):
    z2 = jnp.zeros((DE, D), jnp.float32)
    w1 = jnp.block([[W_edge, z2], [z2, W_edge]]).astype(jnp.bfloat16)
    zd = jnp.zeros((D, D), jnp.float32)
    w2 = jnp.block([[W_msg, zd], [zd, W_msg]]).astype(jnp.bfloat16)
    b1 = jnp.concatenate([b_edge, b_edge]).reshape(1, 2 * D)
    b2 = jnp.concatenate([b_msg, b_msg]).reshape(1, 2 * D)
    ea2 = edge_attr.astype(jnp.bfloat16).reshape(E // 2, 2 * DE)
    return pl.pallas_call(
        _edge_body,
        grid=(E // 2 // BE2,),
        in_specs=[
            pl.BlockSpec((BE2, 2 * DE), lambda i: (i, 0)),
            pl.BlockSpec((2 * DE, 2 * D), lambda i: (0, 0)),
            pl.BlockSpec((1, 2 * D), lambda i: (0, 0)),
            pl.BlockSpec((2 * D, 2 * D), lambda i: (0, 0)),
            pl.BlockSpec((1, 2 * D), lambda i: (0, 0)),
        ],
        out_specs=(pl.BlockSpec((BE2, D), lambda i: (i, 0)),
                   pl.BlockSpec((BE2, D), lambda i: (i, 0))),
        out_shape=(jax.ShapeDtypeStruct((E // 2, D), jnp.float32),
                   jax.ShapeDtypeStruct((E // 2, D), jnp.float32)),
    )(ea2, w1, b1, w2, b2)



KH = K // 2


def _sc_body(hm_hbm, eme_hbm, emo_hbm, src_hbm, dst_hbm, acc_hbm, aux_hbm,
             src_a, dst_a, eme_a, emo_a, src_b, dst_b, eme_b, emo_b,
             dstq0_v, g_v, ones_v,
             acc_sh, aux_sh, sem, sem2, sem3, sem4, sem5, sem6):
    c = jax.lax.axis_index("c")
    s = jax.lax.axis_index("s")
    wid = c * NS + s

    @pl.loop(0, K)
    def _(r):
        @pl.loop(0, D, step=LANES)
        def _(j):
            g_v[r, pl.ds(j, LANES)] = jnp.zeros((LANES,), jnp.float32)

    @pl.loop(0, LANES)
    def _(r):
        @pl.loop(0, D, step=LANES)
        def _(j):
            ones_v[r, pl.ds(j, LANES)] = jnp.zeros((LANES,), jnp.float32)

    @pl.loop(0, RPS // K)
    def _(q):
        pltpu.sync_copy(g_v, acc_sh.at[pl.ds(s * RPS + q * K, K)])
    pltpu.sync_copy(g_v, aux_sh.at[pl.ds(s * QPS, QPS)])
    plsc.subcore_barrier()

    def issue_inputs(t, src_v, dst_v, eme_v, emo_v):
        base = wid * EPW + t * K
        base2 = pl.multiple_of(wid * (EPW // 2) + t * KH, 8)
        pltpu.async_copy(src_hbm.at[pl.ds(base, K)], src_v, sem2)
        pltpu.async_copy(dst_hbm.at[pl.ds(base, K)], dst_v, sem3)
        pltpu.async_copy(eme_hbm.at[pl.ds(base2, KH)], eme_v, sem4)
        pltpu.async_copy(emo_hbm.at[pl.ds(base2, KH)], emo_v, sem5)

    def wait_idx(src_v, dst_v):
        pltpu.make_async_copy(src_hbm.at[pl.ds(0, K)], src_v, sem2).wait()
        pltpu.make_async_copy(dst_hbm.at[pl.ds(0, K)], dst_v, sem3).wait()

    def wait_em(eme_v, emo_v):
        pltpu.make_async_copy(eme_hbm.at[pl.ds(0, KH)], eme_v, sem4).wait()
        pltpu.make_async_copy(emo_hbm.at[pl.ds(0, KH)], emo_v, sem5).wait()

    def count_scatter(dst_v, grp, dstq_v):
        d16 = dst_v[pl.ds(grp * LANES, LANES)]
        dstq_v[pl.ds(0, LANES)] = jax.lax.shift_right_logical(d16, 3)
        rows = jax.lax.iota(jnp.int32, LANES)
        cols = (d16 & 7) * LANES
        plsc.store_scatter(ones_v, [rows, cols],
                           jnp.full((LANES,), 1.0, jnp.float32))
        pltpu.sync_copy(ones_v, aux_sh.at[dstq_v], add=True)
        plsc.store_scatter(ones_v, [rows, cols],
                           jnp.zeros((LANES,), jnp.float32))

    def half_step(t, cur, nxt):
        src_v, dst_v, eme_v, emo_v = cur
        wait_idx(src_v, dst_v)
        cp_gather = pltpu.async_copy(hm_hbm.at[src_v], g_v, sem)
        wait_em(eme_v, emo_v)
        tn = jnp.minimum(t + 1, CHUNKS - 1)
        issue_inputs(tn, *nxt)
        cp_gather.wait()

        @pl.loop(0, KH)
        def _(q):
            sls = [pl.ds(j, LANES) for j in range(0, D, LANES)]
            ge = [g_v[2 * q, sl] for sl in sls]
            go = [g_v[2 * q + 1, sl] for sl in sls]
            ee = [eme_v[q, sl] for sl in sls]
            eo = [emo_v[q, sl] for sl in sls]
            for sl, a, b in zip(sls, ge, ee):
                g_v[2 * q, sl] = jnp.maximum(a + b, 0.0)
            for sl, a, b in zip(sls, go, eo):
                g_v[2 * q + 1, sl] = jnp.maximum(a + b, 0.0)

        cp_acc = pltpu.async_copy(g_v, acc_sh.at[dst_v], sem6, add=True)
        for grp in range(K // LANES):
            count_scatter(dst_v, grp, dstq0_v)
        cp_acc.wait()

    buf_a = (src_a, dst_a, eme_a, emo_a)
    buf_b = (src_b, dst_b, eme_b, emo_b)
    issue_inputs(0, *buf_a)

    @pl.loop(0, CHUNKS - 1, step=2)
    def _(t):
        half_step(t, buf_a, buf_b)
        half_step(t + 1, buf_b, buf_a)

    half_step(CHUNKS - 1, buf_a, buf_b)
    wait_idx(src_b, dst_b)
    wait_em(eme_b, emo_b)

    plsc.subcore_barrier()

    pltpu.sync_copy(acc_sh.at[pl.ds(s * RPS, RPS)],
                    acc_hbm.at[c, pl.ds(s * RPS, RPS)])
    pltpu.sync_copy(aux_sh.at[pl.ds(s * QPS, QPS)],
                    aux_hbm.at[c, pl.ds(s * QPS, QPS)])


def _sc_aggregate(hm, eme, emo, src, dst):
    mesh = plsc.VectorSubcoreMesh(core_axis_name="c", subcore_axis_name="s")
    cp = pltpu.CompilerParams()
    if "needs_layout_passes" in pltpu.CompilerParams.__dataclass_fields__:
        cp = dataclasses.replace(cp, needs_layout_passes=False)
    kern = pl.kernel(
        _sc_body,
        compiler_params=cp,
        out_type=(jax.ShapeDtypeStruct((NC, NP, D), jnp.float32),
                  jax.ShapeDtypeStruct((NC, NQ, D), jnp.float32)),
        mesh=mesh,
        scratch_types=[
            pltpu.VMEM((K,), jnp.int32),
            pltpu.VMEM((K,), jnp.int32),
            pltpu.VMEM((KH, D), jnp.float32),
            pltpu.VMEM((KH, D), jnp.float32),
            pltpu.VMEM((K,), jnp.int32),
            pltpu.VMEM((K,), jnp.int32),
            pltpu.VMEM((KH, D), jnp.float32),
            pltpu.VMEM((KH, D), jnp.float32),
            pltpu.VMEM((LANES,), jnp.int32),
            pltpu.VMEM((K, D), jnp.float32),
            pltpu.VMEM((LANES, D), jnp.float32),
            pltpu.VMEM_SHARED((NP, D), jnp.float32),
            pltpu.VMEM_SHARED((NQ, D), jnp.float32),
            pltpu.SemaphoreType.DMA,
            pltpu.SemaphoreType.DMA,
            pltpu.SemaphoreType.DMA,
            pltpu.SemaphoreType.DMA,
            pltpu.SemaphoreType.DMA,
            pltpu.SemaphoreType.DMA,
        ],
    )
    return kern(hm, eme, emo, src, dst)



BN = 2000

def _upd_body(h_ref, acc_ref, cnt_ref, w1_ref, w2_ref, w3_ref, bu_ref, o_ref):
    agg = acc_ref[0] + acc_ref[1]
    cnt = cnt_ref[...]
    mean = agg / jnp.maximum(cnt, 1.0)
    o = (jnp.dot(h_ref[...], w1_ref[...], precision=_HIGHEST,
                 preferred_element_type=jnp.float32)
         + jnp.dot(agg, w2_ref[...], precision=_HIGHEST,
                   preferred_element_type=jnp.float32)
         + jnp.dot(mean, w3_ref[...], precision=_HIGHEST,
                   preferred_element_type=jnp.float32)
         + bu_ref[...])
    o_ref[...] = jnp.maximum(o, 0.0)


def _node_update(h, acc, cnt, W_upd, b_upd):
    return pl.pallas_call(
        _upd_body,
        grid=(N // BN,),
        in_specs=[
            pl.BlockSpec((BN, D), lambda i: (i, 0)),
            pl.BlockSpec((2, BN, D), lambda i: (0, i, 0)),
            pl.BlockSpec((BN, 1), lambda i: (i, 0)),
            pl.BlockSpec((D, D), lambda i: (0, 0)),
            pl.BlockSpec((D, D), lambda i: (0, 0)),
            pl.BlockSpec((D, D), lambda i: (0, 0)),
            pl.BlockSpec((1, D), lambda i: (0, 0)),
        ],
        out_specs=pl.BlockSpec((BN, D), lambda i: (i, 0)),
        out_shape=jax.ShapeDtypeStruct((N, D), jnp.float32),
    )(h, acc, cnt, W_upd[0:D], W_upd[D:2 * D], W_upd[2 * D:3 * D],
      b_upd.reshape(1, D))



def kernel(x, edge_index, edge_attr, W_node, b_node, W_edge, b_edge,
           W_msg, b_msg, W_upd, b_upd):
    src = edge_index[0].astype(jnp.int32)
    dst = edge_index[1].astype(jnp.int32)
    h, hm = _node_embed(x, W_node, b_node, W_msg)
    eme, emo = _edge_embed(edge_attr, W_edge, b_edge, W_msg, b_msg)
    acc, aux = _sc_aggregate(hm, eme, emo, src, dst)
    auxs = aux[0] + aux[1]
    cnt = auxs.reshape(NQ, 8, LANES)[:, :, 0].reshape(NQ * 8, 1)[:N]
    return _node_update(h, acc, cnt, W_upd, b_upd)

# --- scband reference (transcript-rebuilt; emitter-appended) ---
"""Pipeline reference for scband-abstract-message-passing-base-70042326663177 (READ-ONLY COPY).

The authoritative reference and input builder live on the scoring server;
editing this copy changes nothing except your own understanding.
"""

import jax, jax.numpy as jnp
import numpy as np

N = 10000
E = 320000
D = 128      # latent_dimension / in_node_features
DE = 16      # in_edge_features


def setup_inputs(seed: int = 0) -> dict:
    key = jax.random.key(seed)
    ks = jax.random.split(key, 11)
    x = jax.random.normal(ks[0], (N, D), dtype=jnp.float32)
    edge_index = jax.random.randint(ks[1], (2, E), 0, N, dtype=jnp.int64)
    edge_attr = jax.random.normal(ks[2], (E, DE), dtype=jnp.float32)
    # Learned parameters: input embeddings + one message-passing block
    W_node = jax.random.normal(ks[3], (D, D), dtype=jnp.float32) * 0.05
    b_node = jnp.zeros((D,), dtype=jnp.float32)
    W_edge = jax.random.normal(ks[4], (DE, D), dtype=jnp.float32) * 0.05
    b_edge = jnp.zeros((D,), dtype=jnp.float32)
    W_msg = jax.random.normal(ks[5], (D, D), dtype=jnp.float32) * 0.05
    b_msg = jnp.zeros((D,), dtype=jnp.float32)
    # node update sees [h | agg_sum | agg_mean] -> 3*D inputs
    W_upd = jax.random.normal(ks[6], (3 * D, D), dtype=jnp.float32) * 0.05
    b_upd = jnp.zeros((D,), dtype=jnp.float32)
    return {
        "x": x,
        "edge_index": edge_index,
        "edge_attr": edge_attr,
        "W_node": W_node,
        "b_node": b_node,
        "W_edge": W_edge,
        "b_edge": b_edge,
        "W_msg": W_msg,
        "b_msg": b_msg,
        "W_upd": W_upd,
        "b_upd": b_upd,
    }


def reference(x, edge_index, edge_attr, W_node, b_node, W_edge, b_edge,
              W_msg, b_msg, W_upd, b_upd):
    # Input embeddings (nodes and edges -> latent_dimension)
    h = jax.nn.relu(x @ W_node + b_node)                 # [N, D]
    e = jax.nn.relu(edge_attr @ W_edge + b_edge)         # [E, D]
    src = edge_index[0]
    dst = edge_index[1]
    # Message computation: gather source node features (memory-bound gather)
    m = jax.nn.relu((jnp.take(h, src, axis=0) + e) @ W_msg + b_msg)  # [E, D]
    # Scatter-reduce with both "sum" and "mean" (per scatter_reduce_strs)
    agg_sum = jax.ops.segment_sum(m, dst, num_segments=N)            # [N, D]
    cnt = jax.ops.segment_sum(jnp.ones((E,), dtype=m.dtype), dst, num_segments=N)
    agg_mean = agg_sum / jnp.clip(cnt, 1.0)[:, None]                 # [N, D]
    # Node update
    upd_in = jnp.concatenate([h, agg_sum, agg_mean], axis=-1)        # [N, 3D]
    node_features = jax.nn.relu(upd_in @ W_upd + b_upd)              # [N, D]
    # output_type == "features": return latent node features
    return node_features


if False:  # reference __main__ guard neutralized (emitter)
    out = reference(**setup_inputs())
    print(out.shape, out.dtype)

if __name__ == "__main__":
    import jax
    _d = setup_inputs()
    print(jax.jit(kernel)(*tuple(_d.values())))

</pallas_src>

<mosaic_0001>
#map = affine_map<(d0, d1) -> (0, 0)>
#map1 = affine_map<(d0, d1) -> (0)>
#map2 = affine_map<(d0, d1) -> (0, 0, 0)>
module attributes {stable_mosaic.version = 14 : i64} {
  func.func @_sc_body(%arg0: i32, %arg1: i32, %arg2: memref<10000x128xf32, #tpu.memory_space<hbm>>, %arg3: memref<160000x128xf32, #tpu.memory_space<hbm>>, %arg4: memref<160000x128xf32, #tpu.memory_space<hbm>>, %arg5: memref<320000xi32, #tpu.memory_space<hbm>>, %arg6: memref<320000xi32, #tpu.memory_space<hbm>>, %arg7: memref<2x10240x128xf32, #tpu.memory_space<hbm>>, %arg8: memref<2x1280x128xf32, #tpu.memory_space<hbm>>, %arg9: memref<80xi32, #tpu.memory_space<vmem>>, %arg10: memref<80xi32, #tpu.memory_space<vmem>>, %arg11: memref<40x128xf32, #tpu.memory_space<vmem>>, %arg12: memref<40x128xf32, #tpu.memory_space<vmem>>, %arg13: memref<80xi32, #tpu.memory_space<vmem>>, %arg14: memref<80xi32, #tpu.memory_space<vmem>>, %arg15: memref<40x128xf32, #tpu.memory_space<vmem>>, %arg16: memref<40x128xf32, #tpu.memory_space<vmem>>, %arg17: memref<16xi32, #tpu.memory_space<vmem>>, %arg18: memref<80x128xf32, #tpu.memory_space<vmem>>, %arg19: memref<16x128xf32, #tpu.memory_space<vmem>>, %arg20: memref<10240x128xf32, #tpu.memory_space<vmem_shared>>, %arg21: memref<1280x128xf32, #tpu.memory_space<vmem_shared>>, %arg22: memref<!tpu.dma_semaphore, #tpu.memory_space<semaphore_mem>>, %arg23: memref<!tpu.dma_semaphore, #tpu.memory_space<semaphore_mem>>, %arg24: memref<!tpu.dma_semaphore, #tpu.memory_space<semaphore_mem>>, %arg25: memref<!tpu.dma_semaphore, #tpu.memory_space<semaphore_mem>>, %arg26: memref<!tpu.dma_semaphore, #tpu.memory_space<semaphore_mem>>, %arg27: memref<!tpu.dma_semaphore, #tpu.memory_space<semaphore_mem>>) attributes {dimension_semantics = [#tpu.dimension_semantics<core_parallel>, #tpu.dimension_semantics<subcore_parallel>], iteration_bounds = array<i64: 2, 16>, scalar_prefetch = 0 : i64, scratch_operands = 19 : i64, tpu.core_type = #tpu.core_type<sc_vector_subcore>, window_params = [{transform_indices = #map}, {transform_indices = #map}, {transform_indices = #map}, {transform_indices = #map1}, {transform_indices = #map1}, {transform_indices = #map2}, {transform_indices = #map2}]} {
    %mul3A = arith.constant 16 : i32
    %mul3A_0 = arith.muli %arg0, %mul3A : i32
    %add3A = arith.addi %mul3A_0, %arg1 : i32
    %scan3A = arith.constant 0 : i32
    %scan3A_1 = arith.constant 80 : i32
    %scan3A_2 = arith.addi %scan3A, %scan3A_1 : i32
    %scan3A_3 = arith.constant 1 : i32
    scf.for %scan3A_215 = %scan3A to %scan3A_2 step %scan3A_3  : i32 {
      %mul3A_216 = arith.constant 1 : i32
      %mul3A_217 = arith.muli %scan3A_215, %mul3A_216 : i32
      %add3A_218 = arith.constant 0 : i32
      %add3A_219 = arith.addi %add3A_218, %mul3A_217 : i32
      %scan3A_220 = arith.constant 0 : i32
      %scan3A_221 = arith.constant 8 : i32
      %scan3A_222 = arith.addi %scan3A_220, %scan3A_221 : i32
      %scan3A_223 = arith.constant 1 : i32
      scf.for %scan3A_225 = %scan3A_220 to %scan3A_222 step %scan3A_223  : i32 {
        %mul3A_226 = arith.constant 16 : i32
        %mul3A_227 = arith.muli %scan3A_225, %mul3A_226 : i32
        %add3A_228 = arith.constant 0 : i32
        %add3A_229 = arith.addi %add3A_228, %mul3A_227 : i32
        %broadcast_in_dim3A_230 = arith.constant 0.000000e+00 : f32
        %broadcast_in_dim3A_231 = vector.broadcast %broadcast_in_dim3A_230 : f32 to vector<16xf32>
        %swap3A_232 = arith.index_cast %add3A_219 : i32 to index
        %swap3A_233 = arith.index_cast %add3A_229 : i32 to index
        %swap3A_234 = tpu.vector_load %arg18[%swap3A_232, %swap3A_233] {strides = array<i32>} : memref<80x128xf32, #tpu.memory_space<vmem>>, vector<16xf32>,
        tpu.vector_store %arg18[%swap3A_232, %swap3A_233], %broadcast_in_dim3A_231 {strides = array<i32>} : memref<80x128xf32, #tpu.memory_space<vmem>>, vector<16xf32>,
      }
      %scan3A_224 = arith.constant 8 : i32
    }
    %scan3A_4 = arith.constant 80 : i32
    %scan3A_5 = arith.constant 0 : i32
    %scan3A_6 = arith.constant 16 : i32
    %scan3A_7 = arith.addi %scan3A_5, %scan3A_6 : i32
    %scan3A_8 = arith.constant 1 : i32
    scf.for %scan3A_215 = %scan3A_5 to %scan3A_7 step %scan3A_8  : i32 {
      %mul3A_216 = arith.constant 1 : i32
      %mul3A_217 = arith.muli %scan3A_215, %mul3A_216 : i32
      %add3A_218 = arith.constant 0 : i32
      %add3A_219 = arith.addi %add3A_218, %mul3A_217 : i32
      %scan3A_220 = arith.constant 0 : i32
      %scan3A_221 = arith.constant 8 : i32
      %scan3A_222 = arith.addi %scan3A_220, %scan3A_221 : i32
      %scan3A_223 = arith.constant 1 : i32
      scf.for %scan3A_225 = %scan3A_220 to %scan3A_222 step %scan3A_223  : i32 {
        %mul3A_226 = arith.constant 16 : i32
        %mul3A_227 = arith.muli %scan3A_225, %mul3A_226 : i32
        %add3A_228 = arith.constant 0 : i32
        %add3A_229 = arith.addi %add3A_228, %mul3A_227 : i32
        %broadcast_in_dim3A_230 = arith.constant 0.000000e+00 : f32
        %broadcast_in_dim3A_231 = vector.broadcast %broadcast_in_dim3A_230 : f32 to vector<16xf32>
        %swap3A_232 = arith.index_cast %add3A_219 : i32 to index
        %swap3A_233 = arith.index_cast %add3A_229 : i32 to index
        %swap3A_234 = tpu.vector_load %arg19[%swap3A_232, %swap3A_233] {strides = array<i32>} : memref<16x128xf32, #tpu.memory_space<vmem>>, vector<16xf32>,
        tpu.vector_store %arg19[%swap3A_232, %swap3A_233], %broadcast_in_dim3A_231 {strides = array<i32>} : memref<16x128xf32, #tpu.memory_space<vmem>>, vector<16xf32>,
      }
      %scan3A_224 = arith.constant 8 : i32
    }
    %scan3A_9 = arith.constant 16 : i32
    %scan3A_10 = arith.constant 0 : i32
    %scan3A_11 = arith.constant 8 : i32
    %scan3A_12 = arith.addi %scan3A_10, %scan3A_11 : i32
    %scan3A_13 = arith.constant 1 : i32
    scf.for %scan3A_215 = %scan3A_10 to %scan3A_12 step %scan3A_13  : i32 {
      %mul3A_216 = arith.constant 1 : i32
      %mul3A_217 = arith.muli %scan3A_215, %mul3A_216 : i32
      %add3A_218 = arith.constant 0 : i32
      %add3A_219 = arith.addi %add3A_218, %mul3A_217 : i32
      %mul3A_220 = arith.constant 640 : i32
      %mul3A_221 = arith.muli %arg1, %mul3A_220 : i32
      %mul3A_222 = arith.constant 80 : i32
      %mul3A_223 = arith.muli %add3A_219, %mul3A_222 : i32
      %add3A_224 = arith.addi %mul3A_221, %mul3A_223 : i32
      "tpu.region"() ({
        %run_scoped3A = tpu.sem_alloc : memref<!tpu.dma_semaphore, #tpu.memory_space<semaphore_mem>>
        %dma_start3A_225 = arith.constant 0 : i32
        %dma_start3A_226 = tpu.memref_slice %arg20[%add3A_224, %dma_start3A_225] : memref<10240x128xf32, #tpu.memory_space<vmem_shared>> -> memref<80x128xf32, #tpu.memory_space<vmem_shared>>
        %dma_start3A_227 = arith.constant 0 : i32
        %dma_start3A_228 = tpu.memref_slice %arg20[%add3A_224, %dma_start3A_227] : memref<10240x128xf32, #tpu.memory_space<vmem_shared>> -> memref<80x128xf32, #tpu.memory_space<vmem_shared>>
        tpu.enqueue_dma source(%arg18 : memref<80x128xf32, #tpu.memory_space<vmem>>) target(%dma_start3A_228 : memref<80x128xf32, #tpu.memory_space<vmem_shared>>) target_semaphore(%run_scoped3A : memref<!tpu.dma_semaphore, #tpu.memory_space<semaphore_mem>>)
        %dma_wait3A_229 = arith.constant 0 : i32
        %dma_wait3A_230 = tpu.memref_slice %arg20[%add3A_224, %dma_wait3A_229] : memref<10240x128xf32, #tpu.memory_space<vmem_shared>> -> memref<80x128xf32, #tpu.memory_space<vmem_shared>>
        %dma_wait3A_231 = arith.constant 0 : i32
        %dma_wait3A_232 = tpu.memref_slice %arg20[%add3A_224, %dma_wait3A_231] : memref<10240x128xf32, #tpu.memory_space<vmem_shared>> -> memref<80x128xf32, #tpu.memory_space<vmem_shared>>
        tpu.wait_dma2 semaphore(%run_scoped3A : memref<!tpu.dma_semaphore, #tpu.memory_space<semaphore_mem>>) src(%arg18 : memref<80x128xf32, #tpu.memory_space<vmem>>) dst(%dma_wait3A_232 : memref<80x128xf32, #tpu.memory_space<vmem_shared>>)
        tpu.yield
      }) : () -> ()
    }
    %scan3A_14 = arith.constant 8 : i32
    %mul3A_15 = arith.constant 80 : i32
    %mul3A_16 = arith.muli %arg1, %mul3A_15 : i32
    "tpu.region"() ({
      %run_scoped3A = tpu.sem_alloc : memref<!tpu.dma_semaphore, #tpu.memory_space<semaphore_mem>>
      %dma_start3A_215 = arith.constant 0 : i32
      %dma_start3A_216 = tpu.memref_slice %arg21[%mul3A_16, %dma_start3A_215] : memref<1280x128xf32, #tpu.memory_space<vmem_shared>> -> memref<80x128xf32, #tpu.memory_space<vmem_shared>>
      %dma_start3A_217 = arith.constant 0 : i32
      %dma_start3A_218 = tpu.memref_slice %arg21[%mul3A_16, %dma_start3A_217] : memref<1280x128xf32, #tpu.memory_space<vmem_shared>> -> memref<80x128xf32, #tpu.memory_space<vmem_shared>>
      tpu.enqueue_dma source(%arg18 : memref<80x128xf32, #tpu.memory_space<vmem>>) target(%dma_start3A_218 : memref<80x128xf32, #tpu.memory_space<vmem_shared>>) target_semaphore(%run_scoped3A : memref<!tpu.dma_semaphore, #tpu.memory_space<semaphore_mem>>)
      %dma_wait3A_219 = arith.constant 0 : i32
      %dma_wait3A_220 = tpu.memref_slice %arg21[%mul3A_16, %dma_wait3A_219] : memref<1280x128xf32, #tpu.memory_space<vmem_shared>> -> memref<80x128xf32, #tpu.memory_space<vmem_shared>>
      %dma_wait3A_221 = arith.constant 0 : i32
      %dma_wait3A_222 = tpu.memref_slice %arg21[%mul3A_16, %dma_wait3A_221] : memref<1280x128xf32, #tpu.memory_space<vmem_shared>> -> memref<80x128xf32, #tpu.memory_space<vmem_shared>>
      tpu.wait_dma2 semaphore(%run_scoped3A : memref<!tpu.dma_semaphore, #tpu.memory_space<semaphore_mem>>) src(%arg18 : memref<80x128xf32, #tpu.memory_space<vmem>>) dst(%dma_wait3A_222 : memref<80x128xf32, #tpu.memory_space<vmem_shared>>)
      tpu.yield
    }) : () -> ()
    %barrier3A = arith.constant 0 : index
    tpu.barrier barrier_id(%barrier3A)
    %mul3A_17 = arith.constant 10000 : i32
    %mul3A_18 = arith.muli %add3A, %mul3A_17 : i32
    %add3A_19 = arith.constant 0 : i32
    %add3A_20 = arith.addi %mul3A_18, %add3A_19 : i32
    %mul3A_21 = arith.constant 5000 : i32
    %mul3A_22 = arith.muli %add3A, %mul3A_21 : i32
    %add3A_23 = arith.constant 0 : i32
    %add3A_24 = arith.addi %mul3A_22, %add3A_23 : i32
    %multiple_of3A = tpu.assume_multiple %add3A_24, 8 : i32
    %dma_start3A = tpu.memref_slice %arg5[%add3A_20] : memref<320000xi32, #tpu.memory_space<hbm>> -> memref<80xi32, #tpu.memory_space<hbm>>
    %dma_start3A_25 = tpu.memref_slice %arg5[%add3A_20] : memref<320000xi32, #tpu.memory_space<hbm>> -> memref<80xi32, #tpu.memory_space<hbm>>
    tpu.enqueue_dma source(%dma_start3A_25 : memref<80xi32, #tpu.memory_space<hbm>>) target(%arg9 : memref<80xi32, #tpu.memory_space<vmem>>) target_semaphore(%arg23 : memref<!tpu.dma_semaphore, #tpu.memory_space<semaphore_mem>>)
    %dma_start3A_26 = tpu.memref_slice %arg6[%add3A_20] : memref<320000xi32, #tpu.memory_space<hbm>> -> memref<80xi32, #tpu.memory_space<hbm>>
    %dma_start3A_27 = tpu.memref_slice %arg6[%add3A_20] : memref<320000xi32, #tpu.memory_space<hbm>> -> memref<80xi32, #tpu.memory_space<hbm>>
    tpu.enqueue_dma source(%dma_start3A_27 : memref<80xi32, #tpu.memory_space<hbm>>) target(%arg10 : memref<80xi32, #tpu.memory_space<vmem>>) target_semaphore(%arg24 : memref<!tpu.dma_semaphore, #tpu.memory_space<semaphore_mem>>)
    %dma_start3A_28 = arith.constant 0 : i32
    %dma_start3A_29 = tpu.memref_slice %arg3[%multiple_of3A, %dma_start3A_28] : memref<160000x128xf32, #tpu.memory_space<hbm>> -> memref<40x128xf32, #tpu.memory_space<hbm>>
    %dma_start3A_30 = arith.constant 0 : i32
    %dma_start3A_31 = tpu.memref_slice %arg3[%multiple_of3A, %dma_start3A_30] : memref<160000x128xf32, #tpu.memory_space<hbm>> -> memref<40x128xf32, #tpu.memory_space<hbm>>
    tpu.enqueue_dma source(%dma_start3A_31 : memref<40x128xf32, #tpu.memory_space<hbm>>) target(%arg11 : memref<40x128xf32, #tpu.memory_space<vmem>>) target_semaphore(%arg25 : memref<!tpu.dma_semaphore, #tpu.memory_space<semaphore_mem>>)
    %dma_start3A_32 = arith.constant 0 : i32
    %dma_start3A_33 = tpu.memref_slice %arg4[%multiple_of3A, %dma_start3A_32] : memref<160000x128xf32, #tpu.memory_space<hbm>> -> memref<40x128xf32, #tpu.memory_space<hbm>>
    %dma_start3A_34 = arith.constant 0 : i32
    %dma_start3A_35 = tpu.memref_slice %arg4[%multiple_of3A, %dma_start3A_34] : memref<160000x128xf32, #tpu.memory_space<hbm>> -> memref<40x128xf32, #tpu.memory_space<hbm>>
    tpu.enqueue_dma source(%dma_start3A_35 : memref<40x128xf32, #tpu.memory_space<hbm>>) target(%arg12 : memref<40x128xf32, #tpu.memory_space<vmem>>) target_semaphore(%arg26 : memref<!tpu.dma_semaphore, #tpu.memory_space<semaphore_mem>>)
    %scan3A_36 = arith.constant 0 : i32
    %scan3A_37 = arith.constant 62 : i32
    %scan3A_38 = arith.addi %scan3A_36, %scan3A_37 : i32
    %scan3A_39 = arith.constant 1 : i32
    scf.for %scan3A_215 = %scan3A_36 to %scan3A_38 step %scan3A_39  : i32 {
      %mul3A_216 = arith.constant 2 : i32
      %mul3A_217 = arith.muli %scan3A_215, %mul3A_216 : i32
      %add3A_218 = arith.constant 0 : i32
      %add3A_219 = arith.addi %add3A_218, %mul3A_217 : i32
      %dma_wait3A_220 = arith.constant 0 : i32
      %dma_wait3A_221 = tpu.memref_slice %arg5[%dma_wait3A_220] : memref<320000xi32, #tpu.memory_space<hbm>> -> memref<80xi32, #tpu.memory_space<hbm>>
      %dma_wait3A_222 = arith.constant 0 : i32
      %dma_wait3A_223 = tpu.memref_slice %arg5[%dma_wait3A_222] : memref<320000xi32, #tpu.memory_space<hbm>> -> memref<80xi32, #tpu.memory_space<hbm>>
      tpu.wait_dma2 semaphore(%arg23 : memref<!tpu.dma_semaphore, #tpu.memory_space<semaphore_mem>>) src(%dma_wait3A_223 : memref<80xi32, #tpu.memory_space<hbm>>) dst(%arg9 : memref<80xi32, #tpu.memory_space<vmem>>)
      %dma_wait3A_224 = arith.constant 0 : i32
      %dma_wait3A_225 = tpu.memref_slice %arg6[%dma_wait3A_224] : memref<320000xi32, #tpu.memory_space<hbm>> -> memref<80xi32, #tpu.memory_space<hbm>>
      %dma_wait3A_226 = arith.constant 0 : i32
      %dma_wait3A_227 = tpu.memref_slice %arg6[%dma_wait3A_226] : memref<320000xi32, #tpu.memory_space<hbm>> -> memref<80xi32, #tpu.memory_space<hbm>>
      tpu.wait_dma2 semaphore(%arg24 : memref<!tpu.dma_semaphore, #tpu.memory_space<semaphore_mem>>) src(%dma_wait3A_227 : memref<80xi32, #tpu.memory_space<hbm>>) dst(%arg10 : memref<80xi32, #tpu.memory_space<vmem>>)
      %dma_start3A_228 = arith.constant 0 : i32
      %dma_start3A_229 = arith.constant 0 : i32
      %dma_start3A_230 = tpu.memref_slice %arg2[%dma_start3A_228, %dma_start3A_229] : memref<10000x128xf32, #tpu.memory_space<hbm>> -> memref<10000x128xf32, #tpu.memory_space<hbm>>
      tpu.enqueue_indirect_dma source(%dma_start3A_230 : memref<10000x128xf32, #tpu.memory_space<hbm>>) target(%arg18 : memref<80x128xf32, #tpu.memory_space<vmem>>) offsets(%arg9 : memref<80xi32, #tpu.memory_space<vmem>>) semaphore(%arg22 : memref<!tpu.dma_semaphore, #tpu.memory_space<semaphore_mem>>)
      %dma_wait3A_231 = arith.constant 0 : i32
      %dma_wait3A_232 = arith.constant 0 : i32
      %dma_wait3A_233 = tpu.memref_slice %arg3[%dma_wait3A_231, %dma_wait3A_232] : memref<160000x128xf32, #tpu.memory_space<hbm>> -> memref<40x128xf32, #tpu.memory_space<hbm>>
      %dma_wait3A_234 = arith.constant 0 : i32
      %dma_wait3A_235 = arith.constant 0 : i32
      %dma_wait3A_236 = tpu.memref_slice %arg3[%dma_wait3A_234, %dma_wait3A_235] : memref<160000x128xf32, #tpu.memory_space<hbm>> -> memref<40x128xf32, #tpu.memory_space<hbm>>
      tpu.wait_dma2 semaphore(%arg25 : memref<!tpu.dma_semaphore, #tpu.memory_space<semaphore_mem>>) src(%dma_wait3A_236 : memref<40x128xf32, #tpu.memory_space<hbm>>) dst(%arg11 : memref<40x128xf32, #tpu.memory_space<vmem>>)
      %dma_wait3A_237 = arith.constant 0 : i32
      %dma_wait3A_238 = arith.constant 0 : i32
      %dma_wait3A_239 = tpu.memref_slice %arg4[%dma_wait3A_237, %dma_wait3A_238] : memref<160000x128xf32, #tpu.memory_space<hbm>> -> memref<40x128xf32, #tpu.memory_space<hbm>>
      %dma_wait3A_240 = arith.constant 0 : i32
      %dma_wait3A_241 = arith.constant 0 : i32
      %dma_wait3A_242 = tpu.memref_slice %arg4[%dma_wait3A_240, %dma_wait3A_241] : memref<160000x128xf32, #tpu.memory_space<hbm>> -> memref<40x128xf32, #tpu.memory_space<hbm>>
      tpu.wait_dma2 semaphore(%arg26 : memref<!tpu.dma_semaphore, #tpu.memory_space<semaphore_mem>>) src(%dma_wait3A_242 : memref<40x128xf32, #tpu.memory_space<hbm>>) dst(%arg12 : memref<40x128xf32, #tpu.memory_space<vmem>>)
      %add3A_243 = arith.constant 1 : i32
      %add3A_244 = arith.addi %add3A_219, %add3A_243 : i32
      %min3A_245 = arith.constant 124 : i32
      %min3A_246 = arith.minsi %add3A_244, %min3A_245 : i32
      %mul3A_247 = arith.constant 10000 : i32
      %mul3A_248 = arith.muli %add3A, %mul3A_247 : i32
      %mul3A_249 = arith.constant 80 : i32
      %mul3A_250 = arith.muli %min3A_246, %mul3A_249 : i32
      %add3A_251 = arith.addi %mul3A_248, %mul3A_250 : i32
      %mul3A_252 = arith.constant 5000 : i32
      %mul3A_253 = arith.muli %add3A, %mul3A_252 : i32
      %mul3A_254 = arith.constant 40 : i32
      %mul3A_255 = arith.muli %min3A_246, %mul3A_254 : i32
      %add3A_256 = arith.addi %mul3A_253, %mul3A_255 : i32
      %multiple_of3A_257 = tpu.assume_multiple %add3A_256, 8 : i32
      %dma_start3A_258 = tpu.memref_slice %arg5[%add3A_251] : memref<320000xi32, #tpu.memory_space<hbm>> -> memref<80xi32, #tpu.memory_space<hbm>>
      %dma_start3A_259 = tpu.memref_slice %arg5[%add3A_251] : memref<320000xi32, #tpu.memory_space<hbm>> -> memref<80xi32, #tpu.memory_space<hbm>>
      tpu.enqueue_dma source(%dma_start3A_259 : memref<80xi32, #tpu.memory_space<hbm>>) target(%arg13 : memref<80xi32, #tpu.memory_space<vmem>>) target_semaphore(%arg23 : memref<!tpu.dma_semaphore, #tpu.memory_space<semaphore_mem>>)
      %dma_start3A_260 = tpu.memref_slice %arg6[%add3A_251] : memref<320000xi32, #tpu.memory_space<hbm>> -> memref<80xi32, #tpu.memory_space<hbm>>
      %dma_start3A_261 = tpu.memref_slice %arg6[%add3A_251] : memref<320000xi32, #tpu.memory_space<hbm>> -> memref<80xi32, #tpu.memory_space<hbm>>
      tpu.enqueue_dma source(%dma_start3A_261 : memref<80xi32, #tpu.memory_space<hbm>>) target(%arg14 : memref<80xi32, #tpu.memory_space<vmem>>) target_semaphore(%arg24 : memref<!tpu.dma_semaphore, #tpu.memory_space<semaphore_mem>>)
      %dma_start3A_262 = arith.constant 0 : i32
      %dma_start3A_263 = tpu.memref_slice %arg3[%multiple_of3A_257, %dma_start3A_262] : memref<160000x128xf32, #tpu.memory_space<hbm>> -> memref<40x128xf32, #tpu.memory_space<hbm>>
      %dma_start3A_264 = arith.constant 0 : i32
      %dma_start3A_265 = tpu.memref_slice %arg3[%multiple_of3A_257, %dma_start3A_264] : memref<160000x128xf32, #tpu.memory_space<hbm>> -> memref<40x128xf32, #tpu.memory_space<hbm>>
      tpu.enqueue_dma source(%dma_start3A_265 : memref<40x128xf32, #tpu.memory_space<hbm>>) target(%arg15 : memref<40x128xf32, #tpu.memory_space<vmem>>) target_semaphore(%arg25 : memref<!tpu.dma_semaphore, #tpu.memory_space<semaphore_mem>>)
      %dma_start3A_266 = arith.constant 0 : i32
      %dma_start3A_267 = tpu.memref_slice %arg4[%multiple_of3A_257, %dma_start3A_266] : memref<160000x128xf32, #tpu.memory_space<hbm>> -> memref<40x128xf32, #tpu.memory_space<hbm>>
      %dma_start3A_268 = arith.constant 0 : i32
      %dma_start3A_269 = tpu.memref_slice %arg4[%multiple_of3A_257, %dma_start3A_268] : memref<160000x128xf32, #tpu.memory_space<hbm>> -> memref<40x128xf32, #tpu.memory_space<hbm>>
      tpu.enqueue_dma source(%dma_start3A_269 : memref<40x128xf32, #tpu.memory_space<hbm>>) target(%arg16 : memref<40x128xf32, #tpu.memory_space<vmem>>) target_semaphore(%arg26 : memref<!tpu.dma_semaphore, #tpu.memory_space<semaphore_mem>>)
      %dma_wait3A_270 = arith.constant 0 : i32
      %dma_wait3A_271 = arith.constant 0 : i32
      %dma_wait3A_272 = tpu.memref_slice %arg2[%dma_wait3A_270, %dma_wait3A_271] : memref<10000x128xf32, #tpu.memory_space<hbm>> -> memref<10000x128xf32, #tpu.memory_space<hbm>>
      tpu.wait_indirect_dma semaphore(%arg22 : memref<!tpu.dma_semaphore, #tpu.memory_space<semaphore_mem>>) src(%dma_wait3A_272 : memref<10000x128xf32, #tpu.memory_space<hbm>>) dst(%arg18 : memref<80x128xf32, #tpu.memory_space<vmem>>)
      %scan3A_273 = arith.constant 0 : i32
      %scan3A_274 = arith.constant 40 : i32
      %scan3A_275 = arith.addi %scan3A_273, %scan3A_274 : i32
      %scan3A_276 = arith.constant 1 : i32
      scf.for %scan3A_530 = %scan3A_273 to %scan3A_275 step %scan3A_276  : i32 {
        %mul3A_531 = arith.constant 1 : i32
        %mul3A_532 = arith.muli %scan3A_530, %mul3A_531 : i32
        %add3A_533 = arith.constant 0 : i32
        %add3A_534 = arith.addi %add3A_533, %mul3A_532 : i32
        %mul3A_535 = arith.constant 2 : i32
        %mul3A_536 = arith.muli %mul3A_535, %add3A_534 : i32
        %get3A_537 = arith.index_cast %mul3A_536 : i32 to index
        %get3A_538 = arith.constant 0 : index
        %get3A_539 = tpu.vector_load %arg18[%get3A_537, %get3A_538] {strides = array<i32>} : memref<80x128xf32, #tpu.memory_space<vmem>>, vector<16xf32>,
        %mul3A_540 = arith.constant 2 : i32
        %mul3A_541 = arith.muli %mul3A_540, %add3A_534 : i32
        %get3A_542 = arith.index_cast %mul3A_541 : i32 to index
        %get3A_543 = arith.constant 16 : index
        %get3A_544 = tpu.vector_load %arg18[%get3A_542, %get3A_543] {strides = array<i32>} : memref<80x128xf32, #tpu.memory_space<vmem>>, vector<16xf32>,
        %mul3A_545 = arith.constant 2 : i32
        %mul3A_546 = arith.muli %mul3A_545, %add3A_534 : i32
        %get3A_547 = arith.index_cast %mul3A_546 : i32 to index
        %get3A_548 = arith.constant 32 : index
        %get3A_549 = tpu.vector_load %arg18[%get3A_547, %get3A_548] {strides = array<i32>} : memref<80x128xf32, #tpu.memory_space<vmem>>, vector<16xf32>,
        %mul3A_550 = arith.constant 2 : i32
        %mul3A_551 = arith.muli %mul3A_550, %add3A_534 : i32
        %get3A_552 = arith.index_cast %mul3A_551 : i32 to index
        %get3A_553 = arith.constant 48 : index
        %get3A_554 = tpu.vector_load %arg18[%get3A_552, %get3A_553] {strides = array<i32>} : memref<80x128xf32, #tpu.memory_space<vmem>>, vector<16xf32>,
        %mul3A_555 = arith.constant 2 : i32
        %mul3A_556 = arith.muli %mul3A_555, %add3A_534 : i32
        %get3A_557 = arith.index_cast %mul3A_556 : i32 to index
        %get3A_558 = arith.constant 64 : index
        %get3A_559 = tpu.vector_load %arg18[%get3A_557, %get3A_558] {strides = array<i32>} : memref<80x128xf32, #tpu.memory_space<vmem>>, vector<16xf32>,
        %mul3A_560 = arith.constant 2 : i32
        %mul3A_561 = arith.muli %mul3A_560, %add3A_534 : i32
        %get3A_562 = arith.index_cast %mul3A_561 : i32 to index
        %get3A_563 = arith.constant 80 : index
        %get3A_564 = tpu.vector_load %arg18[%get3A_562, %get3A_563] {strides = array<i32>} : memref<80x128xf32, #tpu.memory_space<vmem>>, vector<16xf32>,
        %mul3A_565 = arith.constant 2 : i32
        %mul3A_566 = arith.muli %mul3A_565, %add3A_534 : i32
        %get3A_567 = arith.index_cast %mul3A_566 : i32 to index
        %get3A_568 = arith.constant 96 : index
        %get3A_569 = tpu.vector_load %arg18[%get3A_567, %get3A_568] {strides = array<i32>} : memref<80x128xf32, #tpu.memory_space<vmem>>, vector<16xf32>,
        %mul3A_570 = arith.constant 2 : i32
        %mul3A_571 = arith.muli %mul3A_570, %add3A_534 : i32
        %get3A_572 = arith.index_cast %mul3A_571 : i32 to index
        %get3A_573 = arith.constant 112 : index
        %get3A_574 = tpu.vector_load %arg18[%get3A_572, %get3A_573] {strides = array<i32>} : memref<80x128xf32, #tpu.memory_space<vmem>>, vector<16xf32>,
        %mul3A_575 = arith.constant 2 : i32
        %mul3A_576 = arith.muli %mul3A_575, %add3A_534 : i32
        %add3A_577 = arith.constant 1 : i32
        %add3A_578 = arith.addi %mul3A_576, %add3A_577 : i32
        %get3A_579 = arith.index_cast %add3A_578 : i32 to index
        %get3A_580 = arith.constant 0 : index
        %get3A_581 = tpu.vector_load %arg18[%get3A_579, %get3A_580] {strides = array<i32>} : memref<80x128xf32, #tpu.memory_space<vmem>>, vector<16xf32>,
        %mul3A_582 = arith.constant 2 : i32
        %mul3A_583 = arith.muli %mul3A_582, %add3A_534 : i32
        %add3A_584 = arith.constant 1 : i32
        %add3A_585 = arith.addi %mul3A_583, %add3A_584 : i32
        %get3A_586 = arith.index_cast %add3A_585 : i32 to index
        %get3A_587 = arith.constant 16 : index
        %get3A_588 = tpu.vector_load %arg18[%get3A_586, %get3A_587] {strides = array<i32>} : memref<80x128xf32, #tpu.memory_space<vmem>>, vector<16xf32>,
        %mul3A_589 = arith.constant 2 : i32
        %mul3A_590 = arith.muli %mul3A_589, %add3A_534 : i32
        %add3A_591 = arith.constant 1 : i32
        %add3A_592 = arith.addi %mul3A_590, %add3A_591 : i32
        %get3A_593 = arith.index_cast %add3A_592 : i32 to index
        %get3A_594 = arith.constant 32 : index
        %get3A_595 = tpu.vector_load %arg18[%get3A_593, %get3A_594] {strides = array<i32>} : memref<80x128xf32, #tpu.memory_space<vmem>>, vector<16xf32>,
        %mul3A_596 = arith.constant 2 : i32
        %mul3A_597 = arith.muli %mul3A_596, %add3A_534 : i32
        %add3A_598 = arith.constant 1 : i32
        %add3A_599 = arith.addi %mul3A_597, %add3A_598 : i32
        %get3A_600 = arith.index_cast %add3A_599 : i32 to index
        %get3A_601 = arith.constant 48 : index
        %get3A_602 = tpu.vector_load %arg18[%get3A_600, %get3A_601] {strides = array<i32>} : memref<80x128xf32, #tpu.memory_space<vmem>>, vector<16xf32>,
        %mul3A_603 = arith.constant 2 : i32
        %mul3A_604 = arith.muli %mul3A_603, %add3A_534 : i32
        %add3A_605 = arith.constant 1 : i32
        %add3A_606 = arith.addi %mul3A_604, %add3A_605 : i32
        %get3A_607 = arith.index_cast %add3A_606 : i32 to index
        %get3A_608 = arith.constant 64 : index
        %get3A_609 = tpu.vector_load %arg18[%get3A_607, %get3A_608] {strides = array<i32>} : memref<80x128xf32, #tpu.memory_space<vmem>>, vector<16xf32>,
        %mul3A_610 = arith.constant 2 : i32
        %mul3A_611 = arith.muli %mul3A_610, %add3A_534 : i32
        %add3A_612 = arith.constant 1 : i32
        %add3A_613 = arith.addi %mul3A_611, %add3A_612 : i32
        %get3A_614 = arith.index_cast %add3A_613 : i32 to index
        %get3A_615 = arith.constant 80 : index
        %get3A_616 = tpu.vector_load %arg18[%get3A_614, %get3A_615] {strides = array<i32>} : memref<80x128xf32, #tpu.memory_space<vmem>>, vector<16xf32>,
        %mul3A_617 = arith.constant 2 : i32
        %mul3A_618 = arith.muli %mul3A_617, %add3A_534 : i32
        %add3A_619 = arith.constant 1 : i32
        %add3A_620 = arith.addi %mul3A_618, %add3A_619 : i32
        %get3A_621 = arith.index_cast %add3A_620 : i32 to index
        %get3A_622 = arith.constant 96 : index
        %get3A_623 = tpu.vector_load %arg18[%get3A_621, %get3A_622] {strides = array<i32>} : memref<80x128xf32, #tpu.memory_space<vmem>>, vector<16xf32>,
        %mul3A_624 = arith.constant 2 : i32
        %mul3A_625 = arith.muli %mul3A_624, %add3A_534 : i32
        %add3A_626 = arith.constant 1 : i32
        %add3A_627 = arith.addi %mul3A_625, %add3A_626 : i32
        %get3A_628 = arith.index_cast %add3A_627 : i32 to index
        %get3A_629 = arith.constant 112 : index
        %get3A_630 = tpu.vector_load %arg18[%get3A_628, %get3A_629] {strides = array<i32>} : memref<80x128xf32, #tpu.memory_space<vmem>>, vector<16xf32>,
        %get3A_631 = arith.index_cast %add3A_534 : i32 to index
        %get3A_632 = arith.constant 0 : index
        %get3A_633 = tpu.vector_load %arg11[%get3A_631, %get3A_632] {strides = array<i32>} : memref<40x128xf32, #tpu.memory_space<vmem>>, vector<16xf32>,
        %get3A_634 = arith.index_cast %add3A_534 : i32 to index
        %get3A_635 = arith.constant 16 : index
        %get3A_636 = tpu.vector_load %arg11[%get3A_634, %get3A_635] {strides = array<i32>} : memref<40x128xf32, #tpu.memory_space<vmem>>, vector<16xf32>,
        %get3A_637 = arith.index_cast %add3A_534 : i32 to index
        %get3A_638 = arith.constant 32 : index
        %get3A_639 = tpu.vector_load %arg11[%get3A_637, %get3A_638] {strides = array<i32>} : memref<40x128xf32, #tpu.memory_space<vmem>>, vector<16xf32>,
        %get3A_640 = arith.index_cast %add3A_534 : i32 to index
        %get3A_641 = arith.constant 48 : index
        %get3A_642 = tpu.vector_load %arg11[%get3A_640, %get3A_641] {strides = array<i32>} : memref<40x128xf32, #tpu.memory_space<vmem>>, vector<16xf32>,
        %get3A_643 = arith.index_cast %add3A_534 : i32 to index
        %get3A_644 = arith.constant 64 : index
        %get3A_645 = tpu.vector_load %arg11[%get3A_643, %get3A_644] {strides = array<i32>} : memref<40x128xf32, #tpu.memory_space<vmem>>, vector<16xf32>,
        %get3A_646 = arith.index_cast %add3A_534 : i32 to index
        %get3A_647 = arith.constant 80 : index
        %get3A_648 = tpu.vector_load %arg11[%get3A_646, %get3A_647] {strides = array<i32>} : memref<40x128xf32, #tpu.memory_space<vmem>>, vector<16xf32>,
        %get3A_649 = arith.index_cast %add3A_534 : i32 to index
        %get3A_650 = arith.constant 96 : index
        %get3A_651 = tpu.vector_load %arg11[%get3A_649, %get3A_650] {strides = array<i32>} : memref<40x128xf32, #tpu.memory_space<vmem>>, vector<16xf32>,
        %get3A_652 = arith.index_cast %add3A_534 : i32 to index
        %get3A_653 = arith.constant 112 : index
        %get3A_654 = tpu.vector_load %arg11[%get3A_652, %get3A_653] {strides = array<i32>} : memref<40x128xf32, #tpu.memory_space<vmem>>, vector<16xf32>,
        %get3A_655 = arith.index_cast %add3A_534 : i32 to index
        %get3A_656 = arith.constant 0 : index
        %get3A_657 = tpu.vector_load %arg12[%get3A_655, %get3A_656] {strides = array<i32>} : memref<40x128xf32, #tpu.memory_space<vmem>>, vector<16xf32>,
        %get3A_658 = arith.index_cast %add3A_534 : i32 to index
        %get3A_659 = arith.constant 16 : index
        %get3A_660 = tpu.vector_load %arg12[%get3A_658, %get3A_659] {strides = array<i32>} : memref<40x128xf32, #tpu.memory_space<vmem>>, vector<16xf32>,
        %get3A_661 = arith.index_cast %add3A_534 : i32 to index
        %get3A_662 = arith.constant 32 : index
        %get3A_663 = tpu.vector_load %arg12[%get3A_661, %get3A_662] {strides = array<i32>} : memref<40x128xf32, #tpu.memory_space<vmem>>, vector<16xf32>,
        %get3A_664 = arith.index_cast %add3A_534 : i32 to index
        %get3A_665 = arith.constant 48 : index
        %get3A_666 = tpu.vector_load %arg12[%get3A_664, %get3A_665] {strides = array<i32>} : memref<40x128xf32, #tpu.memory_space<vmem>>, vector<16xf32>,
        %get3A_667 = arith.index_cast %add3A_534 : i32 to index
        %get3A_668 = arith.constant 64 : index
        %get3A_669 = tpu.vector_load %arg12[%get3A_667, %get3A_668] {strides = array<i32>} : memref<40x128xf32, #tpu.memory_space<vmem>>, vector<16xf32>,
        %get3A_670 = arith.index_cast %add3A_534 : i32 to index
        %get3A_671 = arith.constant 80 : index
        %get3A_672 = tpu.vector_load %arg12[%get3A_670, %get3A_671] {strides = array<i32>} : memref<40x128xf32, #tpu.memory_space<vmem>>, vector<16xf32>,
        %get3A_673 = arith.index_cast %add3A_534 : i32 to index
        %get3A_674 = arith.constant 96 : index
        %get3A_675 = tpu.vector_load %arg12[%get3A_673, %get3A_674] {strides = array<i32>} : memref<40x128xf32, #tpu.memory_space<vmem>>, vector<16xf32>,
        %get3A_676 = arith.index_cast %add3A_534 : i32 to index
        %get3A_677 = arith.constant 112 : index
        %get3A_678 = tpu.vector_load %arg12[%get3A_676, %get3A_677] {strides = array<i32>} : memref<40x128xf32, #tpu.memory_space<vmem>>, vector<16xf32>,
        %add3A_679 = arith.addf %get3A_539, %get3A_633 : vector<16xf32>
        %max3A = arith.constant 0.000000e+00 : f32
        %max3A_680 = vector.broadcast %max3A : f32 to vector<16xf32>
        %max3A_681 = arith.maximumf %add3A_679, %max3A_680 : vector<16xf32>
        %mul3A_682 = arith.constant 2 : i32
        %mul3A_683 = arith.muli %mul3A_682, %add3A_534 : i32
        %swap3A_684 = arith.index_cast %mul3A_683 : i32 to index
        %swap3A_685 = arith.constant 0 : index
        %swap3A_686 = tpu.vector_load %arg18[%swap3A_684, %swap3A_685] {strides = array<i32>} : memref<80x128xf32, #tpu.memory_space<vmem>>, vector<16xf32>,
        tpu.vector_store %arg18[%swap3A_684, %swap3A_685], %max3A_681 {strides = array<i32>} : memref<80x128xf32, #tpu.memory_space<vmem>>, vector<16xf32>,
        %add3A_687 = arith.addf %get3A_544, %get3A_636 : vector<16xf32>
        %max3A_688 = arith.constant 0.000000e+00 : f32
        %max3A_689 = vector.broadcast %max3A_688 : f32 to vector<16xf32>
        %max3A_690 = arith.maximumf %add3A_687, %max3A_689 : vector<16xf32>
        %mul3A_691 = arith.constant 2 : i32
        %mul3A_692 = arith.muli %mul3A_691, %add3A_534 : i32
        %swap3A_693 = arith.index_cast %mul3A_692 : i32 to index
        %swap3A_694 = arith.constant 16 : index
        %swap3A_695 = tpu.vector_load %arg18[%swap3A_693, %swap3A_694] {strides = array<i32>} : memref<80x128xf32, #tpu.memory_space<vmem>>, vector<16xf32>,
        tpu.vector_store %arg18[%swap3A_693, %swap3A_694], %max3A_690 {strides = array<i32>} : memref<80x128xf32, #tpu.memory_space<vmem>>, vector<16xf32>,
        %add3A_696 = arith.addf %get3A_549, %get3A_639 : vector<16xf32>
        %max3A_697 = arith.constant 0.000000e+00 : f32
        %max3A_698 = vector.broadcast %max3A_697 : f32 to vector<16xf32>
        %max3A_699 = arith.maximumf %add3A_696, %max3A_698 : vector<16xf32>
        %mul3A_700 = arith.constant 2 : i32
        %mul3A_701 = arith.muli %mul3A_700, %add3A_534 : i32
        %swap3A_702 = arith.index_cast %mul3A_701 : i32 to index
        %swap3A_703 = arith.constant 32 : index
        %swap3A_704 = tpu.vector_load %arg18[%swap3A_702, %swap3A_703] {strides = array<i32>} : memref<80x128xf32, #tpu.memory_space<vmem>>, vector<16xf32>,
        tpu.vector_store %arg18[%swap3A_702, %swap3A_703], %max3A_699 {strides = array<i32>} : memref<80x128xf32, #tpu.memory_space<vmem>>, vector<16xf32>,
        %add3A_705 = arith.addf %get3A_554, %get3A_642 : vector<16xf32>
        %max3A_706 = arith.constant 0.000000e+00 : f32
        %max3A_707 = vector.broadcast %max3A_706 : f32 to vector<16xf32>
        %max3A_708 = arith.maximumf %add3A_705, %max3A_707 : vector<16xf32>
        %mul3A_709 = arith.constant 2 : i32
        %mul3A_710 = arith.muli %mul3A_709, %add3A_534 : i32
        %swap3A_711 = arith.index_cast %mul3A_710 : i32 to index
        %swap3A_712 = arith.constant 48 : index
        %swap3A_713 = tpu.vector_load %arg18[%swap3A_711, %swap3A_712] {strides = array<i32>} : memref<80x128xf32, #tpu.memory_space<vmem>>, vector<16xf32>,
        tpu.vector_store %arg18[%swap3A_711, %swap3A_712], %max3A_708 {strides = array<i32>} : memref<80x128xf32, #tpu.memory_space<vmem>>, vector<16xf32>,
        %add3A_714 = arith.addf %get3A_559, %get3A_645 : vector<16xf32>
        %max3A_715 = arith.constant 0.000000e+00 : f32
        %max3A_716 = vector.broadcast %max3A_715 : f32 to vector<16xf32>
        %max3A_717 = arith.maximumf %add3A_714, %max3A_716 : vector<16xf32>
        %mul3A_718 = arith.constant 2 : i32
        %mul3A_719 = arith.muli %mul3A_718, %add3A_534 : i32
        %swap3A_720 = arith.index_cast %mul3A_719 : i32 to index
        %swap3A_721 = arith.constant 64 : index
        %swap3A_722 = tpu.vector_load %arg18[%swap3A_720, %swap3A_721] {strides = array<i32>} : memref<80x128xf32, #tpu.memory_space<vmem>>, vector<16xf32>,
        tpu.vector_store %arg18[%swap3A_720, %swap3A_721], %max3A_717 {strides = array<i32>} : memref<80x128xf32, #tpu.memory_space<vmem>>, vector<16xf32>,
        %add3A_723 = arith.addf %get3A_564, %get3A_648 : vector<16xf32>
        %max3A_724 = arith.constant 0.000000e+00 : f32
        %max3A_725 = vector.broadcast %max3A_724 : f32 to vector<16xf32>
        %max3A_726 = arith.maximumf %add3A_723, %max3A_725 : vector<16xf32>
        %mul3A_727 = arith.constant 2 : i32
        %mul3A_728 = arith.muli %mul3A_727, %add3A_534 : i32
        %swap3A_729 = arith.index_cast %mul3A_728 : i32 to index
        %swap3A_730 = arith.constant 80 : index
        %swap3A_731 = tpu.vector_load %arg18[%swap3A_729, %swap3A_730] {strides = array<i32>} : memref<80x128xf32, #tpu.memory_space<vmem>>, vector<16xf32>,
        tpu.vector_store %arg18[%swap3A_729, %swap3A_730], %max3A_726 {strides = array<i32>} : memref<80x128xf32, #tpu.memory_space<vmem>>, vector<16xf32>,
        %add3A_732 = arith.addf %get3A_569, %get3A_651 : vector<16xf32>
        %max3A_733 = arith.constant 0.000000e+00 : f32
        %max3A_734 = vector.broadcast %max3A_733 : f32 to vector<16xf32>
        %max3A_735 = arith.maximumf %add3A_732, %max3A_734 : vector<16xf32>
        %mul3A_736 = arith.constant 2 : i32
        %mul3A_737 = arith.muli %mul3A_736, %add3A_534 : i32
        %swap3A_738 = arith.index_cast %mul3A_737 : i32 to index
        %swap3A_739 = arith.constant 96 : index
        %swap3A_740 = tpu.vector_load %arg18[%swap3A_738, %swap3A_739] {strides = array<i32>} : memref<80x128xf32, #tpu.memory_space<vmem>>, vector<16xf32>,
        tpu.vector_store %arg18[%swap3A_738, %swap3A_739], %max3A_735 {strides = array<i32>} : memref<80x128xf32, #tpu.memory_space<vmem>>, vector<16xf32>,
        %add3A_741 = arith.addf %get3A_574, %get3A_654 : vector<16xf32>
        %max3A_742 = arith.constant 0.000000e+00 : f32
        %max3A_743 = vector.broadcast %max3A_742 : f32 to vector<16xf32>
        %max3A_744 = arith.maximumf %add3A_741, %max3A_743 : vector<16xf32>
        %mul3A_745 = arith.constant 2 : i32
        %mul3A_746 = arith.muli %mul3A_745, %add3A_534 : i32
        %swap3A_747 = arith.index_cast %mul3A_746 : i32 to index
        %swap3A_748 = arith.constant 112 : index
        %swap3A_749 = tpu.vector_load %arg18[%swap3A_747, %swap3A_748] {strides = array<i32>} : memref<80x128xf32, #tpu.memory_space<vmem>>, vector<16xf32>,
        tpu.vector_store %arg18[%swap3A_747, %swap3A_748], %max3A_744 {strides = array<i32>} : memref<80x128xf32, #tpu.memory_space<vmem>>, vector<16xf32>,
        %add3A_750 = arith.addf %get3A_581, %get3A_657 : vector<16xf32>
        %max3A_751 = arith.constant 0.000000e+00 : f32
        %max3A_752 = vector.broadcast %max3A_751 : f32 to vector<16xf32>
        %max3A_753 = arith.maximumf %add3A_750, %max3A_752 : vector<16xf32>
        %mul3A_754 = arith.constant 2 : i32
        %mul3A_755 = arith.muli %mul3A_754, %add3A_534 : i32
        %add3A_756 = arith.constant 1 : i32
        %add3A_757 = arith.addi %mul3A_755, %add3A_756 : i32
        %swap3A_758 = arith.index_cast %add3A_757 : i32 to index
        %swap3A_759 = arith.constant 0 : index
        %swap3A_760 = tpu.vector_load %arg18[%swap3A_758, %swap3A_759] {strides = array<i32>} : memref<80x128xf32, #tpu.memory_space<vmem>>, vector<16xf32>,
        tpu.vector_store %arg18[%swap3A_758, %swap3A_759], %max3A_753 {strides = array<i32>} : memref<80x128xf32, #tpu.memory_space<vmem>>, vector<16xf32>,
        %add3A_761 = arith.addf %get3A_588, %get3A_660 : vector<16xf32>
        %max3A_762 = arith.constant 0.000000e+00 : f32
        %max3A_763 = vector.broadcast %max3A_762 : f32 to vector<16xf32>
        %max3A_764 = arith.maximumf %add3A_761, %max3A_763 : vector<16xf32>
        %mul3A_765 = arith.constant 2 : i32
        %mul3A_766 = arith.muli %mul3A_765, %add3A_534 : i32
        %add3A_767 = arith.constant 1 : i32
        %add3A_768 = arith.addi %mul3A_766, %add3A_767 : i32
        %swap3A_769 = arith.index_cast %add3A_768 : i32 to index
        %swap3A_770 = arith.constant 16 : index
        %swap3A_771 = tpu.vector_load %arg18[%swap3A_769, %swap3A_770] {strides = array<i32>} : memref<80x128xf32, #tpu.memory_space<vmem>>, vector<16xf32>,
        tpu.vector_store %arg18[%swap3A_769, %swap3A_770], %max3A_764 {strides = array<i32>} : memref<80x128xf32, #tpu.memory_space<vmem>>, vector<16xf32>,
        %add3A_772 = arith.addf %get3A_595, %get3A_663 : vector<16xf32>
        %max3A_773 = arith.constant 0.000000e+00 : f32
        %max3A_774 = vector.broadcast %max3A_773 : f32 to vector<16xf32>
        %max3A_775 = arith.maximumf %add3A_772, %max3A_774 : vector<16xf32>
        %mul3A_776 = arith.constant 2 : i32
        %mul3A_777 = arith.muli %mul3A_776, %add3A_534 : i32
        %add3A_778 = arith.constant 1 : i32
        %add3A_779 = arith.addi %mul3A_777, %add3A_778 : i32
        %swap3A_780 = arith.index_cast %add3A_779 : i32 to index
        %swap3A_781 = arith.constant 32 : index
        %swap3A_782 = tpu.vector_load %arg18[%swap3A_780, %swap3A_781] {strides = array<i32>} : memref<80x128xf32, #tpu.memory_space<vmem>>, vector<16xf32>,
        tpu.vector_store %arg18[%swap3A_780, %swap3A_781], %max3A_775 {strides = array<i32>} : memref<80x128xf32, #tpu.memory_space<vmem>>, vector<16xf32>,
        %add3A_783 = arith.addf %get3A_602, %get3A_666 : vector<16xf32>
        %max3A_784 = arith.constant 0.000000e+00 : f32
        %max3A_785 = vector.broadcast %max3A_784 : f32 to vector<16xf32>
        %max3A_786 = arith.maximumf %add3A_783, %max3A_785 : vector<16xf32>
        %mul3A_787 = arith.constant 2 : i32
        %mul3A_788 = arith.muli %mul3A_787, %add3A_534 : i32
        %add3A_789 = arith.constant 1 : i32
        %add3A_790 = arith.addi %mul3A_788, %add3A_789 : i32
        %swap3A_791 = arith.index_cast %add3A_790 : i32 to index
        %swap3A_792 = arith.constant 48 : index
        %swap3A_793 = tpu.vector_load %arg18[%swap3A_791, %swap3A_792] {strides = array<i32>} : memref<80x128xf32, #tpu.memory_space<vmem>>, vector<16xf32>,
        tpu.vector_store %arg18[%swap3A_791, %swap3A_792], %max3A_786 {strides = array<i32>} : memref<80x128xf32, #tpu.memory_space<vmem>>, vector<16xf32>,
        %add3A_794 = arith.addf %get3A_609, %get3A_669 : vector<16xf32>
        %max3A_795 = arith.constant 0.000000e+00 : f32
        %max3A_796 = vector.broadcast %max3A_795 : f32 to vector<16xf32>
        %max3A_797 = arith.maximumf %add3A_794, %max3A_796 : vector<16xf32>
        %mul3A_798 = arith.constant 2 : i32
        %mul3A_799 = arith.muli %mul3A_798, %add3A_534 : i32
        %add3A_800 = arith.constant 1 : i32
        %add3A_801 = arith.addi %mul3A_799, %add3A_800 : i32
        %swap3A_802 = arith.index_cast %add3A_801 : i32 to index
        %swap3A_803 = arith.constant 64 : index
        %swap3A_804 = tpu.vector_load %arg18[%swap3A_802, %swap3A_803] {strides = array<i32>} : memref<80x128xf32, #tpu.memory_space<vmem>>, vector<16xf32>,
        tpu.vector_store %arg18[%swap3A_802, %swap3A_803], %max3A_797 {strides = array<i32>} : memref<80x128xf32, #tpu.memory_space<vmem>>, vector<16xf32>,
        %add3A_805 = arith.addf %get3A_616, %get3A_672 : vector<16xf32>
        %max3A_806 = arith.constant 0.000000e+00 : f32
        %max3A_807 = vector.broadcast %max3A_806 : f32 to vector<16xf32>
        %max3A_808 = arith.maximumf %add3A_805, %max3A_807 : vector<16xf32>
        %mul3A_809 = arith.constant 2 : i32
        %mul3A_810 = arith.muli %mul3A_809, %add3A_534 : i32
        %add3A_811 = arith.constant 1 : i32
        %add3A_812 = arith.addi %mul3A_810, %add3A_811 : i32
        %swap3A_813 = arith.index_cast %add3A_812 : i32 to index
        %swap3A_814 = arith.constant 80 : index
        %swap3A_815 = tpu.vector_load %arg18[%swap3A_813, %swap3A_814] {strides = array<i32>} : memref<80x128xf32, #tpu.memory_space<vmem>>, vector<16xf32>,
        tpu.vector_store %arg18[%swap3A_813, %swap3A_814], %max3A_808 {strides = array<i32>} : memref<80x128xf32, #tpu.memory_space<vmem>>, vector<16xf32>,
        %add3A_816 = arith.addf %get3A_623, %get3A_675 : vector<16xf32>
        %max3A_817 = arith.constant 0.000000e+00 : f32
        %max3A_818 = vector.broadcast %max3A_817 : f32 to vector<16xf32>
        %max3A_819 = arith.maximumf %add3A_816, %max3A_818 : vector<16xf32>
        %mul3A_820 = arith.constant 2 : i32
        %mul3A_821 = arith.muli %mul3A_820, %add3A_534 : i32
        %add3A_822 = arith.constant 1 : i32
        %add3A_823 = arith.addi %mul3A_821, %add3A_822 : i32
        %swap3A_824 = arith.index_cast %add3A_823 : i32 to index
        %swap3A_825 = arith.constant 96 : index
        %swap3A_826 = tpu.vector_load %arg18[%swap3A_824, %swap3A_825] {strides = array<i32>} : memref<80x128xf32, #tpu.memory_space<vmem>>, vector<16xf32>,
        tpu.vector_store %arg18[%swap3A_824, %swap3A_825], %max3A_819 {strides = array<i32>} : memref<80x128xf32, #tpu.memory_space<vmem>>, vector<16xf32>,
        %add3A_827 = arith.addf %get3A_630, %get3A_678 : vector<16xf32>
        %max3A_828 = arith.constant 0.000000e+00 : f32
        %max3A_829 = vector.broadcast %max3A_828 : f32 to vector<16xf32>
        %max3A_830 = arith.maximumf %add3A_827, %max3A_829 : vector<16xf32>
        %mul3A_831 = arith.constant 2 : i32
        %mul3A_832 = arith.muli %mul3A_831, %add3A_534 : i32
        %add3A_833 = arith.constant 1 : i32
        %add3A_834 = arith.addi %mul3A_832, %add3A_833 : i32
        %swap3A_835 = arith.index_cast %add3A_834 : i32 to index
        %swap3A_836 = arith.constant 112 : index
        %swap3A_837 = tpu.vector_load %arg18[%swap3A_835, %swap3A_836] {strides = array<i32>} : memref<80x128xf32, #tpu.memory_space<vmem>>, vector<16xf32>,
        tpu.vector_store %arg18[%swap3A_835, %swap3A_836], %max3A_830 {strides = array<i32>} : memref<80x128xf32, #tpu.memory_space<vmem>>, vector<16xf32>,
      }
      %scan3A_277 = arith.constant 40 : i32
      %dma_start3A_278 = arith.constant 0 : i32
      %dma_start3A_279 = arith.constant 0 : i32
      %dma_start3A_280 = tpu.memref_slice %arg20[%dma_start3A_278, %dma_start3A_279] : memref<10240x128xf32, #tpu.memory_space<vmem_shared>> -> memref<10240x128xf32, #tpu.memory_space<vmem_shared>>
      tpu.enqueue_indirect_dma source(%arg18 : memref<80x128xf32, #tpu.memory_space<vmem>>) target(%dma_start3A_280 : memref<10240x128xf32, #tpu.memory_space<vmem_shared>>) offsets(%arg10 : memref<80xi32, #tpu.memory_space<vmem>>) semaphore(%arg27 : memref<!tpu.dma_semaphore, #tpu.memory_space<semaphore_mem>>) {add = true}
      %get3A_281 = arith.constant 0 : index
      %get3A_282 = tpu.vector_load %arg10[%get3A_281] {strides = array<i32>} : memref<80xi32, #tpu.memory_space<vmem>>, vector<16xi32>,
      %shift_right_logical3A_283 = arith.constant 3 : i32
      %shift_right_logical3A_284 = vector.broadcast %shift_right_logical3A_283 : i32 to vector<16xi32>
      %shift_right_logical3A_285 = arith.shrui %get3A_282, %shift_right_logical3A_284 : vector<16xi32>
      %swap3A_286 = arith.constant 0 : index
      %swap3A_287 = tpu.vector_load %arg17[%swap3A_286] {strides = array<i32>} : memref<16xi32, #tpu.memory_space<vmem>>, vector<16xi32>,
      tpu.vector_store %arg17[%swap3A_286], %shift_right_logical3A_285 {strides = array<i32>} : memref<16xi32, #tpu.memory_space<vmem>>, vector<16xi32>,
      %iota3A_288 = tpu.iota {dimensions = array<i32: 0>} : vector<16xi32>
      %and3A_289 = arith.constant 7 : i32
      %and3A_290 = vector.broadcast %and3A_289 : i32 to vector<16xi32>
      %and3A_291 = arith.andi %get3A_282, %and3A_290 : vector<16xi32>
      %mul3A_292 = arith.constant 16 : i32
      %mul3A_293 = vector.broadcast %mul3A_292 : i32 to vector<16xi32>
      %mul3A_294 = arith.muli %and3A_291, %mul3A_293 : vector<16xi32>
      %broadcast_in_dim3A_295 = arith.constant 1.000000e+00 : f32
      %broadcast_in_dim3A_296 = vector.broadcast %broadcast_in_dim3A_295 : f32 to vector<16xf32>
      tpu.vector_store_idx %arg19[%iota3A_288, %mul3A_294], %broadcast_in_dim3A_296 : memref<16x128xf32, #tpu.memory_space<vmem>>[vector<16xi32>, vector<16xi32>], vector<16xf32>,
      "tpu.region"() ({
        %run_scoped3A = tpu.sem_alloc : memref<!tpu.dma_semaphore, #tpu.memory_space<semaphore_mem>>
        %dma_start3A_530 = arith.constant 0 : i32
        %dma_start3A_531 = arith.constant 0 : i32
        %dma_start3A_532 = tpu.memref_slice %arg21[%dma_start3A_530, %dma_start3A_531] : memref<1280x128xf32, #tpu.memory_space<vmem_shared>> -> memref<1280x128xf32, #tpu.memory_space<vmem_shared>>
        tpu.enqueue_indirect_dma source(%arg19 : memref<16x128xf32, #tpu.memory_space<vmem>>) target(%dma_start3A_532 : memref<1280x128xf32, #tpu.memory_space<vmem_shared>>) offsets(%arg17 : memref<16xi32, #tpu.memory_space<vmem>>) semaphore(%run_scoped3A : memref<!tpu.dma_semaphore, #tpu.memory_space<semaphore_mem>>) {add = true}
        %dma_wait3A_533 = arith.constant 0 : i32
        %dma_wait3A_534 = arith.constant 0 : i32
        %dma_wait3A_535 = tpu.memref_slice %arg21[%dma_wait3A_533, %dma_wait3A_534] : memref<1280x128xf32, #tpu.memory_space<vmem_shared>> -> memref<1280x128xf32, #tpu.memory_space<vmem_shared>>
        tpu.wait_indirect_dma semaphore(%run_scoped3A : memref<!tpu.dma_semaphore, #tpu.memory_space<semaphore_mem>>) src(%arg19 : memref<16x128xf32, #tpu.memory_space<vmem>>) dst(%dma_wait3A_535 : memref<1280x128xf32, #tpu.memory_space<vmem_shared>>)
        tpu.yield
      }) : () -> ()
      %broadcast_in_dim3A_297 = arith.constant 0.000000e+00 : f32
      %broadcast_in_dim3A_298 = vector.broadcast %broadcast_in_dim3A_297 : f32 to vector<16xf32>
      tpu.vector_store_idx %arg19[%iota3A_288, %mul3A_294], %broadcast_in_dim3A_298 : memref<16x128xf32, #tpu.memory_space<vmem>>[vector<16xi32>, vector<16xi32>], vector<16xf32>,
      %get3A_299 = arith.constant 16 : index
      %get3A_300 = tpu.vector_load %arg10[%get3A_299] {strides = array<i32>} : memref<80xi32, #tpu.memory_space<vmem>>, vector<16xi32>,
      %shift_right_logical3A_301 = arith.constant 3 : i32
      %shift_right_logical3A_302 = vector.broadcast %shift_right_logical3A_301 : i32 to vector<16xi32>
      %shift_right_logical3A_303 = arith.shrui %get3A_300, %shift_right_logical3A_302 : vector<16xi32>
      %swap3A_304 = arith.constant 0 : index
      %swap3A_305 = tpu.vector_load %arg17[%swap3A_304] {strides = array<i32>} : memref<16xi32, #tpu.memory_space<vmem>>, vector<16xi32>,
      tpu.vector_store %arg17[%swap3A_304], %shift_right_logical3A_303 {strides = array<i32>} : memref<16xi32, #tpu.memory_space<vmem>>, vector<16xi32>,
      %iota3A_306 = tpu.iota {dimensions = array<i32: 0>} : vector<16xi32>
      %and3A_307 = arith.constant 7 : i32
      %and3A_308 = vector.broadcast %and3A_307 : i32 to vector<16xi32>
      %and3A_309 = arith.andi %get3A_300, %and3A_308 : vector<16xi32>
      %mul3A_310 = arith.constant 16 : i32
      %mul3A_311 = vector.broadcast %mul3A_310 : i32 to vector<16xi32>
      %mul3A_312 = arith.muli %and3A_309, %mul3A_311 : vector<16xi32>
      %broadcast_in_dim3A_313 = arith.constant 1.000000e+00 : f32
      %broadcast_in_dim3A_314 = vector.broadcast %broadcast_in_dim3A_313 : f32 to vector<16xf32>
      tpu.vector_store_idx %arg19[%iota3A_306, %mul3A_312], %broadcast_in_dim3A_314 : memref<16x128xf32, #tpu.memory_space<vmem>>[vector<16xi32>, vector<16xi32>], vector<16xf32>,
      "tpu.region"() ({
        %run_scoped3A = tpu.sem_alloc : memref<!tpu.dma_semaphore, #tpu.memory_space<semaphore_mem>>
        %dma_start3A_530 = arith.constant 0 : i32
        %dma_start3A_531 = arith.constant 0 : i32
        %dma_start3A_532 = tpu.memref_slice %arg21[%dma_start3A_530, %dma_start3A_531] : memref<1280x128xf32, #tpu.memory_space<vmem_shared>> -> memref<1280x128xf32, #tpu.memory_space<vmem_shared>>
        tpu.enqueue_indirect_dma source(%arg19 : memref<16x128xf32, #tpu.memory_space<vmem>>) target(%dma_start3A_532 : memref<1280x128xf32, #tpu.memory_space<vmem_shared>>) offsets(%arg17 : memref<16xi32, #tpu.memory_space<vmem>>) semaphore(%run_scoped3A : memref<!tpu.dma_semaphore, #tpu.memory_space<semaphore_mem>>) {add = true}
        %dma_wait3A_533 = arith.constant 0 : i32
        %dma_wait3A_534 = arith.constant 0 : i32
        %dma_wait3A_535 = tpu.memref_slice %arg21[%dma_wait3A_533, %dma_wait3A_534] : memref<1280x128xf32, #tpu.memory_space<vmem_shared>> -> memref<1280x128xf32, #tpu.memory_space<vmem_shared>>
        tpu.wait_indirect_dma semaphore(%run_scoped3A : memref<!tpu.dma_semaphore, #tpu.memory_space<semaphore_mem>>) src(%arg19 : memref<16x128xf32, #tpu.memory_space<vmem>>) dst(%dma_wait3A_535 : memref<1280x128xf32, #tpu.memory_space<vmem_shared>>)
        tpu.yield
      }) : () -> ()
      %broadcast_in_dim3A_315 = arith.constant 0.000000e+00 : f32
      %broadcast_in_dim3A_316 = vector.broadcast %broadcast_in_dim3A_315 : f32 to vector<16xf32>
      tpu.vector_store_idx %arg19[%iota3A_306, %mul3A_312], %broadcast_in_dim3A_316 : memref<16x128xf32, #tpu.memory_space<vmem>>[vector<16xi32>, vector<16xi32>], vector<16xf32>,
      %get3A_317 = arith.constant 32 : index
      %get3A_318 = tpu.vector_load %arg10[%get3A_317] {strides = array<i32>} : memref<80xi32, #tpu.memory_space<vmem>>, vector<16xi32>,
      %shift_right_logical3A_319 = arith.constant 3 : i32
      %shift_right_logical3A_320 = vector.broadcast %shift_right_logical3A_319 : i32 to vector<16xi32>
      %shift_right_logical3A_321 = arith.shrui %get3A_318, %shift_right_logical3A_320 : vector<16xi32>
      %swap3A_322 = arith.constant 0 : index
      %swap3A_323 = tpu.vector_load %arg17[%swap3A_322] {strides = array<i32>} : memref<16xi32, #tpu.memory_space<vmem>>, vector<16xi32>,
      tpu.vector_store %arg17[%swap3A_322], %shift_right_logical3A_321 {strides = array<i32>} : memref<16xi32, #tpu.memory_space<vmem>>, vector<16xi32>,
      %iota3A_324 = tpu.iota {dimensions = array<i32: 0>} : vector<16xi32>
      %and3A_325 = arith.constant 7 : i32
      %and3A_326 = vector.broadcast %and3A_325 : i32 to vector<16xi32>
      %and3A_327 = arith.andi %get3A_318, %and3A_326 : vector<16xi32>
      %mul3A_328 = arith.constant 16 : i32
      %mul3A_329 = vector.broadcast %mul3A_328 : i32 to vector<16xi32>
      %mul3A_330 = arith.muli %and3A_327, %mul3A_329 : vector<16xi32>
      %broadcast_in_dim3A_331 = arith.constant 1.000000e+00 : f32
      %broadcast_in_dim3A_332 = vector.broadcast %broadcast_in_dim3A_331 : f32 to vector<16xf32>
      tpu.vector_store_idx %arg19[%iota3A_324, %mul3A_330], %broadcast_in_dim3A_332 : memref<16x128xf32, #tpu.memory_space<vmem>>[vector<16xi32>, vector<16xi32>], vector<16xf32>,
      "tpu.region"() ({
        %run_scoped3A = tpu.sem_alloc : memref<!tpu.dma_semaphore, #tpu.memory_space<semaphore_mem>>
        %dma_start3A_530 = arith.constant 0 : i32
        %dma_start3A_531 = arith.constant 0 : i32
        %dma_start3A_532 = tpu.memref_slice %arg21[%dma_start3A_530, %dma_start3A_531] : memref<1280x128xf32, #tpu.memory_space<vmem_shared>> -> memref<1280x128xf32, #tpu.memory_space<vmem_shared>>
        tpu.enqueue_indirect_dma source(%arg19 : memref<16x128xf32, #tpu.memory_space<vmem>>) target(%dma_start3A_532 : memref<1280x128xf32, #tpu.memory_space<vmem_shared>>) offsets(%arg17 : memref<16xi32, #tpu.memory_space<vmem>>) semaphore(%run_scoped3A : memref<!tpu.dma_semaphore, #tpu.memory_space<semaphore_mem>>) {add = true}
        %dma_wait3A_533 = arith.constant 0 : i32
        %dma_wait3A_534 = arith.constant 0 : i32
        %dma_wait3A_535 = tpu.memref_slice %arg21[%dma_wait3A_533, %dma_wait3A_534] : memref<1280x128xf32, #tpu.memory_space<vmem_shared>> -> memref<1280x128xf32, #tpu.memory_space<vmem_shared>>
        tpu.wait_indirect_dma semaphore(%run_scoped3A : memref<!tpu.dma_semaphore, #tpu.memory_space<semaphore_mem>>) src(%arg19 : memref<16x128xf32, #tpu.memory_space<vmem>>) dst(%dma_wait3A_535 : memref<1280x128xf32, #tpu.memory_space<vmem_shared>>)
        tpu.yield
      }) : () -> ()
      %broadcast_in_dim3A_333 = arith.constant 0.000000e+00 : f32
      %broadcast_in_dim3A_334 = vector.broadcast %broadcast_in_dim3A_333 : f32 to vector<16xf32>
      tpu.vector_store_idx %arg19[%iota3A_324, %mul3A_330], %broadcast_in_dim3A_334 : memref<16x128xf32, #tpu.memory_space<vmem>>[vector<16xi32>, vector<16xi32>], vector<16xf32>,
      %get3A_335 = arith.constant 48 : index
      %get3A_336 = tpu.vector_load %arg10[%get3A_335] {strides = array<i32>} : memref<80xi32, #tpu.memory_space<vmem>>, vector<16xi32>,
      %shift_right_logical3A_337 = arith.constant 3 : i32
      %shift_right_logical3A_338 = vector.broadcast %shift_right_logical3A_337 : i32 to vector<16xi32>
      %shift_right_logical3A_339 = arith.shrui %get3A_336, %shift_right_logical3A_338 : vector<16xi32>
      %swap3A_340 = arith.constant 0 : index
      %swap3A_341 = tpu.vector_load %arg17[%swap3A_340] {strides = array<i32>} : memref<16xi32, #tpu.memory_space<vmem>>, vector<16xi32>,
      tpu.vector_store %arg17[%swap3A_340], %shift_right_logical3A_339 {strides = array<i32>} : memref<16xi32, #tpu.memory_space<vmem>>, vector<16xi32>,
      %iota3A_342 = tpu.iota {dimensions = array<i32: 0>} : vector<16xi32>
      %and3A_343 = arith.constant 7 : i32
      %and3A_344 = vector.broadcast %and3A_343 : i32 to vector<16xi32>
      %and3A_345 = arith.andi %get3A_336, %and3A_344 : vector<16xi32>
      %mul3A_346 = arith.constant 16 : i32
      %mul3A_347 = vector.broadcast %mul3A_346 : i32 to vector<16xi32>
      %mul3A_348 = arith.muli %and3A_345, %mul3A_347 : vector<16xi32>
      %broadcast_in_dim3A_349 = arith.constant 1.000000e+00 : f32
      %broadcast_in_dim3A_350 = vector.broadcast %broadcast_in_dim3A_349 : f32 to vector<16xf32>
      tpu.vector_store_idx %arg19[%iota3A_342, %mul3A_348], %broadcast_in_dim3A_350 : memref<16x128xf32, #tpu.memory_space<vmem>>[vector<16xi32>, vector<16xi32>], vector<16xf32>,
      "tpu.region"() ({
        %run_scoped3A = tpu.sem_alloc : memref<!tpu.dma_semaphore, #tpu.memory_space<semaphore_mem>>
        %dma_start3A_530 = arith.constant 0 : i32
        %dma_start3A_531 = arith.constant 0 : i32
        %dma_start3A_532 = tpu.memref_slice %arg21[%dma_start3A_530, %dma_start3A_531] : memref<1280x128xf32, #tpu.memory_space<vmem_shared>> -> memref<1280x128xf32, #tpu.memory_space<vmem_shared>>
        tpu.enqueue_indirect_dma source(%arg19 : memref<16x128xf32, #tpu.memory_space<vmem>>) target(%dma_start3A_532 : memref<1280x128xf32, #tpu.memory_space<vmem_shared>>) offsets(%arg17 : memref<16xi32, #tpu.memory_space<vmem>>) semaphore(%run_scoped3A : memref<!tpu.dma_semaphore, #tpu.memory_space<semaphore_mem>>) {add = true}
        %dma_wait3A_533 = arith.constant 0 : i32
        %dma_wait3A_534 = arith.constant 0 : i32
        %dma_wait3A_535 = tpu.memref_slice %arg21[%dma_wait3A_533, %dma_wait3A_534] : memref<1280x128xf32, #tpu.memory_space<vmem_shared>> -> memref<1280x128xf32, #tpu.memory_space<vmem_shared>>
        tpu.wait_indirect_dma semaphore(%run_scoped3A : memref<!tpu.dma_semaphore, #tpu.memory_space<semaphore_mem>>) src(%arg19 : memref<16x128xf32, #tpu.memory_space<vmem>>) dst(%dma_wait3A_535 : memref<1280x128xf32, #tpu.memory_space<vmem_shared>>)
        tpu.yield
      }) : () -> ()
      %broadcast_in_dim3A_351 = arith.constant 0.000000e+00 : f32
      %broadcast_in_dim3A_352 = vector.broadcast %broadcast_in_dim3A_351 : f32 to vector<16xf32>
      tpu.vector_store_idx %arg19[%iota3A_342, %mul3A_348], %broadcast_in_dim3A_352 : memref<16x128xf32, #tpu.memory_space<vmem>>[vector<16xi32>, vector<16xi32>], vector<16xf32>,
      %get3A_353 = arith.constant 64 : index
      %get3A_354 = tpu.vector_load %arg10[%get3A_353] {strides = array<i32>} : memref<80xi32, #tpu.memory_space<vmem>>, vector<16xi32>,
      %shift_right_logical3A_355 = arith.constant 3 : i32
      %shift_right_logical3A_356 = vector.broadcast %shift_right_logical3A_355 : i32 to vector<16xi32>
      %shift_right_logical3A_357 = arith.shrui %get3A_354, %shift_right_logical3A_356 : vector<16xi32>
      %swap3A_358 = arith.constant 0 : index
      %swap3A_359 = tpu.vector_load %arg17[%swap3A_358] {strides = array<i32>} : memref<16xi32, #tpu.memory_space<vmem>>, vector<16xi32>,
      tpu.vector_store %arg17[%swap3A_358], %shift_right_logical3A_357 {strides = array<i32>} : memref<16xi32, #tpu.memory_space<vmem>>, vector<16xi32>,
      %iota3A_360 = tpu.iota {dimensions = array<i32: 0>} : vector<16xi32>
      %and3A_361 = arith.constant 7 : i32
      %and3A_362 = vector.broadcast %and3A_361 : i32 to vector<16xi32>
      %and3A_363 = arith.andi %get3A_354, %and3A_362 : vector<16xi32>
      %mul3A_364 = arith.constant 16 : i32
      %mul3A_365 = vector.broadcast %mul3A_364 : i32 to vector<16xi32>
      %mul3A_366 = arith.muli %and3A_363, %mul3A_365 : vector<16xi32>
      %broadcast_in_dim3A_367 = arith.constant 1.000000e+00 : f32
      %broadcast_in_dim3A_368 = vector.broadcast %broadcast_in_dim3A_367 : f32 to vector<16xf32>
      tpu.vector_store_idx %arg19[%iota3A_360, %mul3A_366], %broadcast_in_dim3A_368 : memref<16x128xf32, #tpu.memory_space<vmem>>[vector<16xi32>, vector<16xi32>], vector<16xf32>,
      "tpu.region"() ({
        %run_scoped3A = tpu.sem_alloc : memref<!tpu.dma_semaphore, #tpu.memory_space<semaphore_mem>>
        %dma_start3A_530 = arith.constant 0 : i32
        %dma_start3A_531 = arith.constant 0 : i32
        %dma_start3A_532 = tpu.memref_slice %arg21[%dma_start3A_530, %dma_start3A_531] : memref<1280x128xf32, #tpu.memory_space<vmem_shared>> -> memref<1280x128xf32, #tpu.memory_space<vmem_shared>>
        tpu.enqueue_indirect_dma source(%arg19 : memref<16x128xf32, #tpu.memory_space<vmem>>) target(%dma_start3A_532 : memref<1280x128xf32, #tpu.memory_space<vmem_shared>>) offsets(%arg17 : memref<16xi32, #tpu.memory_space<vmem>>) semaphore(%run_scoped3A : memref<!tpu.dma_semaphore, #tpu.memory_space<semaphore_mem>>) {add = true}
        %dma_wait3A_533 = arith.constant 0 : i32
        %dma_wait3A_534 = arith.constant 0 : i32
        %dma_wait3A_535 = tpu.memref_slice %arg21[%dma_wait3A_533, %dma_wait3A_534] : memref<1280x128xf32, #tpu.memory_space<vmem_shared>> -> memref<1280x128xf32, #tpu.memory_space<vmem_shared>>
        tpu.wait_indirect_dma semaphore(%run_scoped3A : memref<!tpu.dma_semaphore, #tpu.memory_space<semaphore_mem>>) src(%arg19 : memref<16x128xf32, #tpu.memory_space<vmem>>) dst(%dma_wait3A_535 : memref<1280x128xf32, #tpu.memory_space<vmem_shared>>)
        tpu.yield
      }) : () -> ()
      %broadcast_in_dim3A_369 = arith.constant 0.000000e+00 : f32
      %broadcast_in_dim3A_370 = vector.broadcast %broadcast_in_dim3A_369 : f32 to vector<16xf32>
      tpu.vector_store_idx %arg19[%iota3A_360, %mul3A_366], %broadcast_in_dim3A_370 : memref<16x128xf32, #tpu.memory_space<vmem>>[vector<16xi32>, vector<16xi32>], vector<16xf32>,
      %dma_wait3A_371 = arith.constant 0 : i32
      %dma_wait3A_372 = arith.constant 0 : i32
      %dma_wait3A_373 = tpu.memref_slice %arg20[%dma_wait3A_371, %dma_wait3A_372] : memref<10240x128xf32, #tpu.memory_space<vmem_shared>> -> memref<10240x128xf32, #tpu.memory_space<vmem_shared>>
      tpu.wait_indirect_dma semaphore(%arg27 : memref<!tpu.dma_semaphore, #tpu.memory_space<semaphore_mem>>) src(%arg18 : memref<80x128xf32, #tpu.memory_space<vmem>>) dst(%dma_wait3A_373 : memref<10240x128xf32, #tpu.memory_space<vmem_shared>>)
      %add3A_374 = arith.constant 1 : i32
      %add3A_375 = arith.addi %add3A_219, %add3A_374 : i32
      %dma_wait3A_376 = arith.constant 0 : i32
      %dma_wait3A_377 = tpu.memref_slice %arg5[%dma_wait3A_376] : memref<320000xi32, #tpu.memory_space<hbm>> -> memref<80xi32, #tpu.memory_space<hbm>>
      %dma_wait3A_378 = arith.constant 0 : i32
      %dma_wait3A_379 = tpu.memref_slice %arg5[%dma_wait3A_378] : memref<320000xi32, #tpu.memory_space<hbm>> -> memref<80xi32, #tpu.memory_space<hbm>>
      tpu.wait_dma2 semaphore(%arg23 : memref<!tpu.dma_semaphore, #tpu.memory_space<semaphore_mem>>) src(%dma_wait3A_379 : memref<80xi32, #tpu.memory_space<hbm>>) dst(%arg13 : memref<80xi32, #tpu.memory_space<vmem>>)
      %dma_wait3A_380 = arith.constant 0 : i32
      %dma_wait3A_381 = tpu.memref_slice %arg6[%dma_wait3A_380] : memref<320000xi32, #tpu.memory_space<hbm>> -> memref<80xi32, #tpu.memory_space<hbm>>
      %dma_wait3A_382 = arith.constant 0 : i32
      %dma_wait3A_383 = tpu.memref_slice %arg6[%dma_wait3A_382] : memref<320000xi32, #tpu.memory_space<hbm>> -> memref<80xi32, #tpu.memory_space<hbm>>
      tpu.wait_dma2 semaphore(%arg24 : memref<!tpu.dma_semaphore, #tpu.memory_space<semaphore_mem>>) src(%dma_wait3A_383 : memref<80xi32, #tpu.memory_space<hbm>>) dst(%arg14 : memref<80xi32, #tpu.memory_space<vmem>>)
      %dma_start3A_384 = arith.constant 0 : i32
      %dma_start3A_385 = arith.constant 0 : i32
      %dma_start3A_386 = tpu.memref_slice %arg2[%dma_start3A_384, %dma_start3A_385] : memref<10000x128xf32, #tpu.memory_space<hbm>> -> memref<10000x128xf32, #tpu.memory_space<hbm>>
      tpu.enqueue_indirect_dma source(%dma_start3A_386 : memref<10000x128xf32, #tpu.memory_space<hbm>>) target(%arg18 : memref<80x128xf32, #tpu.memory_space<vmem>>) offsets(%arg13 : memref<80xi32, #tpu.memory_space<vmem>>) semaphore(%arg22 : memref<!tpu.dma_semaphore, #tpu.memory_space<semaphore_mem>>)
      %dma_wait3A_387 = arith.constant 0 : i32
      %dma_wait3A_388 = arith.constant 0 : i32
      %dma_wait3A_389 = tpu.memref_slice %arg3[%dma_wait3A_387, %dma_wait3A_388] : memref<160000x128xf32, #tpu.memory_space<hbm>> -> memref<40x128xf32, #tpu.memory_space<hbm>>
      %dma_wait3A_390 = arith.constant 0 : i32
      %dma_wait3A_391 = arith.constant 0 : i32
      %dma_wait3A_392 = tpu.memref_slice %arg3[%dma_wait3A_390, %dma_wait3A_391] : memref<160000x128xf32, #tpu.memory_space<hbm>> -> memref<40x128xf32, #tpu.memory_space<hbm>>
      tpu.wait_dma2 semaphore(%arg25 : memref<!tpu.dma_semaphore, #tpu.memory_space<semaphore_mem>>) src(%dma_wait3A_392 : memref<40x128xf32, #tpu.memory_space<hbm>>) dst(%arg15 : memref<40x128xf32, #tpu.memory_space<vmem>>)
      %dma_wait3A_393 = arith.constant 0 : i32
      %dma_wait3A_394 = arith.constant 0 : i32
      %dma_wait3A_395 = tpu.memref_slice %arg4[%dma_wait3A_393, %dma_wait3A_394] : memref<160000x128xf32, #tpu.memory_space<hbm>> -> memref<40x128xf32, #tpu.memory_space<hbm>>
      %dma_wait3A_396 = arith.constant 0 : i32
      %dma_wait3A_397 = arith.constant 0 : i32
      %dma_wait3A_398 = tpu.memref_slice %arg4[%dma_wait3A_396, %dma_wait3A_397] : memref<160000x128xf32, #tpu.memory_space<hbm>> -> memref<40x128xf32, #tpu.memory_space<hbm>>
      tpu.wait_dma2 semaphore(%arg26 : memref<!tpu.dma_semaphore, #tpu.memory_space<semaphore_mem>>) src(%dma_wait3A_398 : memref<40x128xf32, #tpu.memory_space<hbm>>) dst(%arg16 : memref<40x128xf32, #tpu.memory_space<vmem>>)
      %add3A_399 = arith.constant 1 : i32
      %add3A_400 = arith.addi %add3A_375, %add3A_399 : i32
      %min3A_401 = arith.constant 124 : i32
      %min3A_402 = arith.minsi %add3A_400, %min3A_401 : i32
      %mul3A_403 = arith.constant 10000 : i32
      %mul3A_404 = arith.muli %add3A, %mul3A_403 : i32
      %mul3A_405 = arith.constant 80 : i32
      %mul3A_406 = arith.muli %min3A_402, %mul3A_405 : i32
      %add3A_407 = arith.addi %mul3A_404, %mul3A_406 : i32
      %mul3A_408 = arith.constant 5000 : i32
      %mul3A_409 = arith.muli %add3A, %mul3A_408 : i32
      %mul3A_410 = arith.constant 40 : i32
      %mul3A_411 = arith.muli %min3A_402, %mul3A_410 : i32
      %add3A_412 = arith.addi %mul3A_409, %mul3A_411 : i32
      %multiple_of3A_413 = tpu.assume_multiple %add3A_412, 8 : i32
      %dma_start3A_414 = tpu.memref_slice %arg5[%add3A_407] : memref<320000xi32, #tpu.memory_space<hbm>> -> memref<80xi32, #tpu.memory_space<hbm>>
      %dma_start3A_415 = tpu.memref_slice %arg5[%add3A_407] : memref<320000xi32, #tpu.memory_space<hbm>> -> memref<80xi32, #tpu.memory_space<hbm>>
      tpu.enqueue_dma source(%dma_start3A_415 : memref<80xi32, #tpu.memory_space<hbm>>) target(%arg9 : memref<80xi32, #tpu.memory_space<vmem>>) target_semaphore(%arg23 : memref<!tpu.dma_semaphore, #tpu.memory_space<semaphore_mem>>)
      %dma_start3A_416 = tpu.memref_slice %arg6[%add3A_407] : memref<320000xi32, #tpu.memory_space<hbm>> -> memref<80xi32, #tpu.memory_space<hbm>>
      %dma_start3A_417 = tpu.memref_slice %arg6[%add3A_407] : memref<320000xi32, #tpu.memory_space<hbm>> -> memref<80xi32, #tpu.memory_space<hbm>>
      tpu.enqueue_dma source(%dma_start3A_417 : memref<80xi32, #tpu.memory_space<hbm>>) target(%arg10 : memref<80xi32, #tpu.memory_space<vmem>>) target_semaphore(%arg24 : memref<!tpu.dma_semaphore, #tpu.memory_space<semaphore_mem>>)
      %dma_start3A_418 = arith.constant 0 : i32
      %dma_start3A_419 = tpu.memref_slice %arg3[%multiple_of3A_413, %dma_start3A_418] : memref<160000x128xf32, #tpu.memory_space<hbm>> -> memref<40x128xf32, #tpu.memory_space<hbm>>
      %dma_start3A_420 = arith.constant 0 : i32
      %dma_start3A_421 = tpu.memref_slice %arg3[%multiple_of3A_413, %dma_start3A_420] : memref<160000x128xf32, #tpu.memory_space<hbm>> -> memref<40x128xf32, #tpu.memory_space<hbm>>
      tpu.enqueue_dma source(%dma_start3A_421 : memref<40x128xf32, #tpu.memory_space<hbm>>) target(%arg11 : memref<40x128xf32, #tpu.memory_space<vmem>>) target_semaphore(%arg25 : memref<!tpu.dma_semaphore, #tpu.memory_space<semaphore_mem>>)
      %dma_start3A_422 = arith.constant 0 : i32
      %dma_start3A_423 = tpu.memref_slice %arg4[%multiple_of3A_413, %dma_start3A_422] : memref<160000x128xf32, #tpu.memory_space<hbm>> -> memref<40x128xf32, #tpu.memory_space<hbm>>
      %dma_start3A_424 = arith.constant 0 : i32
      %dma_start3A_425 = tpu.memref_slice %arg4[%multiple_of3A_413, %dma_start3A_424] : memref<160000x128xf32, #tpu.memory_space<hbm>> -> memref<40x128xf32, #tpu.memory_space<hbm>>
      tpu.enqueue_dma source(%dma_start3A_425 : memref<40x128xf32, #tpu.memory_space<hbm>>) target(%arg12 : memref<40x128xf32, #tpu.memory_space<vmem>>) target_semaphore(%arg26 : memref<!tpu.dma_semaphore, #tpu.memory_space<semaphore_mem>>)
      %dma_wait3A_426 = arith.constant 0 : i32
      %dma_wait3A_427 = arith.constant 0 : i32
      %dma_wait3A_428 = tpu.memref_slice %arg2[%dma_wait3A_426, %dma_wait3A_427] : memref<10000x128xf32, #tpu.memory_space<hbm>> -> memref<10000x128xf32, #tpu.memory_space<hbm>>
      tpu.wait_indirect_dma semaphore(%arg22 : memref<!tpu.dma_semaphore, #tpu.memory_space<semaphore_mem>>) src(%dma_wait3A_428 : memref<10000x128xf32, #tpu.memory_space<hbm>>) dst(%arg18 : memref<80x128xf32, #tpu.memory_space<vmem>>)
      %scan3A_429 = arith.constant 0 : i32
      %scan3A_430 = arith.constant 40 : i32
      %scan3A_431 = arith.addi %scan3A_429, %scan3A_430 : i32
      %scan3A_432 = arith.constant 1 : i32
      scf.for %scan3A_530 = %scan3A_429 to %scan3A_431 step %scan3A_432  : i32 {
        %mul3A_531 = arith.constant 1 : i32
        %mul3A_532 = arith.muli %scan3A_530, %mul3A_531 : i32
        %add3A_533 = arith.constant 0 : i32
        %add3A_534 = arith.addi %add3A_533, %mul3A_532 : i32
        %mul3A_535 = arith.constant 2 : i32
        %mul3A_536 = arith.muli %mul3A_535, %add3A_534 : i32
        %get3A_537 = arith.index_cast %mul3A_536 : i32 to index
        %get3A_538 = arith.constant 0 : index
        %get3A_539 = tpu.vector_load %arg18[%get3A_537, %get3A_538] {strides = array<i32>} : memref<80x128xf32, #tpu.memory_space<vmem>>, vector<16xf32>,
        %mul3A_540 = arith.constant 2 : i32
        %mul3A_541 = arith.muli %mul3A_540, %add3A_534 : i32
        %get3A_542 = arith.index_cast %mul3A_541 : i32 to index
        %get3A_543 = arith.constant 16 : index
        %get3A_544 = tpu.vector_load %arg18[%get3A_542, %get3A_543] {strides = array<i32>} : memref<80x128xf32, #tpu.memory_space<vmem>>, vector<16xf32>,
        %mul3A_545 = arith.constant 2 : i32
        %mul3A_546 = arith.muli %mul3A_545, %add3A_534 : i32
        %get3A_547 = arith.index_cast %mul3A_546 : i32 to index
        %get3A_548 = arith.constant 32 : index
        %get3A_549 = tpu.vector_load %arg18[%get3A_547, %get3A_548] {strides = array<i32>} : memref<80x128xf32, #tpu.memory_space<vmem>>, vector<16xf32>,
        %mul3A_550 = arith.constant 2 : i32
        %mul3A_551 = arith.muli %mul3A_550, %add3A_534 : i32
        %get3A_552 = arith.index_cast %mul3A_551 : i32 to index
        %get3A_553 = arith.constant 48 : index
        %get3A_554 = tpu.vector_load %arg18[%get3A_552, %get3A_553] {strides = array<i32>} : memref<80x128xf32, #tpu.memory_space<vmem>>, vector<16xf32>,
        %mul3A_555 = arith.constant 2 : i32
        %mul3A_556 = arith.muli %mul3A_555, %add3A_534 : i32
        %get3A_557 = arith.index_cast %mul3A_556 : i32 to index
        %get3A_558 = arith.constant 64 : index
        %get3A_559 = tpu.vector_load %arg18[%get3A_557, %get3A_558] {strides = array<i32>} : memref<80x128xf32, #tpu.memory_space<vmem>>, vector<16xf32>,
        %mul3A_560 = arith.constant 2 : i32
        %mul3A_561 = arith.muli %mul3A_560, %add3A_534 : i32
        %get3A_562 = arith.index_cast %mul3A_561 : i32 to index
        %get3A_563 = arith.constant 80 : index
        %get3A_564 = tpu.vector_load %arg18[%get3A_562, %get3A_563] {strides = array<i32>} : memref<80x128xf32, #tpu.memory_space<vmem>>, vector<16xf32>,
        %mul3A_565 = arith.constant 2 : i32
        %mul3A_566 = arith.muli %mul3A_565, %add3A_534 : i32
        %get3A_567 = arith.index_cast %mul3A_566 : i32 to index
        %get3A_568 = arith.constant 96 : index
        %get3A_569 = tpu.vector_load %arg18[%get3A_567, %get3A_568] {strides = array<i32>} : memref<80x128xf32, #tpu.memory_space<vmem>>, vector<16xf32>,
        %mul3A_570 = arith.constant 2 : i32
        %mul3A_571 = arith.muli %mul3A_570, %add3A_534 : i32
        %get3A_572 = arith.index_cast %mul3A_571 : i32 to index
        %get3A_573 = arith.constant 112 : index
        %get3A_574 = tpu.vector_load %arg18[%get3A_572, %get3A_573] {strides = array<i32>} : memref<80x128xf32, #tpu.memory_space<vmem>>, vector<16xf32>,
        %mul3A_575 = arith.constant 2 : i32
        %mul3A_576 = arith.muli %mul3A_575, %add3A_534 : i32
        %add3A_577 = arith.constant 1 : i32
        %add3A_578 = arith.addi %mul3A_576, %add3A_577 : i32
        %get3A_579 = arith.index_cast %add3A_578 : i32 to index
        %get3A_580 = arith.constant 0 : index
        %get3A_581 = tpu.vector_load %arg18[%get3A_579, %get3A_580] {strides = array<i32>} : memref<80x128xf32, #tpu.memory_space<vmem>>, vector<16xf32>,
        %mul3A_582 = arith.constant 2 : i32
        %mul3A_583 = arith.muli %mul3A_582, %add3A_534 : i32
        %add3A_584 = arith.constant 1 : i32
        %add3A_585 = arith.addi %mul3A_583, %add3A_584 : i32
        %get3A_586 = arith.index_cast %add3A_585 : i32 to index
        %get3A_587 = arith.constant 16 : index
        %get3A_588 = tpu.vector_load %arg18[%get3A_586, %get3A_587] {strides = array<i32>} : memref<80x128xf32, #tpu.memory_space<vmem>>, vector<16xf32>,
        %mul3A_589 = arith.constant 2 : i32
        %mul3A_590 = arith.muli %mul3A_589, %add3A_534 : i32
        %add3A_591 = arith.constant 1 : i32
        %add3A_592 = arith.addi %mul3A_590, %add3A_591 : i32
        %get3A_593 = arith.index_cast %add3A_592 : i32 to index
        %get3A_594 = arith.constant 32 : index
        %get3A_595 = tpu.vector_load %arg18[%get3A_593, %get3A_594] {strides = array<i32>} : memref<80x128xf32, #tpu.memory_space<vmem>>, vector<16xf32>,
        %mul3A_596 = arith.constant 2 : i32
        %mul3A_597 = arith.muli %mul3A_596, %add3A_534 : i32
        %add3A_598 = arith.constant 1 : i32
        %add3A_599 = arith.addi %mul3A_597, %add3A_598 : i32
        %get3A_600 = arith.index_cast %add3A_599 : i32 to index
        %get3A_601 = arith.constant 48 : index
        %get3A_602 = tpu.vector_load %arg18[%get3A_600, %get3A_601] {strides = array<i32>} : memref<80x128xf32, #tpu.memory_space<vmem>>, vector<16xf32>,
        %mul3A_603 = arith.constant 2 : i32
        %mul3A_604 = arith.muli %mul3A_603, %add3A_534 : i32
        %add3A_605 = arith.constant 1 : i32
        %add3A_606 = arith.addi %mul3A_604, %add3A_605 : i32
        %get3A_607 = arith.index_cast %add3A_606 : i32 to index
        %get3A_608 = arith.constant 64 : index
        %get3A_609 = tpu.vector_load %arg18[%get3A_607, %get3A_608] {strides = array<i32>} : memref<80x128xf32, #tpu.memory_space<vmem>>, vector<16xf32>,
        %mul3A_610 = arith.constant 2 : i32
        %mul3A_611 = arith.muli %mul3A_610, %add3A_534 : i32
        %add3A_612 = arith.constant 1 : i32
        %add3A_613 = arith.addi %mul3A_611, %add3A_612 : i32
        %get3A_614 = arith.index_cast %add3A_613 : i32 to index
        %get3A_615 = arith.constant 80 : index
        %get3A_616 = tpu.vector_load %arg18[%get3A_614, %get3A_615] {strides = array<i32>} : memref<80x128xf32, #tpu.memory_space<vmem>>, vector<16xf32>,
        %mul3A_617 = arith.constant 2 : i32
        %mul3A_618 = arith.muli %mul3A_617, %add3A_534 : i32
        %add3A_619 = arith.constant 1 : i32
        %add3A_620 = arith.addi %mul3A_618, %add3A_619 : i32
        %get3A_621 = arith.index_cast %add3A_620 : i32 to index
        %get3A_622 = arith.constant 96 : index
        %get3A_623 = tpu.vector_load %arg18[%get3A_621, %get3A_622] {strides = array<i32>} : memref<80x128xf32, #tpu.memory_space<vmem>>, vector<16xf32>,
        %mul3A_624 = arith.constant 2 : i32
        %mul3A_625 = arith.muli %mul3A_624, %add3A_534 : i32
        %add3A_626 = arith.constant 1 : i32
        %add3A_627 = arith.addi %mul3A_625, %add3A_626 : i32
        %get3A_628 = arith.index_cast %add3A_627 : i32 to index
        %get3A_629 = arith.constant 112 : index
        %get3A_630 = tpu.vector_load %arg18[%get3A_628, %get3A_629] {strides = array<i32>} : memref<80x128xf32, #tpu.memory_space<vmem>>, vector<16xf32>,
        %get3A_631 = arith.index_cast %add3A_534 : i32 to index
        %get3A_632 = arith.constant 0 : index
        %get3A_633 = tpu.vector_load %arg15[%get3A_631, %get3A_632] {strides = array<i32>} : memref<40x128xf32, #tpu.memory_space<vmem>>, vector<16xf32>,
        %get3A_634 = arith.index_cast %add3A_534 : i32 to index
        %get3A_635 = arith.constant 16 : index
        %get3A_636 = tpu.vector_load %arg15[%get3A_634, %get3A_635] {strides = array<i32>} : memref<40x128xf32, #tpu.memory_space<vmem>>, vector<16xf32>,
        %get3A_637 = arith.index_cast %add3A_534 : i32 to index
        %get3A_638 = arith.constant 32 : index
        %get3A_639 = tpu.vector_load %arg15[%get3A_637, %get3A_638] {strides = array<i32>} : memref<40x128xf32, #tpu.memory_space<vmem>>, vector<16xf32>,
        %get3A_640 = arith.index_cast %add3A_534 : i32 to index
        %get3A_641 = arith.constant 48 : index
        %get3A_642 = tpu.vector_load %arg15[%get3A_640, %get3A_641] {strides = array<i32>} : memref<40x128xf32, #tpu.memory_space<vmem>>, vector<16xf32>,
        %get3A_643 = arith.index_cast %add3A_534 : i32 to index
        %get3A_644 = arith.constant 64 : index
        %get3A_645 = tpu.vector_load %arg15[%get3A_643, %get3A_644] {strides = array<i32>} : memref<40x128xf32, #tpu.memory_space<vmem>>, vector<16xf32>,
        %get3A_646 = arith.index_cast %add3A_534 : i32 to index
        %get3A_647 = arith.constant 80 : index
        %get3A_648 = tpu.vector_load %arg15[%get3A_646, %get3A_647] {strides = array<i32>} : memref<40x128xf32, #tpu.memory_space<vmem>>, vector<16xf32>,
        %get3A_649 = arith.index_cast %add3A_534 : i32 to index
        %get3A_650 = arith.constant 96 : index
        %get3A_651 = tpu.vector_load %arg15[%get3A_649, %get3A_650] {strides = array<i32>} : memref<40x128xf32, #tpu.memory_space<vmem>>, vector<16xf32>,
        %get3A_652 = arith.index_cast %add3A_534 : i32 to index
        %get3A_653 = arith.constant 112 : index
        %get3A_654 = tpu.vector_load %arg15[%get3A_652, %get3A_653] {strides = array<i32>} : memref<40x128xf32, #tpu.memory_space<vmem>>, vector<16xf32>,
        %get3A_655 = arith.index_cast %add3A_534 : i32 to index
        %get3A_656 = arith.constant 0 : index
        %get3A_657 = tpu.vector_load %arg16[%get3A_655, %get3A_656] {strides = array<i32>} : memref<40x128xf32, #tpu.memory_space<vmem>>, vector<16xf32>,
        %get3A_658 = arith.index_cast %add3A_534 : i32 to index
        %get3A_659 = arith.constant 16 : index
        %get3A_660 = tpu.vector_load %arg16[%get3A_658, %get3A_659] {strides = array<i32>} : memref<40x128xf32, #tpu.memory_space<vmem>>, vector<16xf32>,
        %get3A_661 = arith.index_cast %add3A_534 : i32 to index
        %get3A_662 = arith.constant 32 : index
        %get3A_663 = tpu.vector_load %arg16[%get3A_661, %get3A_662] {strides = array<i32>} : memref<40x128xf32, #tpu.memory_space<vmem>>, vector<16xf32>,
        %get3A_664 = arith.index_cast %add3A_534 : i32 to index
        %get3A_665 = arith.constant 48 : index
        %get3A_666 = tpu.vector_load %arg16[%get3A_664, %get3A_665] {strides = array<i32>} : memref<40x128xf32, #tpu.memory_space<vmem>>, vector<16xf32>,
        %get3A_667 = arith.index_cast %add3A_534 : i32 to index
        %get3A_668 = arith.constant 64 : index
        %get3A_669 = tpu.vector_load %arg16[%get3A_667, %get3A_668] {strides = array<i32>} : memref<40x128xf32, #tpu.memory_space<vmem>>, vector<16xf32>,
        %get3A_670 = arith.index_cast %add3A_534 : i32 to index
        %get3A_671 = arith.constant 80 : index
        %get3A_672 = tpu.vector_load %arg16[%get3A_670, %get3A_671] {strides = array<i32>} : memref<40x128xf32, #tpu.memory_space<vmem>>, vector<16xf32>,
        %get3A_673 = arith.index_cast %add3A_534 : i32 to index
        %get3A_674 = arith.constant 96 : index
        %get3A_675 = tpu.vector_load %arg16[%get3A_673, %get3A_674] {strides = array<i32>} : memref<40x128xf32, #tpu.memory_space<vmem>>, vector<16xf32>,
        %get3A_676 = arith.index_cast %add3A_534 : i32 to index
        %get3A_677 = arith.constant 112 : index
        %get3A_678 = tpu.vector_load %arg16[%get3A_676, %get3A_677] {strides = array<i32>} : memref<40x128xf32, #tpu.memory_space<vmem>>, vector<16xf32>,
        %add3A_679 = arith.addf %get3A_539, %get3A_633 : vector<16xf32>
        %max3A = arith.constant 0.000000e+00 : f32
        %max3A_680 = vector.broadcast %max3A : f32 to vector<16xf32>
        %max3A_681 = arith.maximumf %add3A_679, %max3A_680 : vector<16xf32>
        %mul3A_682 = arith.constant 2 : i32
        %mul3A_683 = arith.muli %mul3A_682, %add3A_534 : i32
        %swap3A_684 = arith.index_cast %mul3A_683 : i32 to index
        %swap3A_685 = arith.constant 0 : index
        %swap3A_686 = tpu.vector_load %arg18[%swap3A_684, %swap3A_685] {strides = array<i32>} : memref<80x128xf32, #tpu.memory_space<vmem>>, vector<16xf32>,
        tpu.vector_store %arg18[%swap3A_684, %swap3A_685], %max3A_681 {strides = array<i32>} : memref<80x128xf32, #tpu.memory_space<vmem>>, vector<16xf32>,
        %add3A_687 = arith.addf %get3A_544, %get3A_636 : vector<16xf32>
        %max3A_688 = arith.constant 0.000000e+00 : f32
        %max3A_689 = vector.broadcast %max3A_688 : f32 to vector<16xf32>
        %max3A_690 = arith.maximumf %add3A_687, %max3A_689 : vector<16xf32>
        %mul3A_691 = arith.constant 2 : i32
        %mul3A_692 = arith.muli %mul3A_691, %add3A_534 : i32
        %swap3A_693 = arith.index_cast %mul3A_692 : i32 to index
        %swap3A_694 = arith.constant 16 : index
        %swap3A_695 = tpu.vector_load %arg18[%swap3A_693, %swap3A_694] {strides = array<i32>} : memref<80x128xf32, #tpu.memory_space<vmem>>, vector<16xf32>,
        tpu.vector_store %arg18[%swap3A_693, %swap3A_694], %max3A_690 {strides = array<i32>} : memref<80x128xf32, #tpu.memory_space<vmem>>, vector<16xf32>,
        %add3A_696 = arith.addf %get3A_549, %get3A_639 : vector<16xf32>
        %max3A_697 = arith.constant 0.000000e+00 : f32
        %max3A_698 = vector.broadcast %max3A_697 : f32 to vector<16xf32>
        %max3A_699 = arith.maximumf %add3A_696, %max3A_698 : vector<16xf32>
        %mul3A_700 = arith.constant 2 : i32
        %mul3A_701 = arith.muli %mul3A_700, %add3A_534 : i32
        %swap3A_702 = arith.index_cast %mul3A_701 : i32 to index
        %swap3A_703 = arith.constant 32 : index
        %swap3A_704 = tpu.vector_load %arg18[%swap3A_702, %swap3A_703] {strides = array<i32>} : memref<80x128xf32, #tpu.memory_space<vmem>>, vector<16xf32>,
        tpu.vector_store %arg18[%swap3A_702, %swap3A_703], %max3A_699 {strides = array<i32>} : memref<80x128xf32, #tpu.memory_space<vmem>>, vector<16xf32>,
        %add3A_705 = arith.addf %get3A_554, %get3A_642 : vector<16xf32>
        %max3A_706 = arith.constant 0.000000e+00 : f32
        %max3A_707 = vector.broadcast %max3A_706 : f32 to vector<16xf32>
        %max3A_708 = arith.maximumf %add3A_705, %max3A_707 : vector<16xf32>
        %mul3A_709 = arith.constant 2 : i32
        %mul3A_710 = arith.muli %mul3A_709, %add3A_534 : i32
        %swap3A_711 = arith.index_cast %mul3A_710 : i32 to index
        %swap3A_712 = arith.constant 48 : index
        %swap3A_713 = tpu.vector_load %arg18[%swap3A_711, %swap3A_712] {strides = array<i32>} : memref<80x128xf32, #tpu.memory_space<vmem>>, vector<16xf32>,
        tpu.vector_store %arg18[%swap3A_711, %swap3A_712], %max3A_708 {strides = array<i32>} : memref<80x128xf32, #tpu.memory_space<vmem>>, vector<16xf32>,
        %add3A_714 = arith.addf %get3A_559, %get3A_645 : vector<16xf32>
        %max3A_715 = arith.constant 0.000000e+00 : f32
        %max3A_716 = vector.broadcast %max3A_715 : f32 to vector<16xf32>
        %max3A_717 = arith.maximumf %add3A_714, %max3A_716 : vector<16xf32>
        %mul3A_718 = arith.constant 2 : i32
        %mul3A_719 = arith.muli %mul3A_718, %add3A_534 : i32
        %swap3A_720 = arith.index_cast %mul3A_719 : i32 to index
        %swap3A_721 = arith.constant 64 : index
        %swap3A_722 = tpu.vector_load %arg18[%swap3A_720, %swap3A_721] {strides = array<i32>} : memref<80x128xf32, #tpu.memory_space<vmem>>, vector<16xf32>,
        tpu.vector_store %arg18[%swap3A_720, %swap3A_721], %max3A_717 {strides = array<i32>} : memref<80x128xf32, #tpu.memory_space<vmem>>, vector<16xf32>,
        %add3A_723 = arith.addf %get3A_564, %get3A_648 : vector<16xf32>
        %max3A_724 = arith.constant 0.000000e+00 : f32
        %max3A_725 = vector.broadcast %max3A_724 : f32 to vector<16xf32>
        %max3A_726 = arith.maximumf %add3A_723, %max3A_725 : vector<16xf32>
        %mul3A_727 = arith.constant 2 : i32
        %mul3A_728 = arith.muli %mul3A_727, %add3A_534 : i32
        %swap3A_729 = arith.index_cast %mul3A_728 : i32 to index
        %swap3A_730 = arith.constant 80 : index
        %swap3A_731 = tpu.vector_load %arg18[%swap3A_729, %swap3A_730] {strides = array<i32>} : memref<80x128xf32, #tpu.memory_space<vmem>>, vector<16xf32>,
        tpu.vector_store %arg18[%swap3A_729, %swap3A_730], %max3A_726 {strides = array<i32>} : memref<80x128xf32, #tpu.memory_space<vmem>>, vector<16xf32>,
        %add3A_732 = arith.addf %get3A_569, %get3A_651 : vector<16xf32>
        %max3A_733 = arith.constant 0.000000e+00 : f32
        %max3A_734 = vector.broadcast %max3A_733 : f32 to vector<16xf32>
        %max3A_735 = arith.maximumf %add3A_732, %max3A_734 : vector<16xf32>
        %mul3A_736 = arith.constant 2 : i32
        %mul3A_737 = arith.muli %mul3A_736, %add3A_534 : i32
        %swap3A_738 = arith.index_cast %mul3A_737 : i32 to index
        %swap3A_739 = arith.constant 96 : index
        %swap3A_740 = tpu.vector_load %arg18[%swap3A_738, %swap3A_739] {strides = array<i32>} : memref<80x128xf32, #tpu.memory_space<vmem>>, vector<16xf32>,
        tpu.vector_store %arg18[%swap3A_738, %swap3A_739], %max3A_735 {strides = array<i32>} : memref<80x128xf32, #tpu.memory_space<vmem>>, vector<16xf32>,
        %add3A_741 = arith.addf %get3A_574, %get3A_654 : vector<16xf32>
        %max3A_742 = arith.constant 0.000000e+00 : f32
        %max3A_743 = vector.broadcast %max3A_742 : f32 to vector<16xf32>
        %max3A_744 = arith.maximumf %add3A_741, %max3A_743 : vector<16xf32>
        %mul3A_745 = arith.constant 2 : i32
        %mul3A_746 = arith.muli %mul3A_745, %add3A_534 : i32
        %swap3A_747 = arith.index_cast %mul3A_746 : i32 to index
        %swap3A_748 = arith.constant 112 : index
        %swap3A_749 = tpu.vector_load %arg18[%swap3A_747, %swap3A_748] {strides = array<i32>} : memref<80x128xf32, #tpu.memory_space<vmem>>, vector<16xf32>,
        tpu.vector_store %arg18[%swap3A_747, %swap3A_748], %max3A_744 {strides = array<i32>} : memref<80x128xf32, #tpu.memory_space<vmem>>, vector<16xf32>,
        %add3A_750 = arith.addf %get3A_581, %get3A_657 : vector<16xf32>
        %max3A_751 = arith.constant 0.000000e+00 : f32
        %max3A_752 = vector.broadcast %max3A_751 : f32 to vector<16xf32>
        %max3A_753 = arith.maximumf %add3A_750, %max3A_752 : vector<16xf32>
        %mul3A_754 = arith.constant 2 : i32
        %mul3A_755 = arith.muli %mul3A_754, %add3A_534 : i32
        %add3A_756 = arith.constant 1 : i32
        %add3A_757 = arith.addi %mul3A_755, %add3A_756 : i32
        %swap3A_758 = arith.index_cast %add3A_757 : i32 to index
        %swap3A_759 = arith.constant 0 : index
        %swap3A_760 = tpu.vector_load %arg18[%swap3A_758, %swap3A_759] {strides = array<i32>} : memref<80x128xf32, #tpu.memory_space<vmem>>, vector<16xf32>,
        tpu.vector_store %arg18[%swap3A_758, %swap3A_759], %max3A_753 {strides = array<i32>} : memref<80x128xf32, #tpu.memory_space<vmem>>, vector<16xf32>,
        %add3A_761 = arith.addf %get3A_588, %get3A_660 : vector<16xf32>
        %max3A_762 = arith.constant 0.000000e+00 : f32
        %max3A_763 = vector.broadcast %max3A_762 : f32 to vector<16xf32>
        %max3A_764 = arith.maximumf %add3A_761, %max3A_763 : vector<16xf32>
        %mul3A_765 = arith.constant 2 : i32
        %mul3A_766 = arith.muli %mul3A_765, %add3A_534 : i32
        %add3A_767 = arith.constant 1 : i32
        %add3A_768 = arith.addi %mul3A_766, %add3A_767 : i32
        %swap3A_769 = arith.index_cast %add3A_768 : i32 to index
        %swap3A_770 = arith.constant 16 : index
        %swap3A_771 = tpu.vector_load %arg18[%swap3A_769, %swap3A_770] {strides = array<i32>} : memref<80x128xf32, #tpu.memory_space<vmem>>, vector<16xf32>,
        tpu.vector_store %arg18[%swap3A_769, %swap3A_770], %max3A_764 {strides = array<i32>} : memref<80x128xf32, #tpu.memory_space<vmem>>, vector<16xf32>,
        %add3A_772 = arith.addf %get3A_595, %get3A_663 : vector<16xf32>
        %max3A_773 = arith.constant 0.000000e+00 : f32
        %max3A_774 = vector.broadcast %max3A_773 : f32 to vector<16xf32>
        %max3A_775 = arith.maximumf %add3A_772, %max3A_774 : vector<16xf32>
        %mul3A_776 = arith.constant 2 : i32
        %mul3A_777 = arith.muli %mul3A_776, %add3A_534 : i32
        %add3A_778 = arith.constant 1 : i32
        %add3A_779 = arith.addi %mul3A_777, %add3A_778 : i32
        %swap3A_780 = arith.index_cast %add3A_779 : i32 to index
        %swap3A_781 = arith.constant 32 : index
        %swap3A_782 = tpu.vector_load %arg18[%swap3A_780, %swap3A_781] {strides = array<i32>} : memref<80x128xf32, #tpu.memory_space<vmem>>, vector<16xf32>,
        tpu.vector_store %arg18[%swap3A_780, %swap3A_781], %max3A_775 {strides = array<i32>} : memref<80x128xf32, #tpu.memory_space<vmem>>, vector<16xf32>,
        %add3A_783 = arith.addf %get3A_602, %get3A_666 : vector<16xf32>
        %max3A_784 = arith.constant 0.000000e+00 : f32
        %max3A_785 = vector.broadcast %max3A_784 : f32 to vector<16xf32>
        %max3A_786 = arith.maximumf %add3A_783, %max3A_785 : vector<16xf32>
        %mul3A_787 = arith.constant 2 : i32
        %mul3A_788 = arith.muli %mul3A_787, %add3A_534 : i32
        %add3A_789 = arith.constant 1 : i32
        %add3A_790 = arith.addi %mul3A_788, %add3A_789 : i32
        %swap3A_791 = arith.index_cast %add3A_790 : i32 to index
        %swap3A_792 = arith.constant 48 : index
        %swap3A_793 = tpu.vector_load %arg18[%swap3A_791, %swap3A_792] {strides = array<i32>} : memref<80x128xf32, #tpu.memory_space<vmem>>, vector<16xf32>,
        tpu.vector_store %arg18[%swap3A_791, %swap3A_792], %max3A_786 {strides = array<i32>} : memref<80x128xf32, #tpu.memory_space<vmem>>, vector<16xf32>,
        %add3A_794 = arith.addf %get3A_609, %get3A_669 : vector<16xf32>
        %max3A_795 = arith.constant 0.000000e+00 : f32
        %max3A_796 = vector.broadcast %max3A_795 : f32 to vector<16xf32>
        %max3A_797 = arith.maximumf %add3A_794, %max3A_796 : vector<16xf32>
        %mul3A_798 = arith.constant 2 : i32
        %mul3A_799 = arith.muli %mul3A_798, %add3A_534 : i32
        %add3A_800 = arith.constant 1 : i32
        %add3A_801 = arith.addi %mul3A_799, %add3A_800 : i32
        %swap3A_802 = arith.index_cast %add3A_801 : i32 to index
        %swap3A_803 = arith.constant 64 : index
        %swap3A_804 = tpu.vector_load %arg18[%swap3A_802, %swap3A_803] {strides = array<i32>} : memref<80x128xf32, #tpu.memory_space<vmem>>, vector<16xf32>,
        tpu.vector_store %arg18[%swap3A_802, %swap3A_803], %max3A_797 {strides = array<i32>} : memref<80x128xf32, #tpu.memory_space<vmem>>, vector<16xf32>,
        %add3A_805 = arith.addf %get3A_616, %get3A_672 : vector<16xf32>
        %max3A_806 = arith.constant 0.000000e+00 : f32
        %max3A_807 = vector.broadcast %max3A_806 : f32 to vector<16xf32>
        %max3A_808 = arith.maximumf %add3A_805, %max3A_807 : vector<16xf32>
        %mul3A_809 = arith.constant 2 : i32
        %mul3A_810 = arith.muli %mul3A_809, %add3A_534 : i32
        %add3A_811 = arith.constant 1 : i32
        %add3A_812 = arith.addi %mul3A_810, %add3A_811 : i32
        %swap3A_813 = arith.index_cast %add3A_812 : i32 to index
        %swap3A_814 = arith.constant 80 : index
        %swap3A_815 = tpu.vector_load %arg18[%swap3A_813, %swap3A_814] {strides = array<i32>} : memref<80x128xf32, #tpu.memory_space<vmem>>, vector<16xf32>,
        tpu.vector_store %arg18[%swap3A_813, %swap3A_814], %max3A_808 {strides = array<i32>} : memref<80x128xf32, #tpu.memory_space<vmem>>, vector<16xf32>,
        %add3A_816 = arith.addf %get3A_623, %get3A_675 : vector<16xf32>
        %max3A_817 = arith.constant 0.000000e+00 : f32
        %max3A_818 = vector.broadcast %max3A_817 : f32 to vector<16xf32>
        %max3A_819 = arith.maximumf %add3A_816, %max3A_818 : vector<16xf32>
        %mul3A_820 = arith.constant 2 : i32
        %mul3A_821 = arith.muli %mul3A_820, %add3A_534 : i32
        %add3A_822 = arith.constant 1 : i32
        %add3A_823 = arith.addi %mul3A_821, %add3A_822 : i32
        %swap3A_824 = arith.index_cast %add3A_823 : i32 to index
        %swap3A_825 = arith.constant 96 : index
        %swap3A_826 = tpu.vector_load %arg18[%swap3A_824, %swap3A_825] {strides = array<i32>} : memref<80x128xf32, #tpu.memory_space<vmem>>, vector<16xf32>,
        tpu.vector_store %arg18[%swap3A_824, %swap3A_825], %max3A_819 {strides = array<i32>} : memref<80x128xf32, #tpu.memory_space<vmem>>, vector<16xf32>,
        %add3A_827 = arith.addf %get3A_630, %get3A_678 : vector<16xf32>
        %max3A_828 = arith.constant 0.000000e+00 : f32
        %max3A_829 = vector.broadcast %max3A_828 : f32 to vector<16xf32>
        %max3A_830 = arith.maximumf %add3A_827, %max3A_829 : vector<16xf32>
        %mul3A_831 = arith.constant 2 : i32
        %mul3A_832 = arith.muli %mul3A_831, %add3A_534 : i32
        %add3A_833 = arith.constant 1 : i32
        %add3A_834 = arith.addi %mul3A_832, %add3A_833 : i32
        %swap3A_835 = arith.index_cast %add3A_834 : i32 to index
        %swap3A_836 = arith.constant 112 : index
        %swap3A_837 = tpu.vector_load %arg18[%swap3A_835, %swap3A_836] {strides = array<i32>} : memref<80x128xf32, #tpu.memory_space<vmem>>, vector<16xf32>,
        tpu.vector_store %arg18[%swap3A_835, %swap3A_836], %max3A_830 {strides = array<i32>} : memref<80x128xf32, #tpu.memory_space<vmem>>, vector<16xf32>,
      }
      %scan3A_433 = arith.constant 40 : i32
      %dma_start3A_434 = arith.constant 0 : i32
      %dma_start3A_435 = arith.constant 0 : i32
      %dma_start3A_436 = tpu.memref_slice %arg20[%dma_start3A_434, %dma_start3A_435] : memref<10240x128xf32, #tpu.memory_space<vmem_shared>> -> memref<10240x128xf32, #tpu.memory_space<vmem_shared>>
      tpu.enqueue_indirect_dma source(%arg18 : memref<80x128xf32, #tpu.memory_space<vmem>>) target(%dma_start3A_436 : memref<10240x128xf32, #tpu.memory_space<vmem_shared>>) offsets(%arg14 : memref<80xi32, #tpu.memory_space<vmem>>) semaphore(%arg27 : memref<!tpu.dma_semaphore, #tpu.memory_space<semaphore_mem>>) {add = true}
      %get3A_437 = arith.constant 0 : index
      %get3A_438 = tpu.vector_load %arg14[%get3A_437] {strides = array<i32>} : memref<80xi32, #tpu.memory_space<vmem>>, vector<16xi32>,
      %shift_right_logical3A_439 = arith.constant 3 : i32
      %shift_right_logical3A_440 = vector.broadcast %shift_right_logical3A_439 : i32 to vector<16xi32>
      %shift_right_logical3A_441 = arith.shrui %get3A_438, %shift_right_logical3A_440 : vector<16xi32>
      %swap3A_442 = arith.constant 0 : index
      %swap3A_443 = tpu.vector_load %arg17[%swap3A_442] {strides = array<i32>} : memref<16xi32, #tpu.memory_space<vmem>>, vector<16xi32>,
      tpu.vector_store %arg17[%swap3A_442], %shift_right_logical3A_441 {strides = array<i32>} : memref<16xi32, #tpu.memory_space<vmem>>, vector<16xi32>,
      %iota3A_444 = tpu.iota {dimensions = array<i32: 0>} : vector<16xi32>
      %and3A_445 = arith.constant 7 : i32
      %and3A_446 = vector.broadcast %and3A_445 : i32 to vector<16xi32>
      %and3A_447 = arith.andi %get3A_438, %and3A_446 : vector<16xi32>
      %mul3A_448 = arith.constant 16 : i32
      %mul3A_449 = vector.broadcast %mul3A_448 : i32 to vector<16xi32>
      %mul3A_450 = arith.muli %and3A_447, %mul3A_449 : vector<16xi32>
      %broadcast_in_dim3A_451 = arith.constant 1.000000e+00 : f32
      %broadcast_in_dim3A_452 = vector.broadcast %broadcast_in_dim3A_451 : f32 to vector<16xf32>
      tpu.vector_store_idx %arg19[%iota3A_444, %mul3A_450], %broadcast_in_dim3A_452 : memref<16x128xf32, #tpu.memory_space<vmem>>[vector<16xi32>, vector<16xi32>], vector<16xf32>,
      "tpu.region"() ({
        %run_scoped3A = tpu.sem_alloc : memref<!tpu.dma_semaphore, #tpu.memory_space<semaphore_mem>>
        %dma_start3A_530 = arith.constant 0 : i32
        %dma_start3A_531 = arith.constant 0 : i32
        %dma_start3A_532 = tpu.memref_slice %arg21[%dma_start3A_530, %dma_start3A_531] : memref<1280x128xf32, #tpu.memory_space<vmem_shared>> -> memref<1280x128xf32, #tpu.memory_space<vmem_shared>>
        tpu.enqueue_indirect_dma source(%arg19 : memref<16x128xf32, #tpu.memory_space<vmem>>) target(%dma_start3A_532 : memref<1280x128xf32, #tpu.memory_space<vmem_shared>>) offsets(%arg17 : memref<16xi32, #tpu.memory_space<vmem>>) semaphore(%run_scoped3A : memref<!tpu.dma_semaphore, #tpu.memory_space<semaphore_mem>>) {add = true}
        %dma_wait3A_533 = arith.constant 0 : i32
        %dma_wait3A_534 = arith.constant 0 : i32
        %dma_wait3A_535 = tpu.memref_slice %arg21[%dma_wait3A_533, %dma_wait3A_534] : memref<1280x128xf32, #tpu.memory_space<vmem_shared>> -> memref<1280x128xf32, #tpu.memory_space<vmem_shared>>
        tpu.wait_indirect_dma semaphore(%run_scoped3A : memref<!tpu.dma_semaphore, #tpu.memory_space<semaphore_mem>>) src(%arg19 : memref<16x128xf32, #tpu.memory_space<vmem>>) dst(%dma_wait3A_535 : memref<1280x128xf32, #tpu.memory_space<vmem_shared>>)
        tpu.yield
      }) : () -> ()
      %broadcast_in_dim3A_453 = arith.constant 0.000000e+00 : f32
      %broadcast_in_dim3A_454 = vector.broadcast %broadcast_in_dim3A_453 : f32 to vector<16xf32>
      tpu.vector_store_idx %arg19[%iota3A_444, %mul3A_450], %broadcast_in_dim3A_454 : memref<16x128xf32, #tpu.memory_space<vmem>>[vector<16xi32>, vector<16xi32>], vector<16xf32>,
      %get3A_455 = arith.constant 16 : index
      %get3A_456 = tpu.vector_load %arg14[%get3A_455] {strides = array<i32>} : memref<80xi32, #tpu.memory_space<vmem>>, vector<16xi32>,
      %shift_right_logical3A_457 = arith.constant 3 : i32
      %shift_right_logical3A_458 = vector.broadcast %shift_right_logical3A_457 : i32 to vector<16xi32>
      %shift_right_logical3A_459 = arith.shrui %get3A_456, %shift_right_logical3A_458 : vector<16xi32>
      %swap3A_460 = arith.constant 0 : index
      %swap3A_461 = tpu.vector_load %arg17[%swap3A_460] {strides = array<i32>} : memref<16xi32, #tpu.memory_space<vmem>>, vector<16xi32>,
      tpu.vector_store %arg17[%swap3A_460], %shift_right_logical3A_459 {strides = array<i32>} : memref<16xi32, #tpu.memory_space<vmem>>, vector<16xi32>,
      %iota3A_462 = tpu.iota {dimensions = array<i32: 0>} : vector<16xi32>
      %and3A_463 = arith.constant 7 : i32
      %and3A_464 = vector.broadcast %and3A_463 : i32 to vector<16xi32>
      %and3A_465 = arith.andi %get3A_456, %and3A_464 : vector<16xi32>
      %mul3A_466 = arith.constant 16 : i32
      %mul3A_467 = vector.broadcast %mul3A_466 : i32 to vector<16xi32>
      %mul3A_468 = arith.muli %and3A_465, %mul3A_467 : vector<16xi32>
      %broadcast_in_dim3A_469 = arith.constant 1.000000e+00 : f32
      %broadcast_in_dim3A_470 = vector.broadcast %broadcast_in_dim3A_469 : f32 to vector<16xf32>
      tpu.vector_store_idx %arg19[%iota3A_462, %mul3A_468], %broadcast_in_dim3A_470 : memref<16x128xf32, #tpu.memory_space<vmem>>[vector<16xi32>, vector<16xi32>], vector<16xf32>,
      "tpu.region"() ({
        %run_scoped3A = tpu.sem_alloc : memref<!tpu.dma_semaphore, #tpu.memory_space<semaphore_mem>>
        %dma_start3A_530 = arith.constant 0 : i32
        %dma_start3A_531 = arith.constant 0 : i32
        %dma_start3A_532 = tpu.memref_slice %arg21[%dma_start3A_530, %dma_start3A_531] : memref<1280x128xf32, #tpu.memory_space<vmem_shared>> -> memref<1280x128xf32, #tpu.memory_space<vmem_shared>>
        tpu.enqueue_indirect_dma source(%arg19 : memref<16x128xf32, #tpu.memory_space<vmem>>) target(%dma_start3A_532 : memref<1280x128xf32, #tpu.memory_space<vmem_shared>>) offsets(%arg17 : memref<16xi32, #tpu.memory_space<vmem>>) semaphore(%run_scoped3A : memref<!tpu.dma_semaphore, #tpu.memory_space<semaphore_mem>>) {add = true}
        %dma_wait3A_533 = arith.constant 0 : i32
        %dma_wait3A_534 = arith.constant 0 : i32
        %dma_wait3A_535 = tpu.memref_slice %arg21[%dma_wait3A_533, %dma_wait3A_534] : memref<1280x128xf32, #tpu.memory_space<vmem_shared>> -> memref<1280x128xf32, #tpu.memory_space<vmem_shared>>
        tpu.wait_indirect_dma semaphore(%run_scoped3A : memref<!tpu.dma_semaphore, #tpu.memory_space<semaphore_mem>>) src(%arg19 : memref<16x128xf32, #tpu.memory_space<vmem>>) dst(%dma_wait3A_535 : memref<1280x128xf32, #tpu.memory_space<vmem_shared>>)
        tpu.yield
      }) : () -> ()
      %broadcast_in_dim3A_471 = arith.constant 0.000000e+00 : f32
      %broadcast_in_dim3A_472 = vector.broadcast %broadcast_in_dim3A_471 : f32 to vector<16xf32>
      tpu.vector_store_idx %arg19[%iota3A_462, %mul3A_468], %broadcast_in_dim3A_472 : memref<16x128xf32, #tpu.memory_space<vmem>>[vector<16xi32>, vector<16xi32>], vector<16xf32>,
      %get3A_473 = arith.constant 32 : index
      %get3A_474 = tpu.vector_load %arg14[%get3A_473] {strides = array<i32>} : memref<80xi32, #tpu.memory_space<vmem>>, vector<16xi32>,
      %shift_right_logical3A_475 = arith.constant 3 : i32
      %shift_right_logical3A_476 = vector.broadcast %shift_right_logical3A_475 : i32 to vector<16xi32>
      %shift_right_logical3A_477 = arith.shrui %get3A_474, %shift_right_logical3A_476 : vector<16xi32>
      %swap3A_478 = arith.constant 0 : index
      %swap3A_479 = tpu.vector_load %arg17[%swap3A_478] {strides = array<i32>} : memref<16xi32, #tpu.memory_space<vmem>>, vector<16xi32>,
      tpu.vector_store %arg17[%swap3A_478], %shift_right_logical3A_477 {strides = array<i32>} : memref<16xi32, #tpu.memory_space<vmem>>, vector<16xi32>,
      %iota3A_480 = tpu.iota {dimensions = array<i32: 0>} : vector<16xi32>
      %and3A_481 = arith.constant 7 : i32
      %and3A_482 = vector.broadcast %and3A_481 : i32 to vector<16xi32>
      %and3A_483 = arith.andi %get3A_474, %and3A_482 : vector<16xi32>
      %mul3A_484 = arith.constant 16 : i32
      %mul3A_485 = vector.broadcast %mul3A_484 : i32 to vector<16xi32>
      %mul3A_486 = arith.muli %and3A_483, %mul3A_485 : vector<16xi32>
      %broadcast_in_dim3A_487 = arith.constant 1.000000e+00 : f32
      %broadcast_in_dim3A_488 = vector.broadcast %broadcast_in_dim3A_487 : f32 to vector<16xf32>
      tpu.vector_store_idx %arg19[%iota3A_480, %mul3A_486], %broadcast_in_dim3A_488 : memref<16x128xf32, #tpu.memory_space<vmem>>[vector<16xi32>, vector<16xi32>], vector<16xf32>,
      "tpu.region"() ({
        %run_scoped3A = tpu.sem_alloc : memref<!tpu.dma_semaphore, #tpu.memory_space<semaphore_mem>>
        %dma_start3A_530 = arith.constant 0 : i32
        %dma_start3A_531 = arith.constant 0 : i32
        %dma_start3A_532 = tpu.memref_slice %arg21[%dma_start3A_530, %dma_start3A_531] : memref<1280x128xf32, #tpu.memory_space<vmem_shared>> -> memref<1280x128xf32, #tpu.memory_space<vmem_shared>>
        tpu.enqueue_indirect_dma source(%arg19 : memref<16x128xf32, #tpu.memory_space<vmem>>) target(%dma_start3A_532 : memref<1280x128xf32, #tpu.memory_space<vmem_shared>>) offsets(%arg17 : memref<16xi32, #tpu.memory_space<vmem>>) semaphore(%run_scoped3A : memref<!tpu.dma_semaphore, #tpu.memory_space<semaphore_mem>>) {add = true}
        %dma_wait3A_533 = arith.constant 0 : i32
        %dma_wait3A_534 = arith.constant 0 : i32
        %dma_wait3A_535 = tpu.memref_slice %arg21[%dma_wait3A_533, %dma_wait3A_534] : memref<1280x128xf32, #tpu.memory_space<vmem_shared>> -> memref<1280x128xf32, #tpu.memory_space<vmem_shared>>
        tpu.wait_indirect_dma semaphore(%run_scoped3A : memref<!tpu.dma_semaphore, #tpu.memory_space<semaphore_mem>>) src(%arg19 : memref<16x128xf32, #tpu.memory_space<vmem>>) dst(%dma_wait3A_535 : memref<1280x128xf32, #tpu.memory_space<vmem_shared>>)
        tpu.yield
      }) : () -> ()
      %broadcast_in_dim3A_489 = arith.constant 0.000000e+00 : f32
      %broadcast_in_dim3A_490 = vector.broadcast %broadcast_in_dim3A_489 : f32 to vector<16xf32>
      tpu.vector_store_idx %arg19[%iota3A_480, %mul3A_486], %broadcast_in_dim3A_490 : memref<16x128xf32, #tpu.memory_space<vmem>>[vector<16xi32>, vector<16xi32>], vector<16xf32>,
      %get3A_491 = arith.constant 48 : index
      %get3A_492 = tpu.vector_load %arg14[%get3A_491] {strides = array<i32>} : memref<80xi32, #tpu.memory_space<vmem>>, vector<16xi32>,
      %shift_right_logical3A_493 = arith.constant 3 : i32
      %shift_right_logical3A_494 = vector.broadcast %shift_right_logical3A_493 : i32 to vector<16xi32>
      %shift_right_logical3A_495 = arith.shrui %get3A_492, %shift_right_logical3A_494 : vector<16xi32>
      %swap3A_496 = arith.constant 0 : index
      %swap3A_497 = tpu.vector_load %arg17[%swap3A_496] {strides = array<i32>} : memref<16xi32, #tpu.memory_space<vmem>>, vector<16xi32>,
      tpu.vector_store %arg17[%swap3A_496], %shift_right_logical3A_495 {strides = array<i32>} : memref<16xi32, #tpu.memory_space<vmem>>, vector<16xi32>,
      %iota3A_498 = tpu.iota {dimensions = array<i32: 0>} : vector<16xi32>
      %and3A_499 = arith.constant 7 : i32
      %and3A_500 = vector.broadcast %and3A_499 : i32 to vector<16xi32>
      %and3A_501 = arith.andi %get3A_492, %and3A_500 : vector<16xi32>
      %mul3A_502 = arith.constant 16 : i32
      %mul3A_503 = vector.broadcast %mul3A_502 : i32 to vector<16xi32>
      %mul3A_504 = arith.muli %and3A_501, %mul3A_503 : vector<16xi32>
      %broadcast_in_dim3A_505 = arith.constant 1.000000e+00 : f32
      %broadcast_in_dim3A_506 = vector.broadcast %broadcast_in_dim3A_505 : f32 to vector<16xf32>
      tpu.vector_store_idx %arg19[%iota3A_498, %mul3A_504], %broadcast_in_dim3A_506 : memref<16x128xf32, #tpu.memory_space<vmem>>[vector<16xi32>, vector<16xi32>], vector<16xf32>,
      "tpu.region"() ({
        %run_scoped3A = tpu.sem_alloc : memref<!tpu.dma_semaphore, #tpu.memory_space<semaphore_mem>>
        %dma_start3A_530 = arith.constant 0 : i32
        %dma_start3A_531 = arith.constant 0 : i32
        %dma_start3A_532 = tpu.memref_slice %arg21[%dma_start3A_530, %dma_start3A_531] : memref<1280x128xf32, #tpu.memory_space<vmem_shared>> -> memref<1280x128xf32, #tpu.memory_space<vmem_shared>>
        tpu.enqueue_indirect_dma source(%arg19 : memref<16x128xf32, #tpu.memory_space<vmem>>) target(%dma_start3A_532 : memref<1280x128xf32, #tpu.memory_space<vmem_shared>>) offsets(%arg17 : memref<16xi32, #tpu.memory_space<vmem>>) semaphore(%run_scoped3A : memref<!tpu.dma_semaphore, #tpu.memory_space<semaphore_mem>>) {add = true}
        %dma_wait3A_533 = arith.constant 0 : i32
        %dma_wait3A_534 = arith.constant 0 : i32
        %dma_wait3A_535 = tpu.memref_slice %arg21[%dma_wait3A_533, %dma_wait3A_534] : memref<1280x128xf32, #tpu.memory_space<vmem_shared>> -> memref<1280x128xf32, #tpu.memory_space<vmem_shared>>
        tpu.wait_indirect_dma semaphore(%run_scoped3A : memref<!tpu.dma_semaphore, #tpu.memory_space<semaphore_mem>>) src(%arg19 : memref<16x128xf32, #tpu.memory_space<vmem>>) dst(%dma_wait3A_535 : memref<1280x128xf32, #tpu.memory_space<vmem_shared>>)
        tpu.yield
      }) : () -> ()
      %broadcast_in_dim3A_507 = arith.constant 0.000000e+00 : f32
      %broadcast_in_dim3A_508 = vector.broadcast %broadcast_in_dim3A_507 : f32 to vector<16xf32>
      tpu.vector_store_idx %arg19[%iota3A_498, %mul3A_504], %broadcast_in_dim3A_508 : memref<16x128xf32, #tpu.memory_space<vmem>>[vector<16xi32>, vector<16xi32>], vector<16xf32>,
      %get3A_509 = arith.constant 64 : index
      %get3A_510 = tpu.vector_load %arg14[%get3A_509] {strides = array<i32>} : memref<80xi32, #tpu.memory_space<vmem>>, vector<16xi32>,
      %shift_right_logical3A_511 = arith.constant 3 : i32
      %shift_right_logical3A_512 = vector.broadcast %shift_right_logical3A_511 : i32 to vector<16xi32>
      %shift_right_logical3A_513 = arith.shrui %get3A_510, %shift_right_logical3A_512 : vector<16xi32>
      %swap3A_514 = arith.constant 0 : index
      %swap3A_515 = tpu.vector_load %arg17[%swap3A_514] {strides = array<i32>} : memref<16xi32, #tpu.memory_space<vmem>>, vector<16xi32>,
      tpu.vector_store %arg17[%swap3A_514], %shift_right_logical3A_513 {strides = array<i32>} : memref<16xi32, #tpu.memory_space<vmem>>, vector<16xi32>,
      %iota3A_516 = tpu.iota {dimensions = array<i32: 0>} : vector<16xi32>
      %and3A_517 = arith.constant 7 : i32
      %and3A_518 = vector.broadcast %and3A_517 : i32 to vector<16xi32>
      %and3A_519 = arith.andi %get3A_510, %and3A_518 : vector<16xi32>
      %mul3A_520 = arith.constant 16 : i32
      %mul3A_521 = vector.broadcast %mul3A_520 : i32 to vector<16xi32>
      %mul3A_522 = arith.muli %and3A_519, %mul3A_521 : vector<16xi32>
      %broadcast_in_dim3A_523 = arith.constant 1.000000e+00 : f32
      %broadcast_in_dim3A_524 = vector.broadcast %broadcast_in_dim3A_523 : f32 to vector<16xf32>
      tpu.vector_store_idx %arg19[%iota3A_516, %mul3A_522], %broadcast_in_dim3A_524 : memref<16x128xf32, #tpu.memory_space<vmem>>[vector<16xi32>, vector<16xi32>], vector<16xf32>,
      "tpu.region"() ({
        %run_scoped3A = tpu.sem_alloc : memref<!tpu.dma_semaphore, #tpu.memory_space<semaphore_mem>>
        %dma_start3A_530 = arith.constant 0 : i32
        %dma_start3A_531 = arith.constant 0 : i32
        %dma_start3A_532 = tpu.memref_slice %arg21[%dma_start3A_530, %dma_start3A_531] : memref<1280x128xf32, #tpu.memory_space<vmem_shared>> -> memref<1280x128xf32, #tpu.memory_space<vmem_shared>>
        tpu.enqueue_indirect_dma source(%arg19 : memref<16x128xf32, #tpu.memory_space<vmem>>) target(%dma_start3A_532 : memref<1280x128xf32, #tpu.memory_space<vmem_shared>>) offsets(%arg17 : memref<16xi32, #tpu.memory_space<vmem>>) semaphore(%run_scoped3A : memref<!tpu.dma_semaphore, #tpu.memory_space<semaphore_mem>>) {add = true}
        %dma_wait3A_533 = arith.constant 0 : i32
        %dma_wait3A_534 = arith.constant 0 : i32
        %dma_wait3A_535 = tpu.memref_slice %arg21[%dma_wait3A_533, %dma_wait3A_534] : memref<1280x128xf32, #tpu.memory_space<vmem_shared>> -> memref<1280x128xf32, #tpu.memory_space<vmem_shared>>
        tpu.wait_indirect_dma semaphore(%run_scoped3A : memref<!tpu.dma_semaphore, #tpu.memory_space<semaphore_mem>>) src(%arg19 : memref<16x128xf32, #tpu.memory_space<vmem>>) dst(%dma_wait3A_535 : memref<1280x128xf32, #tpu.memory_space<vmem_shared>>)
        tpu.yield
      }) : () -> ()
      %broadcast_in_dim3A_525 = arith.constant 0.000000e+00 : f32
      %broadcast_in_dim3A_526 = vector.broadcast %broadcast_in_dim3A_525 : f32 to vector<16xf32>
      tpu.vector_store_idx %arg19[%iota3A_516, %mul3A_522], %broadcast_in_dim3A_526 : memref<16x128xf32, #tpu.memory_space<vmem>>[vector<16xi32>, vector<16xi32>], vector<16xf32>,
      %dma_wait3A_527 = arith.constant 0 : i32
      %dma_wait3A_528 = arith.constant 0 : i32
      %dma_wait3A_529 = tpu.memref_slice %arg20[%dma_wait3A_527, %dma_wait3A_528] : memref<10240x128xf32, #tpu.memory_space<vmem_shared>> -> memref<10240x128xf32, #tpu.memory_space<vmem_shared>>
      tpu.wait_indirect_dma semaphore(%arg27 : memref<!tpu.dma_semaphore, #tpu.memory_space<semaphore_mem>>) src(%arg18 : memref<80x128xf32, #tpu.memory_space<vmem>>) dst(%dma_wait3A_529 : memref<10240x128xf32, #tpu.memory_space<vmem_shared>>)
    }
    %scan3A_40 = arith.constant 62 : i32
    %dma_wait3A = arith.constant 0 : i32
    %dma_wait3A_41 = tpu.memref_slice %arg5[%dma_wait3A] : memref<320000xi32, #tpu.memory_space<hbm>> -> memref<80xi32, #tpu.memory_space<hbm>>
    %dma_wait3A_42 = arith.constant 0 : i32
    %dma_wait3A_43 = tpu.memref_slice %arg5[%dma_wait3A_42] : memref<320000xi32, #tpu.memory_space<hbm>> -> memref<80xi32, #tpu.memory_space<hbm>>
    tpu.wait_dma2 semaphore(%arg23 : memref<!tpu.dma_semaphore, #tpu.memory_space<semaphore_mem>>) src(%dma_wait3A_43 : memref<80xi32, #tpu.memory_space<hbm>>) dst(%arg9 : memref<80xi32, #tpu.memory_space<vmem>>)
    %dma_wait3A_44 = arith.constant 0 : i32
    %dma_wait3A_45 = tpu.memref_slice %arg6[%dma_wait3A_44] : memref<320000xi32, #tpu.memory_space<hbm>> -> memref<80xi32, #tpu.memory_space<hbm>>
    %dma_wait3A_46 = arith.constant 0 : i32
    %dma_wait3A_47 = tpu.memref_slice %arg6[%dma_wait3A_46] : memref<320000xi32, #tpu.memory_space<hbm>> -> memref<80xi32, #tpu.memory_space<hbm>>
    tpu.wait_dma2 semaphore(%arg24 : memref<!tpu.dma_semaphore, #tpu.memory_space<semaphore_mem>>) src(%dma_wait3A_47 : memref<80xi32, #tpu.memory_space<hbm>>) dst(%arg10 : memref<80xi32, #tpu.memory_space<vmem>>)
    %dma_start3A_48 = arith.constant 0 : i32
    %dma_start3A_49 = arith.constant 0 : i32
    %dma_start3A_50 = tpu.memref_slice %arg2[%dma_start3A_48, %dma_start3A_49] : memref<10000x128xf32, #tpu.memory_space<hbm>> -> memref<10000x128xf32, #tpu.memory_space<hbm>>
    tpu.enqueue_indirect_dma source(%dma_start3A_50 : memref<10000x128xf32, #tpu.memory_space<hbm>>) target(%arg18 : memref<80x128xf32, #tpu.memory_space<vmem>>) offsets(%arg9 : memref<80xi32, #tpu.memory_space<vmem>>) semaphore(%arg22 : memref<!tpu.dma_semaphore, #tpu.memory_space<semaphore_mem>>)
    %dma_wait3A_51 = arith.constant 0 : i32
    %dma_wait3A_52 = arith.constant 0 : i32
    %dma_wait3A_53 = tpu.memref_slice %arg3[%dma_wait3A_51, %dma_wait3A_52] : memref<160000x128xf32, #tpu.memory_space<hbm>> -> memref<40x128xf32, #tpu.memory_space<hbm>>
    %dma_wait3A_54 = arith.constant 0 : i32
    %dma_wait3A_55 = arith.constant 0 : i32
    %dma_wait3A_56 = tpu.memref_slice %arg3[%dma_wait3A_54, %dma_wait3A_55] : memref<160000x128xf32, #tpu.memory_space<hbm>> -> memref<40x128xf32, #tpu.memory_space<hbm>>
    tpu.wait_dma2 semaphore(%arg25 : memref<!tpu.dma_semaphore, #tpu.memory_space<semaphore_mem>>) src(%dma_wait3A_56 : memref<40x128xf32, #tpu.memory_space<hbm>>) dst(%arg11 : memref<40x128xf32, #tpu.memory_space<vmem>>)
    %dma_wait3A_57 = arith.constant 0 : i32
    %dma_wait3A_58 = arith.constant 0 : i32
    %dma_wait3A_59 = tpu.memref_slice %arg4[%dma_wait3A_57, %dma_wait3A_58] : memref<160000x128xf32, #tpu.memory_space<hbm>> -> memref<40x128xf32, #tpu.memory_space<hbm>>
    %dma_wait3A_60 = arith.constant 0 : i32
    %dma_wait3A_61 = arith.constant 0 : i32
    %dma_wait3A_62 = tpu.memref_slice %arg4[%dma_wait3A_60, %dma_wait3A_61] : memref<160000x128xf32, #tpu.memory_space<hbm>> -> memref<40x128xf32, #tpu.memory_space<hbm>>
    tpu.wait_dma2 semaphore(%arg26 : memref<!tpu.dma_semaphore, #tpu.memory_space<semaphore_mem>>) src(%dma_wait3A_62 : memref<40x128xf32, #tpu.memory_space<hbm>>) dst(%arg12 : memref<40x128xf32, #tpu.memory_space<vmem>>)
    %min3A = arith.constant 125 : i32
    %min3A_63 = arith.constant 124 : i32
    %min3A_64 = arith.minsi %min3A, %min3A_63 : i32
    %mul3A_65 = arith.constant 10000 : i32
    %mul3A_66 = arith.muli %add3A, %mul3A_65 : i32
    %mul3A_67 = arith.constant 80 : i32
    %mul3A_68 = arith.muli %min3A_64, %mul3A_67 : i32
    %add3A_69 = arith.addi %mul3A_66, %mul3A_68 : i32
    %mul3A_70 = arith.constant 5000 : i32
    %mul3A_71 = arith.muli %add3A, %mul3A_70 : i32
    %mul3A_72 = arith.constant 40 : i32
    %mul3A_73 = arith.muli %min3A_64, %mul3A_72 : i32
    %add3A_74 = arith.addi %mul3A_71, %mul3A_73 : i32
    %multiple_of3A_75 = tpu.assume_multiple %add3A_74, 8 : i32
    %dma_start3A_76 = tpu.memref_slice %arg5[%add3A_69] : memref<320000xi32, #tpu.memory_space<hbm>> -> memref<80xi32, #tpu.memory_space<hbm>>
    %dma_start3A_77 = tpu.memref_slice %arg5[%add3A_69] : memref<320000xi32, #tpu.memory_space<hbm>> -> memref<80xi32, #tpu.memory_space<hbm>>
    tpu.enqueue_dma source(%dma_start3A_77 : memref<80xi32, #tpu.memory_space<hbm>>) target(%arg13 : memref<80xi32, #tpu.memory_space<vmem>>) target_semaphore(%arg23 : memref<!tpu.dma_semaphore, #tpu.memory_space<semaphore_mem>>)
    %dma_start3A_78 = tpu.memref_slice %arg6[%add3A_69] : memref<320000xi32, #tpu.memory_space<hbm>> -> memref<80xi32, #tpu.memory_space<hbm>>
    %dma_start3A_79 = tpu.memref_slice %arg6[%add3A_69] : memref<320000xi32, #tpu.memory_space<hbm>> -> memref<80xi32, #tpu.memory_space<hbm>>
    tpu.enqueue_dma source(%dma_start3A_79 : memref<80xi32, #tpu.memory_space<hbm>>) target(%arg14 : memref<80xi32, #tpu.memory_space<vmem>>) target_semaphore(%arg24 : memref<!tpu.dma_semaphore, #tpu.memory_space<semaphore_mem>>)
    %dma_start3A_80 = arith.constant 0 : i32
    %dma_start3A_81 = tpu.memref_slice %arg3[%multiple_of3A_75, %dma_start3A_80] : memref<160000x128xf32, #tpu.memory_space<hbm>> -> memref<40x128xf32, #tpu.memory_space<hbm>>
    %dma_start3A_82 = arith.constant 0 : i32
    %dma_start3A_83 = tpu.memref_slice %arg3[%multiple_of3A_75, %dma_start3A_82] : memref<160000x128xf32, #tpu.memory_space<hbm>> -> memref<40x128xf32, #tpu.memory_space<hbm>>
    tpu.enqueue_dma source(%dma_start3A_83 : memref<40x128xf32, #tpu.memory_space<hbm>>) target(%arg15 : memref<40x128xf32, #tpu.memory_space<vmem>>) target_semaphore(%arg25 : memref<!tpu.dma_semaphore, #tpu.memory_space<semaphore_mem>>)
    %dma_start3A_84 = arith.constant 0 : i32
    %dma_start3A_85 = tpu.memref_slice %arg4[%multiple_of3A_75, %dma_start3A_84] : memref<160000x128xf32, #tpu.memory_space<hbm>> -> memref<40x128xf32, #tpu.memory_space<hbm>>
    %dma_start3A_86 = arith.constant 0 : i32
    %dma_start3A_87 = tpu.memref_slice %arg4[%multiple_of3A_75, %dma_start3A_86] : memref<160000x128xf32, #tpu.memory_space<hbm>> -> memref<40x128xf32, #tpu.memory_space<hbm>>
    tpu.enqueue_dma source(%dma_start3A_87 : memref<40x128xf32, #tpu.memory_space<hbm>>) target(%arg16 : memref<40x128xf32, #tpu.memory_space<vmem>>) target_semaphore(%arg26 : memref<!tpu.dma_semaphore, #tpu.memory_space<semaphore_mem>>)
    %dma_wait3A_88 = arith.constant 0 : i32
    %dma_wait3A_89 = arith.constant 0 : i32
    %dma_wait3A_90 = tpu.memref_slice %arg2[%dma_wait3A_88, %dma_wait3A_89] : memref<10000x128xf32, #tpu.memory_space<hbm>> -> memref<10000x128xf32, #tpu.memory_space<hbm>>
    tpu.wait_indirect_dma semaphore(%arg22 : memref<!tpu.dma_semaphore, #tpu.memory_space<semaphore_mem>>) src(%dma_wait3A_90 : memref<10000x128xf32, #tpu.memory_space<hbm>>) dst(%arg18 : memref<80x128xf32, #tpu.memory_space<vmem>>)
    %scan3A_91 = arith.constant 0 : i32
    %scan3A_92 = arith.constant 40 : i32
    %scan3A_93 = arith.addi %scan3A_91, %scan3A_92 : i32
    %scan3A_94 = arith.constant 1 : i32
    scf.for %scan3A_215 = %scan3A_91 to %scan3A_93 step %scan3A_94  : i32 {
      %mul3A_216 = arith.constant 1 : i32
      %mul3A_217 = arith.muli %scan3A_215, %mul3A_216 : i32
      %add3A_218 = arith.constant 0 : i32
      %add3A_219 = arith.addi %add3A_218, %mul3A_217 : i32
      %mul3A_220 = arith.constant 2 : i32
      %mul3A_221 = arith.muli %mul3A_220, %add3A_219 : i32
      %get3A_222 = arith.index_cast %mul3A_221 : i32 to index
      %get3A_223 = arith.constant 0 : index
      %get3A_224 = tpu.vector_load %arg18[%get3A_222, %get3A_223] {strides = array<i32>} : memref<80x128xf32, #tpu.memory_space<vmem>>, vector<16xf32>,
      %mul3A_225 = arith.constant 2 : i32
      %mul3A_226 = arith.muli %mul3A_225, %add3A_219 : i32
      %get3A_227 = arith.index_cast %mul3A_226 : i32 to index
      %get3A_228 = arith.constant 16 : index
      %get3A_229 = tpu.vector_load %arg18[%get3A_227, %get3A_228] {strides = array<i32>} : memref<80x128xf32, #tpu.memory_space<vmem>>, vector<16xf32>,
      %mul3A_230 = arith.constant 2 : i32
      %mul3A_231 = arith.muli %mul3A_230, %add3A_219 : i32
      %get3A_232 = arith.index_cast %mul3A_231 : i32 to index
      %get3A_233 = arith.constant 32 : index
      %get3A_234 = tpu.vector_load %arg18[%get3A_232, %get3A_233] {strides = array<i32>} : memref<80x128xf32, #tpu.memory_space<vmem>>, vector<16xf32>,
      %mul3A_235 = arith.constant 2 : i32
      %mul3A_236 = arith.muli %mul3A_235, %add3A_219 : i32
      %get3A_237 = arith.index_cast %mul3A_236 : i32 to index
      %get3A_238 = arith.constant 48 : index
      %get3A_239 = tpu.vector_load %arg18[%get3A_237, %get3A_238] {strides = array<i32>} : memref<80x128xf32, #tpu.memory_space<vmem>>, vector<16xf32>,
      %mul3A_240 = arith.constant 2 : i32
      %mul3A_241 = arith.muli %mul3A_240, %add3A_219 : i32
      %get3A_242 = arith.index_cast %mul3A_241 : i32 to index
      %get3A_243 = arith.constant 64 : index
      %get3A_244 = tpu.vector_load %arg18[%get3A_242, %get3A_243] {strides = array<i32>} : memref<80x128xf32, #tpu.memory_space<vmem>>, vector<16xf32>,
      %mul3A_245 = arith.constant 2 : i32
      %mul3A_246 = arith.muli %mul3A_245, %add3A_219 : i32
      %get3A_247 = arith.index_cast %mul3A_246 : i32 to index
      %get3A_248 = arith.constant 80 : index
      %get3A_249 = tpu.vector_load %arg18[%get3A_247, %get3A_248] {strides = array<i32>} : memref<80x128xf32, #tpu.memory_space<vmem>>, vector<16xf32>,
      %mul3A_250 = arith.constant 2 : i32
      %mul3A_251 = arith.muli %mul3A_250, %add3A_219 : i32
      %get3A_252 = arith.index_cast %mul3A_251 : i32 to index
      %get3A_253 = arith.constant 96 : index
      %get3A_254 = tpu.vector_load %arg18[%get3A_252, %get3A_253] {strides = array<i32>} : memref<80x128xf32, #tpu.memory_space<vmem>>, vector<16xf32>,
      %mul3A_255 = arith.constant 2 : i32
      %mul3A_256 = arith.muli %mul3A_255, %add3A_219 : i32
      %get3A_257 = arith.index_cast %mul3A_256 : i32 to index
      %get3A_258 = arith.constant 112 : index
      %get3A_259 = tpu.vector_load %arg18[%get3A_257, %get3A_258] {strides = array<i32>} : memref<80x128xf32, #tpu.memory_space<vmem>>, vector<16xf32>,
      %mul3A_260 = arith.constant 2 : i32
      %mul3A_261 = arith.muli %mul3A_260, %add3A_219 : i32
      %add3A_262 = arith.constant 1 : i32
      %add3A_263 = arith.addi %mul3A_261, %add3A_262 : i32
      %get3A_264 = arith.index_cast %add3A_263 : i32 to index
      %get3A_265 = arith.constant 0 : index
      %get3A_266 = tpu.vector_load %arg18[%get3A_264, %get3A_265] {strides = array<i32>} : memref<80x128xf32, #tpu.memory_space<vmem>>, vector<16xf32>,
      %mul3A_267 = arith.constant 2 : i32
      %mul3A_268 = arith.muli %mul3A_267, %add3A_219 : i32
      %add3A_269 = arith.constant 1 : i32
      %add3A_270 = arith.addi %mul3A_268, %add3A_269 : i32
      %get3A_271 = arith.index_cast %add3A_270 : i32 to index
      %get3A_272 = arith.constant 16 : index
      %get3A_273 = tpu.vector_load %arg18[%get3A_271, %get3A_272] {strides = array<i32>} : memref<80x128xf32, #tpu.memory_space<vmem>>, vector<16xf32>,
      %mul3A_274 = arith.constant 2 : i32
      %mul3A_275 = arith.muli %mul3A_274, %add3A_219 : i32
      %add3A_276 = arith.constant 1 : i32
      %add3A_277 = arith.addi %mul3A_275, %add3A_276 : i32
      %get3A_278 = arith.index_cast %add3A_277 : i32 to index
      %get3A_279 = arith.constant 32 : index
      %get3A_280 = tpu.vector_load %arg18[%get3A_278, %get3A_279] {strides = array<i32>} : memref<80x128xf32, #tpu.memory_space<vmem>>, vector<16xf32>,
      %mul3A_281 = arith.constant 2 : i32
      %mul3A_282 = arith.muli %mul3A_281, %add3A_219 : i32
      %add3A_283 = arith.constant 1 : i32
      %add3A_284 = arith.addi %mul3A_282, %add3A_283 : i32
      %get3A_285 = arith.index_cast %add3A_284 : i32 to index
      %get3A_286 = arith.constant 48 : index
      %get3A_287 = tpu.vector_load %arg18[%get3A_285, %get3A_286] {strides = array<i32>} : memref<80x128xf32, #tpu.memory_space<vmem>>, vector<16xf32>,
      %mul3A_288 = arith.constant 2 : i32
      %mul3A_289 = arith.muli %mul3A_288, %add3A_219 : i32
      %add3A_290 = arith.constant 1 : i32
      %add3A_291 = arith.addi %mul3A_289, %add3A_290 : i32
      %get3A_292 = arith.index_cast %add3A_291 : i32 to index
      %get3A_293 = arith.constant 64 : index
      %get3A_294 = tpu.vector_load %arg18[%get3A_292, %get3A_293] {strides = array<i32>} : memref<80x128xf32, #tpu.memory_space<vmem>>, vector<16xf32>,
      %mul3A_295 = arith.constant 2 : i32
      %mul3A_296 = arith.muli %mul3A_295, %add3A_219 : i32
      %add3A_297 = arith.constant 1 : i32
      %add3A_298 = arith.addi %mul3A_296, %add3A_297 : i32
      %get3A_299 = arith.index_cast %add3A_298 : i32 to index
      %get3A_300 = arith.constant 80 : index
      %get3A_301 = tpu.vector_load %arg18[%get3A_299, %get3A_300] {strides = array<i32>} : memref<80x128xf32, #tpu.memory_space<vmem>>, vector<16xf32>,
      %mul3A_302 = arith.constant 2 : i32
      %mul3A_303 = arith.muli %mul3A_302, %add3A_219 : i32
      %add3A_304 = arith.constant 1 : i32
      %add3A_305 = arith.addi %mul3A_303, %add3A_304 : i32
      %get3A_306 = arith.index_cast %add3A_305 : i32 to index
      %get3A_307 = arith.constant 96 : index
      %get3A_308 = tpu.vector_load %arg18[%get3A_306, %get3A_307] {strides = array<i32>} : memref<80x128xf32, #tpu.memory_space<vmem>>, vector<16xf32>,
      %mul3A_309 = arith.constant 2 : i32
      %mul3A_310 = arith.muli %mul3A_309, %add3A_219 : i32
      %add3A_311 = arith.constant 1 : i32
      %add3A_312 = arith.addi %mul3A_310, %add3A_311 : i32
      %get3A_313 = arith.index_cast %add3A_312 : i32 to index
      %get3A_314 = arith.constant 112 : index
      %get3A_315 = tpu.vector_load %arg18[%get3A_313, %get3A_314] {strides = array<i32>} : memref<80x128xf32, #tpu.memory_space<vmem>>, vector<16xf32>,
      %get3A_316 = arith.index_cast %add3A_219 : i32 to index
      %get3A_317 = arith.constant 0 : index
      %get3A_318 = tpu.vector_load %arg11[%get3A_316, %get3A_317] {strides = array<i32>} : memref<40x128xf32, #tpu.memory_space<vmem>>, vector<16xf32>,
      %get3A_319 = arith.index_cast %add3A_219 : i32 to index
      %get3A_320 = arith.constant 16 : index
      %get3A_321 = tpu.vector_load %arg11[%get3A_319, %get3A_320] {strides = array<i32>} : memref<40x128xf32, #tpu.memory_space<vmem>>, vector<16xf32>,
      %get3A_322 = arith.index_cast %add3A_219 : i32 to index
      %get3A_323 = arith.constant 32 : index
      %get3A_324 = tpu.vector_load %arg11[%get3A_322, %get3A_323] {strides = array<i32>} : memref<40x128xf32, #tpu.memory_space<vmem>>, vector<16xf32>,
      %get3A_325 = arith.index_cast %add3A_219 : i32 to index
      %get3A_326 = arith.constant 48 : index
      %get3A_327 = tpu.vector_load %arg11[%get3A_325, %get3A_326] {strides = array<i32>} : memref<40x128xf32, #tpu.memory_space<vmem>>, vector<16xf32>,
      %get3A_328 = arith.index_cast %add3A_219 : i32 to index
      %get3A_329 = arith.constant 64 : index
      %get3A_330 = tpu.vector_load %arg11[%get3A_328, %get3A_329] {strides = array<i32>} : memref<40x128xf32, #tpu.memory_space<vmem>>, vector<16xf32>,
      %get3A_331 = arith.index_cast %add3A_219 : i32 to index
      %get3A_332 = arith.constant 80 : index
      %get3A_333 = tpu.vector_load %arg11[%get3A_331, %get3A_332] {strides = array<i32>} : memref<40x128xf32, #tpu.memory_space<vmem>>, vector<16xf32>,
      %get3A_334 = arith.index_cast %add3A_219 : i32 to index
      %get3A_335 = arith.constant 96 : index
      %get3A_336 = tpu.vector_load %arg11[%get3A_334, %get3A_335] {strides = array<i32>} : memref<40x128xf32, #tpu.memory_space<vmem>>, vector<16xf32>,
      %get3A_337 = arith.index_cast %add3A_219 : i32 to index
      %get3A_338 = arith.constant 112 : index
      %get3A_339 = tpu.vector_load %arg11[%get3A_337, %get3A_338] {strides = array<i32>} : memref<40x128xf32, #tpu.memory_space<vmem>>, vector<16xf32>,
      %get3A_340 = arith.index_cast %add3A_219 : i32 to index
      %get3A_341 = arith.constant 0 : index
      %get3A_342 = tpu.vector_load %arg12[%get3A_340, %get3A_341] {strides = array<i32>} : memref<40x128xf32, #tpu.memory_space<vmem>>, vector<16xf32>,
      %get3A_343 = arith.index_cast %add3A_219 : i32 to index
      %get3A_344 = arith.constant 16 : index
      %get3A_345 = tpu.vector_load %arg12[%get3A_343, %get3A_344] {strides = array<i32>} : memref<40x128xf32, #tpu.memory_space<vmem>>, vector<16xf32>,
      %get3A_346 = arith.index_cast %add3A_219 : i32 to index
      %get3A_347 = arith.constant 32 : index
      %get3A_348 = tpu.vector_load %arg12[%get3A_346, %get3A_347] {strides = array<i32>} : memref<40x128xf32, #tpu.memory_space<vmem>>, vector<16xf32>,
      %get3A_349 = arith.index_cast %add3A_219 : i32 to index
      %get3A_350 = arith.constant 48 : index
      %get3A_351 = tpu.vector_load %arg12[%get3A_349, %get3A_350] {strides = array<i32>} : memref<40x128xf32, #tpu.memory_space<vmem>>, vector<16xf32>,
      %get3A_352 = arith.index_cast %add3A_219 : i32 to index
      %get3A_353 = arith.constant 64 : index
      %get3A_354 = tpu.vector_load %arg12[%get3A_352, %get3A_353] {strides = array<i32>} : memref<40x128xf32, #tpu.memory_space<vmem>>, vector<16xf32>,
      %get3A_355 = arith.index_cast %add3A_219 : i32 to index
      %get3A_356 = arith.constant 80 : index
      %get3A_357 = tpu.vector_load %arg12[%get3A_355, %get3A_356] {strides = array<i32>} : memref<40x128xf32, #tpu.memory_space<vmem>>, vector<16xf32>,
      %get3A_358 = arith.index_cast %add3A_219 : i32 to index
      %get3A_359 = arith.constant 96 : index
      %get3A_360 = tpu.vector_load %arg12[%get3A_358, %get3A_359] {strides = array<i32>} : memref<40x128xf32, #tpu.memory_space<vmem>>, vector<16xf32>,
      %get3A_361 = arith.index_cast %add3A_219 : i32 to index
      %get3A_362 = arith.constant 112 : index
      %get3A_363 = tpu.vector_load %arg12[%get3A_361, %get3A_362] {strides = array<i32>} : memref<40x128xf32, #tpu.memory_space<vmem>>, vector<16xf32>,
      %add3A_364 = arith.addf %get3A_224, %get3A_318 : vector<16xf32>
      %max3A = arith.constant 0.000000e+00 : f32
      %max3A_365 = vector.broadcast %max3A : f32 to vector<16xf32>
      %max3A_366 = arith.maximumf %add3A_364, %max3A_365 : vector<16xf32>
      %mul3A_367 = arith.constant 2 : i32
      %mul3A_368 = arith.muli %mul3A_367, %add3A_219 : i32
      %swap3A_369 = arith.index_cast %mul3A_368 : i32 to index
      %swap3A_370 = arith.constant 0 : index
      %swap3A_371 = tpu.vector_load %arg18[%swap3A_369, %swap3A_370] {strides = array<i32>} : memref<80x128xf32, #tpu.memory_space<vmem>>, vector<16xf32>,
      tpu.vector_store %arg18[%swap3A_369, %swap3A_370], %max3A_366 {strides = array<i32>} : memref<80x128xf32, #tpu.memory_space<vmem>>, vector<16xf32>,
      %add3A_372 = arith.addf %get3A_229, %get3A_321 : vector<16xf32>
      %max3A_373 = arith.constant 0.000000e+00 : f32
      %max3A_374 = vector.broadcast %max3A_373 : f32 to vector<16xf32>
      %max3A_375 = arith.maximumf %add3A_372, %max3A_374 : vector<16xf32>
      %mul3A_376 = arith.constant 2 : i32
      %mul3A_377 = arith.muli %mul3A_376, %add3A_219 : i32
      %swap3A_378 = arith.index_cast %mul3A_377 : i32 to index
      %swap3A_379 = arith.constant 16 : index
      %swap3A_380 = tpu.vector_load %arg18[%swap3A_378, %swap3A_379] {strides = array<i32>} : memref<80x128xf32, #tpu.memory_space<vmem>>, vector<16xf32>,
      tpu.vector_store %arg18[%swap3A_378, %swap3A_379], %max3A_375 {strides = array<i32>} : memref<80x128xf32, #tpu.memory_space<vmem>>, vector<16xf32>,
      %add3A_381 = arith.addf %get3A_234, %get3A_324 : vector<16xf32>
      %max3A_382 = arith.constant 0.000000e+00 : f32
      %max3A_383 = vector.broadcast %max3A_382 : f32 to vector<16xf32>
      %max3A_384 = arith.maximumf %add3A_381, %max3A_383 : vector<16xf32>
      %mul3A_385 = arith.constant 2 : i32
      %mul3A_386 = arith.muli %mul3A_385, %add3A_219 : i32
      %swap3A_387 = arith.index_cast %mul3A_386 : i32 to index
      %swap3A_388 = arith.constant 32 : index
      %swap3A_389 = tpu.vector_load %arg18[%swap3A_387, %swap3A_388] {strides = array<i32>} : memref<80x128xf32, #tpu.memory_space<vmem>>, vector<16xf32>,
      tpu.vector_store %arg18[%swap3A_387, %swap3A_388], %max3A_384 {strides = array<i32>} : memref<80x128xf32, #tpu.memory_space<vmem>>, vector<16xf32>,
      %add3A_390 = arith.addf %get3A_239, %get3A_327 : vector<16xf32>
      %max3A_391 = arith.constant 0.000000e+00 : f32
      %max3A_392 = vector.broadcast %max3A_391 : f32 to vector<16xf32>
      %max3A_393 = arith.maximumf %add3A_390, %max3A_392 : vector<16xf32>
      %mul3A_394 = arith.constant 2 : i32
      %mul3A_395 = arith.muli %mul3A_394, %add3A_219 : i32
      %swap3A_396 = arith.index_cast %mul3A_395 : i32 to index
      %swap3A_397 = arith.constant 48 : index
      %swap3A_398 = tpu.vector_load %arg18[%swap3A_396, %swap3A_397] {strides = array<i32>} : memref<80x128xf32, #tpu.memory_space<vmem>>, vector<16xf32>,
      tpu.vector_store %arg18[%swap3A_396, %swap3A_397], %max3A_393 {strides = array<i32>} : memref<80x128xf32, #tpu.memory_space<vmem>>, vector<16xf32>,
      %add3A_399 = arith.addf %get3A_244, %get3A_330 : vector<16xf32>
      %max3A_400 = arith.constant 0.000000e+00 : f32
      %max3A_401 = vector.broadcast %max3A_400 : f32 to vector<16xf32>
      %max3A_402 = arith.maximumf %add3A_399, %max3A_401 : vector<16xf32>
      %mul3A_403 = arith.constant 2 : i32
      %mul3A_404 = arith.muli %mul3A_403, %add3A_219 : i32
      %swap3A_405 = arith.index_cast %mul3A_404 : i32 to index
      %swap3A_406 = arith.constant 64 : index
      %swap3A_407 = tpu.vector_load %arg18[%swap3A_405, %swap3A_406] {strides = array<i32>} : memref<80x128xf32, #tpu.memory_space<vmem>>, vector<16xf32>,
      tpu.vector_store %arg18[%swap3A_405, %swap3A_406], %max3A_402 {strides = array<i32>} : memref<80x128xf32, #tpu.memory_space<vmem>>, vector<16xf32>,
      %add3A_408 = arith.addf %get3A_249, %get3A_333 : vector<16xf32>
      %max3A_409 = arith.constant 0.000000e+00 : f32
      %max3A_410 = vector.broadcast %max3A_409 : f32 to vector<16xf32>
      %max3A_411 = arith.maximumf %add3A_408, %max3A_410 : vector<16xf32>
      %mul3A_412 = arith.constant 2 : i32
      %mul3A_413 = arith.muli %mul3A_412, %add3A_219 : i32
      %swap3A_414 = arith.index_cast %mul3A_413 : i32 to index
      %swap3A_415 = arith.constant 80 : index
      %swap3A_416 = tpu.vector_load %arg18[%swap3A_414, %swap3A_415] {strides = array<i32>} : memref<80x128xf32, #tpu.memory_space<vmem>>, vector<16xf32>,
      tpu.vector_store %arg18[%swap3A_414, %swap3A_415], %max3A_411 {strides = array<i32>} : memref<80x128xf32, #tpu.memory_space<vmem>>, vector<16xf32>,
      %add3A_417 = arith.addf %get3A_254, %get3A_336 : vector<16xf32>
      %max3A_418 = arith.constant 0.000000e+00 : f32
      %max3A_419 = vector.broadcast %max3A_418 : f32 to vector<16xf32>
      %max3A_420 = arith.maximumf %add3A_417, %max3A_419 : vector<16xf32>
      %mul3A_421 = arith.constant 2 : i32
      %mul3A_422 = arith.muli %mul3A_421, %add3A_219 : i32
      %swap3A_423 = arith.index_cast %mul3A_422 : i32 to index
      %swap3A_424 = arith.constant 96 : index
      %swap3A_425 = tpu.vector_load %arg18[%swap3A_423, %swap3A_424] {strides = array<i32>} : memref<80x128xf32, #tpu.memory_space<vmem>>, vector<16xf32>,
      tpu.vector_store %arg18[%swap3A_423, %swap3A_424], %max3A_420 {strides = array<i32>} : memref<80x128xf32, #tpu.memory_space<vmem>>, vector<16xf32>,
      %add3A_426 = arith.addf %get3A_259, %get3A_339 : vector<16xf32>
      %max3A_427 = arith.constant 0.000000e+00 : f32
      %max3A_428 = vector.broadcast %max3A_427 : f32 to vector<16xf32>
      %max3A_429 = arith.maximumf %add3A_426, %max3A_428 : vector<16xf32>
      %mul3A_430 = arith.constant 2 : i32
      %mul3A_431 = arith.muli %mul3A_430, %add3A_219 : i32
      %swap3A_432 = arith.index_cast %mul3A_431 : i32 to index
      %swap3A_433 = arith.constant 112 : index
      %swap3A_434 = tpu.vector_load %arg18[%swap3A_432, %swap3A_433] {strides = array<i32>} : memref<80x128xf32, #tpu.memory_space<vmem>>, vector<16xf32>,
      tpu.vector_store %arg18[%swap3A_432, %swap3A_433], %max3A_429 {strides = array<i32>} : memref<80x128xf32, #tpu.memory_space<vmem>>, vector<16xf32>,
      %add3A_435 = arith.addf %get3A_266, %get3A_342 : vector<16xf32>
      %max3A_436 = arith.constant 0.000000e+00 : f32
      %max3A_437 = vector.broadcast %max3A_436 : f32 to vector<16xf32>
      %max3A_438 = arith.maximumf %add3A_435, %max3A_437 : vector<16xf32>
      %mul3A_439 = arith.constant 2 : i32
      %mul3A_440 = arith.muli %mul3A_439, %add3A_219 : i32
      %add3A_441 = arith.constant 1 : i32
      %add3A_442 = arith.addi %mul3A_440, %add3A_441 : i32
      %swap3A_443 = arith.index_cast %add3A_442 : i32 to index
      %swap3A_444 = arith.constant 0 : index
      %swap3A_445 = tpu.vector_load %arg18[%swap3A_443, %swap3A_444] {strides = array<i32>} : memref<80x128xf32, #tpu.memory_space<vmem>>, vector<16xf32>,
      tpu.vector_store %arg18[%swap3A_443, %swap3A_444], %max3A_438 {strides = array<i32>} : memref<80x128xf32, #tpu.memory_space<vmem>>, vector<16xf32>,
      %add3A_446 = arith.addf %get3A_273, %get3A_345 : vector<16xf32>
      %max3A_447 = arith.constant 0.000000e+00 : f32
      %max3A_448 = vector.broadcast %max3A_447 : f32 to vector<16xf32>
      %max3A_449 = arith.maximumf %add3A_446, %max3A_448 : vector<16xf32>
      %mul3A_450 = arith.constant 2 : i32
      %mul3A_451 = arith.muli %mul3A_450, %add3A_219 : i32
      %add3A_452 = arith.constant 1 : i32
      %add3A_453 = arith.addi %mul3A_451, %add3A_452 : i32
      %swap3A_454 = arith.index_cast %add3A_453 : i32 to index
      %swap3A_455 = arith.constant 16 : index
      %swap3A_456 = tpu.vector_load %arg18[%swap3A_454, %swap3A_455] {strides = array<i32>} : memref<80x128xf32, #tpu.memory_space<vmem>>, vector<16xf32>,
      tpu.vector_store %arg18[%swap3A_454, %swap3A_455], %max3A_449 {strides = array<i32>} : memref<80x128xf32, #tpu.memory_space<vmem>>, vector<16xf32>,
      %add3A_457 = arith.addf %get3A_280, %get3A_348 : vector<16xf32>
      %max3A_458 = arith.constant 0.000000e+00 : f32
      %max3A_459 = vector.broadcast %max3A_458 : f32 to vector<16xf32>
      %max3A_460 = arith.maximumf %add3A_457, %max3A_459 : vector<16xf32>
      %mul3A_461 = arith.constant 2 : i32
      %mul3A_462 = arith.muli %mul3A_461, %add3A_219 : i32
      %add3A_463 = arith.constant 1 : i32
      %add3A_464 = arith.addi %mul3A_462, %add3A_463 : i32
      %swap3A_465 = arith.index_cast %add3A_464 : i32 to index
      %swap3A_466 = arith.constant 32 : index
      %swap3A_467 = tpu.vector_load %arg18[%swap3A_465, %swap3A_466] {strides = array<i32>} : memref<80x128xf32, #tpu.memory_space<vmem>>, vector<16xf32>,
      tpu.vector_store %arg18[%swap3A_465, %swap3A_466], %max3A_460 {strides = array<i32>} : memref<80x128xf32, #tpu.memory_space<vmem>>, vector<16xf32>,
      %add3A_468 = arith.addf %get3A_287, %get3A_351 : vector<16xf32>
      %max3A_469 = arith.constant 0.000000e+00 : f32
      %max3A_470 = vector.broadcast %max3A_469 : f32 to vector<16xf32>
      %max3A_471 = arith.maximumf %add3A_468, %max3A_470 : vector<16xf32>
      %mul3A_472 = arith.constant 2 : i32
      %mul3A_473 = arith.muli %mul3A_472, %add3A_219 : i32
      %add3A_474 = arith.constant 1 : i32
      %add3A_475 = arith.addi %mul3A_473, %add3A_474 : i32
      %swap3A_476 = arith.index_cast %add3A_475 : i32 to index
      %swap3A_477 = arith.constant 48 : index
      %swap3A_478 = tpu.vector_load %arg18[%swap3A_476, %swap3A_477] {strides = array<i32>} : memref<80x128xf32, #tpu.memory_space<vmem>>, vector<16xf32>,
      tpu.vector_store %arg18[%swap3A_476, %swap3A_477], %max3A_471 {strides = array<i32>} : memref<80x128xf32, #tpu.memory_space<vmem>>, vector<16xf32>,
      %add3A_479 = arith.addf %get3A_294, %get3A_354 : vector<16xf32>
      %max3A_480 = arith.constant 0.000000e+00 : f32
      %max3A_481 = vector.broadcast %max3A_480 : f32 to vector<16xf32>
      %max3A_482 = arith.maximumf %add3A_479, %max3A_481 : vector<16xf32>
      %mul3A_483 = arith.constant 2 : i32
      %mul3A_484 = arith.muli %mul3A_483, %add3A_219 : i32
      %add3A_485 = arith.constant 1 : i32
      %add3A_486 = arith.addi %mul3A_484, %add3A_485 : i32
      %swap3A_487 = arith.index_cast %add3A_486 : i32 to index
      %swap3A_488 = arith.constant 64 : index
      %swap3A_489 = tpu.vector_load %arg18[%swap3A_487, %swap3A_488] {strides = array<i32>} : memref<80x128xf32, #tpu.memory_space<vmem>>, vector<16xf32>,
      tpu.vector_store %arg18[%swap3A_487, %swap3A_488], %max3A_482 {strides = array<i32>} : memref<80x128xf32, #tpu.memory_space<vmem>>, vector<16xf32>,
      %add3A_490 = arith.addf %get3A_301, %get3A_357 : vector<16xf32>
      %max3A_491 = arith.constant 0.000000e+00 : f32
      %max3A_492 = vector.broadcast %max3A_491 : f32 to vector<16xf32>
      %max3A_493 = arith.maximumf %add3A_490, %max3A_492 : vector<16xf32>
      %mul3A_494 = arith.constant 2 : i32
      %mul3A_495 = arith.muli %mul3A_494, %add3A_219 : i32
      %add3A_496 = arith.constant 1 : i32
      %add3A_497 = arith.addi %mul3A_495, %add3A_496 : i32
      %swap3A_498 = arith.index_cast %add3A_497 : i32 to index
      %swap3A_499 = arith.constant 80 : index
      %swap3A_500 = tpu.vector_load %arg18[%swap3A_498, %swap3A_499] {strides = array<i32>} : memref<80x128xf32, #tpu.memory_space<vmem>>, vector<16xf32>,
      tpu.vector_store %arg18[%swap3A_498, %swap3A_499], %max3A_493 {strides = array<i32>} : memref<80x128xf32, #tpu.memory_space<vmem>>, vector<16xf32>,
      %add3A_501 = arith.addf %get3A_308, %get3A_360 : vector<16xf32>
      %max3A_502 = arith.constant 0.000000e+00 : f32
      %max3A_503 = vector.broadcast %max3A_502 : f32 to vector<16xf32>
      %max3A_504 = arith.maximumf %add3A_501, %max3A_503 : vector<16xf32>
      %mul3A_505 = arith.constant 2 : i32
      %mul3A_506 = arith.muli %mul3A_505, %add3A_219 : i32
      %add3A_507 = arith.constant 1 : i32
      %add3A_508 = arith.addi %mul3A_506, %add3A_507 : i32
      %swap3A_509 = arith.index_cast %add3A_508 : i32 to index
      %swap3A_510 = arith.constant 96 : index
      %swap3A_511 = tpu.vector_load %arg18[%swap3A_509, %swap3A_510] {strides = array<i32>} : memref<80x128xf32, #tpu.memory_space<vmem>>, vector<16xf32>,
      tpu.vector_store %arg18[%swap3A_509, %swap3A_510], %max3A_504 {strides = array<i32>} : memref<80x128xf32, #tpu.memory_space<vmem>>, vector<16xf32>,
      %add3A_512 = arith.addf %get3A_315, %get3A_363 : vector<16xf32>
      %max3A_513 = arith.constant 0.000000e+00 : f32
      %max3A_514 = vector.broadcast %max3A_513 : f32 to vector<16xf32>
      %max3A_515 = arith.maximumf %add3A_512, %max3A_514 : vector<16xf32>
      %mul3A_516 = arith.constant 2 : i32
      %mul3A_517 = arith.muli %mul3A_516, %add3A_219 : i32
      %add3A_518 = arith.constant 1 : i32
      %add3A_519 = arith.addi %mul3A_517, %add3A_518 : i32
      %swap3A_520 = arith.index_cast %add3A_519 : i32 to index
      %swap3A_521 = arith.constant 112 : index
      %swap3A_522 = tpu.vector_load %arg18[%swap3A_520, %swap3A_521] {strides = array<i32>} : memref<80x128xf32, #tpu.memory_space<vmem>>, vector<16xf32>,
      tpu.vector_store %arg18[%swap3A_520, %swap3A_521], %max3A_515 {strides = array<i32>} : memref<80x128xf32, #tpu.memory_space<vmem>>, vector<16xf32>,
    }
    %scan3A_95 = arith.constant 40 : i32
    %dma_start3A_96 = arith.constant 0 : i32
    %dma_start3A_97 = arith.constant 0 : i32
    %dma_start3A_98 = tpu.memref_slice %arg20[%dma_start3A_96, %dma_start3A_97] : memref<10240x128xf32, #tpu.memory_space<vmem_shared>> -> memref<10240x128xf32, #tpu.memory_space<vmem_shared>>
    tpu.enqueue_indirect_dma source(%arg18 : memref<80x128xf32, #tpu.memory_space<vmem>>) target(%dma_start3A_98 : memref<10240x128xf32, #tpu.memory_space<vmem_shared>>) offsets(%arg10 : memref<80xi32, #tpu.memory_space<vmem>>) semaphore(%arg27 : memref<!tpu.dma_semaphore, #tpu.memory_space<semaphore_mem>>) {add = true}
    %get3A = arith.constant 0 : index
    %get3A_99 = tpu.vector_load %arg10[%get3A] {strides = array<i32>} : memref<80xi32, #tpu.memory_space<vmem>>, vector<16xi32>,
    %shift_right_logical3A = arith.constant 3 : i32
    %shift_right_logical3A_100 = vector.broadcast %shift_right_logical3A : i32 to vector<16xi32>
    %shift_right_logical3A_101 = arith.shrui %get3A_99, %shift_right_logical3A_100 : vector<16xi32>
    %swap3A = arith.constant 0 : index
    %swap3A_102 = tpu.vector_load %arg17[%swap3A] {strides = array<i32>} : memref<16xi32, #tpu.memory_space<vmem>>, vector<16xi32>,
    tpu.vector_store %arg17[%swap3A], %shift_right_logical3A_101 {strides = array<i32>} : memref<16xi32, #tpu.memory_space<vmem>>, vector<16xi32>,
    %iota3A = tpu.iota {dimensions = array<i32: 0>} : vector<16xi32>
    %and3A = arith.constant 7 : i32
    %and3A_103 = vector.broadcast %and3A : i32 to vector<16xi32>
    %and3A_104 = arith.andi %get3A_99, %and3A_103 : vector<16xi32>
    %mul3A_105 = arith.constant 16 : i32
    %mul3A_106 = vector.broadcast %mul3A_105 : i32 to vector<16xi32>
    %mul3A_107 = arith.muli %and3A_104, %mul3A_106 : vector<16xi32>
    %broadcast_in_dim3A = arith.constant 1.000000e+00 : f32
    %broadcast_in_dim3A_108 = vector.broadcast %broadcast_in_dim3A : f32 to vector<16xf32>
    tpu.vector_store_idx %arg19[%iota3A, %mul3A_107], %broadcast_in_dim3A_108 : memref<16x128xf32, #tpu.memory_space<vmem>>[vector<16xi32>, vector<16xi32>], vector<16xf32>,
    "tpu.region"() ({
      %run_scoped3A = tpu.sem_alloc : memref<!tpu.dma_semaphore, #tpu.memory_space<semaphore_mem>>
      %dma_start3A_215 = arith.constant 0 : i32
      %dma_start3A_216 = arith.constant 0 : i32
      %dma_start3A_217 = tpu.memref_slice %arg21[%dma_start3A_215, %dma_start3A_216] : memref<1280x128xf32, #tpu.memory_space<vmem_shared>> -> memref<1280x128xf32, #tpu.memory_space<vmem_shared>>
      tpu.enqueue_indirect_dma source(%arg19 : memref<16x128xf32, #tpu.memory_space<vmem>>) target(%dma_start3A_217 : memref<1280x128xf32, #tpu.memory_space<vmem_shared>>) offsets(%arg17 : memref<16xi32, #tpu.memory_space<vmem>>) semaphore(%run_scoped3A : memref<!tpu.dma_semaphore, #tpu.memory_space<semaphore_mem>>) {add = true}
      %dma_wait3A_218 = arith.constant 0 : i32
      %dma_wait3A_219 = arith.constant 0 : i32
      %dma_wait3A_220 = tpu.memref_slice %arg21[%dma_wait3A_218, %dma_wait3A_219] : memref<1280x128xf32, #tpu.memory_space<vmem_shared>> -> memref<1280x128xf32, #tpu.memory_space<vmem_shared>>
      tpu.wait_indirect_dma semaphore(%run_scoped3A : memref<!tpu.dma_semaphore, #tpu.memory_space<semaphore_mem>>) src(%arg19 : memref<16x128xf32, #tpu.memory_space<vmem>>) dst(%dma_wait3A_220 : memref<1280x128xf32, #tpu.memory_space<vmem_shared>>)
      tpu.yield
    }) : () -> ()
    %broadcast_in_dim3A_109 = arith.constant 0.000000e+00 : f32
    %broadcast_in_dim3A_110 = vector.broadcast %broadcast_in_dim3A_109 : f32 to vector<16xf32>
    tpu.vector_store_idx %arg19[%iota3A, %mul3A_107], %broadcast_in_dim3A_110 : memref<16x128xf32, #tpu.memory_space<vmem>>[vector<16xi32>, vector<16xi32>], vector<16xf32>,
    %get3A_111 = arith.constant 16 : index
    %get3A_112 = tpu.vector_load %arg10[%get3A_111] {strides = array<i32>} : memref<80xi32, #tpu.memory_space<vmem>>, vector<16xi32>,
    %shift_right_logical3A_113 = arith.constant 3 : i32
    %shift_right_logical3A_114 = vector.broadcast %shift_right_logical3A_113 : i32 to vector<16xi32>
    %shift_right_logical3A_115 = arith.shrui %get3A_112, %shift_right_logical3A_114 : vector<16xi32>
    %swap3A_116 = arith.constant 0 : index
    %swap3A_117 = tpu.vector_load %arg17[%swap3A_116] {strides = array<i32>} : memref<16xi32, #tpu.memory_space<vmem>>, vector<16xi32>,
    tpu.vector_store %arg17[%swap3A_116], %shift_right_logical3A_115 {strides = array<i32>} : memref<16xi32, #tpu.memory_space<vmem>>, vector<16xi32>,
    %iota3A_118 = tpu.iota {dimensions = array<i32: 0>} : vector<16xi32>
    %and3A_119 = arith.constant 7 : i32
    %and3A_120 = vector.broadcast %and3A_119 : i32 to vector<16xi32>
    %and3A_121 = arith.andi %get3A_112, %and3A_120 : vector<16xi32>
    %mul3A_122 = arith.constant 16 : i32
    %mul3A_123 = vector.broadcast %mul3A_122 : i32 to vector<16xi32>
    %mul3A_124 = arith.muli %and3A_121, %mul3A_123 : vector<16xi32>
    %broadcast_in_dim3A_125 = arith.constant 1.000000e+00 : f32
    %broadcast_in_dim3A_126 = vector.broadcast %broadcast_in_dim3A_125 : f32 to vector<16xf32>
    tpu.vector_store_idx %arg19[%iota3A_118, %mul3A_124], %broadcast_in_dim3A_126 : memref<16x128xf32, #tpu.memory_space<vmem>>[vector<16xi32>, vector<16xi32>], vector<16xf32>,
    "tpu.region"() ({
      %run_scoped3A = tpu.sem_alloc : memref<!tpu.dma_semaphore, #tpu.memory_space<semaphore_mem>>
      %dma_start3A_215 = arith.constant 0 : i32
      %dma_start3A_216 = arith.constant 0 : i32
      %dma_start3A_217 = tpu.memref_slice %arg21[%dma_start3A_215, %dma_start3A_216] : memref<1280x128xf32, #tpu.memory_space<vmem_shared>> -> memref<1280x128xf32, #tpu.memory_space<vmem_shared>>
      tpu.enqueue_indirect_dma source(%arg19 : memref<16x128xf32, #tpu.memory_space<vmem>>) target(%dma_start3A_217 : memref<1280x128xf32, #tpu.memory_space<vmem_shared>>) offsets(%arg17 : memref<16xi32, #tpu.memory_space<vmem>>) semaphore(%run_scoped3A : memref<!tpu.dma_semaphore, #tpu.memory_space<semaphore_mem>>) {add = true}
      %dma_wait3A_218 = arith.constant 0 : i32
      %dma_wait3A_219 = arith.constant 0 : i32
      %dma_wait3A_220 = tpu.memref_slice %arg21[%dma_wait3A_218, %dma_wait3A_219] : memref<1280x128xf32, #tpu.memory_space<vmem_shared>> -> memref<1280x128xf32, #tpu.memory_space<vmem_shared>>
      tpu.wait_indirect_dma semaphore(%run_scoped3A : memref<!tpu.dma_semaphore, #tpu.memory_space<semaphore_mem>>) src(%arg19 : memref<16x128xf32, #tpu.memory_space<vmem>>) dst(%dma_wait3A_220 : memref<1280x128xf32, #tpu.memory_space<vmem_shared>>)
      tpu.yield
    }) : () -> ()
    %broadcast_in_dim3A_127 = arith.constant 0.000000e+00 : f32
    %broadcast_in_dim3A_128 = vector.broadcast %broadcast_in_dim3A_127 : f32 to vector<16xf32>
    tpu.vector_store_idx %arg19[%iota3A_118, %mul3A_124], %broadcast_in_dim3A_128 : memref<16x128xf32, #tpu.memory_space<vmem>>[vector<16xi32>, vector<16xi32>], vector<16xf32>,
    %get3A_129 = arith.constant 32 : index
    %get3A_130 = tpu.vector_load %arg10[%get3A_129] {strides = array<i32>} : memref<80xi32, #tpu.memory_space<vmem>>, vector<16xi32>,
    %shift_right_logical3A_131 = arith.constant 3 : i32
    %shift_right_logical3A_132 = vector.broadcast %shift_right_logical3A_131 : i32 to vector<16xi32>
    %shift_right_logical3A_133 = arith.shrui %get3A_130, %shift_right_logical3A_132 : vector<16xi32>
    %swap3A_134 = arith.constant 0 : index
    %swap3A_135 = tpu.vector_load %arg17[%swap3A_134] {strides = array<i32>} : memref<16xi32, #tpu.memory_space<vmem>>, vector<16xi32>,
    tpu.vector_store %arg17[%swap3A_134], %shift_right_logical3A_133 {strides = array<i32>} : memref<16xi32, #tpu.memory_space<vmem>>, vector<16xi32>,
    %iota3A_136 = tpu.iota {dimensions = array<i32: 0>} : vector<16xi32>
    %and3A_137 = arith.constant 7 : i32
    %and3A_138 = vector.broadcast %and3A_137 : i32 to vector<16xi32>
    %and3A_139 = arith.andi %get3A_130, %and3A_138 : vector<16xi32>
    %mul3A_140 = arith.constant 16 : i32
    %mul3A_141 = vector.broadcast %mul3A_140 : i32 to vector<16xi32>
    %mul3A_142 = arith.muli %and3A_139, %mul3A_141 : vector<16xi32>
    %broadcast_in_dim3A_143 = arith.constant 1.000000e+00 : f32
    %broadcast_in_dim3A_144 = vector.broadcast %broadcast_in_dim3A_143 : f32 to vector<16xf32>
    tpu.vector_store_idx %arg19[%iota3A_136, %mul3A_142], %broadcast_in_dim3A_144 : memref<16x128xf32, #tpu.memory_space<vmem>>[vector<16xi32>, vector<16xi32>], vector<16xf32>,
    "tpu.region"() ({
      %run_scoped3A = tpu.sem_alloc : memref<!tpu.dma_semaphore, #tpu.memory_space<semaphore_mem>>
      %dma_start3A_215 = arith.constant 0 : i32
      %dma_start3A_216 = arith.constant 0 : i32
      %dma_start3A_217 = tpu.memref_slice %arg21[%dma_start3A_215, %dma_start3A_216] : memref<1280x128xf32, #tpu.memory_space<vmem_shared>> -> memref<1280x128xf32, #tpu.memory_space<vmem_shared>>
      tpu.enqueue_indirect_dma source(%arg19 : memref<16x128xf32, #tpu.memory_space<vmem>>) target(%dma_start3A_217 : memref<1280x128xf32, #tpu.memory_space<vmem_shared>>) offsets(%arg17 : memref<16xi32, #tpu.memory_space<vmem>>) semaphore(%run_scoped3A : memref<!tpu.dma_semaphore, #tpu.memory_space<semaphore_mem>>) {add = true}
      %dma_wait3A_218 = arith.constant 0 : i32
      %dma_wait3A_219 = arith.constant 0 : i32
      %dma_wait3A_220 = tpu.memref_slice %arg21[%dma_wait3A_218, %dma_wait3A_219] : memref<1280x128xf32, #tpu.memory_space<vmem_shared>> -> memref<1280x128xf32, #tpu.memory_space<vmem_shared>>
      tpu.wait_indirect_dma semaphore(%run_scoped3A : memref<!tpu.dma_semaphore, #tpu.memory_space<semaphore_mem>>) src(%arg19 : memref<16x128xf32, #tpu.memory_space<vmem>>) dst(%dma_wait3A_220 : memref<1280x128xf32, #tpu.memory_space<vmem_shared>>)
      tpu.yield
    }) : () -> ()
    %broadcast_in_dim3A_145 = arith.constant 0.000000e+00 : f32
    %broadcast_in_dim3A_146 = vector.broadcast %broadcast_in_dim3A_145 : f32 to vector<16xf32>
    tpu.vector_store_idx %arg19[%iota3A_136, %mul3A_142], %broadcast_in_dim3A_146 : memref<16x128xf32, #tpu.memory_space<vmem>>[vector<16xi32>, vector<16xi32>], vector<16xf32>,
    %get3A_147 = arith.constant 48 : index
    %get3A_148 = tpu.vector_load %arg10[%get3A_147] {strides = array<i32>} : memref<80xi32, #tpu.memory_space<vmem>>, vector<16xi32>,
    %shift_right_logical3A_149 = arith.constant 3 : i32
    %shift_right_logical3A_150 = vector.broadcast %shift_right_logical3A_149 : i32 to vector<16xi32>
    %shift_right_logical3A_151 = arith.shrui %get3A_148, %shift_right_logical3A_150 : vector<16xi32>
    %swap3A_152 = arith.constant 0 : index
    %swap3A_153 = tpu.vector_load %arg17[%swap3A_152] {strides = array<i32>} : memref<16xi32, #tpu.memory_space<vmem>>, vector<16xi32>,
    tpu.vector_store %arg17[%swap3A_152], %shift_right_logical3A_151 {strides = array<i32>} : memref<16xi32, #tpu.memory_space<vmem>>, vector<16xi32>,
    %iota3A_154 = tpu.iota {dimensions = array<i32: 0>} : vector<16xi32>
    %and3A_155 = arith.constant 7 : i32
    %and3A_156 = vector.broadcast %and3A_155 : i32 to vector<16xi32>
    %and3A_157 = arith.andi %get3A_148, %and3A_156 : vector<16xi32>
    %mul3A_158 = arith.constant 16 : i32
    %mul3A_159 = vector.broadcast %mul3A_158 : i32 to vector<16xi32>
    %mul3A_160 = arith.muli %and3A_157, %mul3A_159 : vector<16xi32>
    %broadcast_in_dim3A_161 = arith.constant 1.000000e+00 : f32
    %broadcast_in_dim3A_162 = vector.broadcast %broadcast_in_dim3A_161 : f32 to vector<16xf32>
    tpu.vector_store_idx %arg19[%iota3A_154, %mul3A_160], %broadcast_in_dim3A_162 : memref<16x128xf32, #tpu.memory_space<vmem>>[vector<16xi32>, vector<16xi32>], vector<16xf32>,
    "tpu.region"() ({
      %run_scoped3A = tpu.sem_alloc : memref<!tpu.dma_semaphore, #tpu.memory_space<semaphore_mem>>
      %dma_start3A_215 = arith.constant 0 : i32
      %dma_start3A_216 = arith.constant 0 : i32
      %dma_start3A_217 = tpu.memref_slice %arg21[%dma_start3A_215, %dma_start3A_216] : memref<1280x128xf32, #tpu.memory_space<vmem_shared>> -> memref<1280x128xf32, #tpu.memory_space<vmem_shared>>
      tpu.enqueue_indirect_dma source(%arg19 : memref<16x128xf32, #tpu.memory_space<vmem>>) target(%dma_start3A_217 : memref<1280x128xf32, #tpu.memory_space<vmem_shared>>) offsets(%arg17 : memref<16xi32, #tpu.memory_space<vmem>>) semaphore(%run_scoped3A : memref<!tpu.dma_semaphore, #tpu.memory_space<semaphore_mem>>) {add = true}
      %dma_wait3A_218 = arith.constant 0 : i32
      %dma_wait3A_219 = arith.constant 0 : i32
      %dma_wait3A_220 = tpu.memref_slice %arg21[%dma_wait3A_218, %dma_wait3A_219] : memref<1280x128xf32, #tpu.memory_space<vmem_shared>> -> memref<1280x128xf32, #tpu.memory_space<vmem_shared>>
      tpu.wait_indirect_dma semaphore(%run_scoped3A : memref<!tpu.dma_semaphore, #tpu.memory_space<semaphore_mem>>) src(%arg19 : memref<16x128xf32, #tpu.memory_space<vmem>>) dst(%dma_wait3A_220 : memref<1280x128xf32, #tpu.memory_space<vmem_shared>>)
      tpu.yield
    }) : () -> ()
    %broadcast_in_dim3A_163 = arith.constant 0.000000e+00 : f32
    %broadcast_in_dim3A_164 = vector.broadcast %broadcast_in_dim3A_163 : f32 to vector<16xf32>
    tpu.vector_store_idx %arg19[%iota3A_154, %mul3A_160], %broadcast_in_dim3A_164 : memref<16x128xf32, #tpu.memory_space<vmem>>[vector<16xi32>, vector<16xi32>], vector<16xf32>,
    %get3A_165 = arith.constant 64 : index
    %get3A_166 = tpu.vector_load %arg10[%get3A_165] {strides = array<i32>} : memref<80xi32, #tpu.memory_space<vmem>>, vector<16xi32>,
    %shift_right_logical3A_167 = arith.constant 3 : i32
    %shift_right_logical3A_168 = vector.broadcast %shift_right_logical3A_167 : i32 to vector<16xi32>
    %shift_right_logical3A_169 = arith.shrui %get3A_166, %shift_right_logical3A_168 : vector<16xi32>
    %swap3A_170 = arith.constant 0 : index
    %swap3A_171 = tpu.vector_load %arg17[%swap3A_170] {strides = array<i32>} : memref<16xi32, #tpu.memory_space<vmem>>, vector<16xi32>,
    tpu.vector_store %arg17[%swap3A_170], %shift_right_logical3A_169 {strides = array<i32>} : memref<16xi32, #tpu.memory_space<vmem>>, vector<16xi32>,
    %iota3A_172 = tpu.iota {dimensions = array<i32: 0>} : vector<16xi32>
    %and3A_173 = arith.constant 7 : i32
    %and3A_174 = vector.broadcast %and3A_173 : i32 to vector<16xi32>
    %and3A_175 = arith.andi %get3A_166, %and3A_174 : vector<16xi32>
    %mul3A_176 = arith.constant 16 : i32
    %mul3A_177 = vector.broadcast %mul3A_176 : i32 to vector<16xi32>
    %mul3A_178 = arith.muli %and3A_175, %mul3A_177 : vector<16xi32>
    %broadcast_in_dim3A_179 = arith.constant 1.000000e+00 : f32
    %broadcast_in_dim3A_180 = vector.broadcast %broadcast_in_dim3A_179 : f32 to vector<16xf32>
    tpu.vector_store_idx %arg19[%iota3A_172, %mul3A_178], %broadcast_in_dim3A_180 : memref<16x128xf32, #tpu.memory_space<vmem>>[vector<16xi32>, vector<16xi32>], vector<16xf32>,
    "tpu.region"() ({
      %run_scoped3A = tpu.sem_alloc : memref<!tpu.dma_semaphore, #tpu.memory_space<semaphore_mem>>
      %dma_start3A_215 = arith.constant 0 : i32
      %dma_start3A_216 = arith.constant 0 : i32
      %dma_start3A_217 = tpu.memref_slice %arg21[%dma_start3A_215, %dma_start3A_216] : memref<1280x128xf32, #tpu.memory_space<vmem_shared>> -> memref<1280x128xf32, #tpu.memory_space<vmem_shared>>
      tpu.enqueue_indirect_dma source(%arg19 : memref<16x128xf32, #tpu.memory_space<vmem>>) target(%dma_start3A_217 : memref<1280x128xf32, #tpu.memory_space<vmem_shared>>) offsets(%arg17 : memref<16xi32, #tpu.memory_space<vmem>>) semaphore(%run_scoped3A : memref<!tpu.dma_semaphore, #tpu.memory_space<semaphore_mem>>) {add = true}
      %dma_wait3A_218 = arith.constant 0 : i32
      %dma_wait3A_219 = arith.constant 0 : i32
      %dma_wait3A_220 = tpu.memref_slice %arg21[%dma_wait3A_218, %dma_wait3A_219] : memref<1280x128xf32, #tpu.memory_space<vmem_shared>> -> memref<1280x128xf32, #tpu.memory_space<vmem_shared>>
      tpu.wait_indirect_dma semaphore(%run_scoped3A : memref<!tpu.dma_semaphore, #tpu.memory_space<semaphore_mem>>) src(%arg19 : memref<16x128xf32, #tpu.memory_space<vmem>>) dst(%dma_wait3A_220 : memref<1280x128xf32, #tpu.memory_space<vmem_shared>>)
      tpu.yield
    }) : () -> ()
    %broadcast_in_dim3A_181 = arith.constant 0.000000e+00 : f32
    %broadcast_in_dim3A_182 = vector.broadcast %broadcast_in_dim3A_181 : f32 to vector<16xf32>
    tpu.vector_store_idx %arg19[%iota3A_172, %mul3A_178], %broadcast_in_dim3A_182 : memref<16x128xf32, #tpu.memory_space<vmem>>[vector<16xi32>, vector<16xi32>], vector<16xf32>,
    %dma_wait3A_183 = arith.constant 0 : i32
    %dma_wait3A_184 = arith.constant 0 : i32
    %dma_wait3A_185 = tpu.memref_slice %arg20[%dma_wait3A_183, %dma_wait3A_184] : memref<10240x128xf32, #tpu.memory_space<vmem_shared>> -> memref<10240x128xf32, #tpu.memory_space<vmem_shared>>
    tpu.wait_indirect_dma semaphore(%arg27 : memref<!tpu.dma_semaphore, #tpu.memory_space<semaphore_mem>>) src(%arg18 : memref<80x128xf32, #tpu.memory_space<vmem>>) dst(%dma_wait3A_185 : memref<10240x128xf32, #tpu.memory_space<vmem_shared>>)
    %dma_wait3A_186 = arith.constant 0 : i32
    %dma_wait3A_187 = tpu.memref_slice %arg5[%dma_wait3A_186] : memref<320000xi32, #tpu.memory_space<hbm>> -> memref<80xi32, #tpu.memory_space<hbm>>
    %dma_wait3A_188 = arith.constant 0 : i32
    %dma_wait3A_189 = tpu.memref_slice %arg5[%dma_wait3A_188] : memref<320000xi32, #tpu.memory_space<hbm>> -> memref<80xi32, #tpu.memory_space<hbm>>
    tpu.wait_dma2 semaphore(%arg23 : memref<!tpu.dma_semaphore, #tpu.memory_space<semaphore_mem>>) src(%dma_wait3A_189 : memref<80xi32, #tpu.memory_space<hbm>>) dst(%arg13 : memref<80xi32, #tpu.memory_space<vmem>>)
    %dma_wait3A_190 = arith.constant 0 : i32
    %dma_wait3A_191 = tpu.memref_slice %arg6[%dma_wait3A_190] : memref<320000xi32, #tpu.memory_space<hbm>> -> memref<80xi32, #tpu.memory_space<hbm>>
    %dma_wait3A_192 = arith.constant 0 : i32
    %dma_wait3A_193 = tpu.memref_slice %arg6[%dma_wait3A_192] : memref<320000xi32, #tpu.memory_space<hbm>> -> memref<80xi32, #tpu.memory_space<hbm>>
    tpu.wait_dma2 semaphore(%arg24 : memref<!tpu.dma_semaphore, #tpu.memory_space<semaphore_mem>>) src(%dma_wait3A_193 : memref<80xi32, #tpu.memory_space<hbm>>) dst(%arg14 : memref<80xi32, #tpu.memory_space<vmem>>)
    %dma_wait3A_194 = arith.constant 0 : i32
    %dma_wait3A_195 = arith.constant 0 : i32
    %dma_wait3A_196 = tpu.memref_slice %arg3[%dma_wait3A_194, %dma_wait3A_195] : memref<160000x128xf32, #tpu.memory_space<hbm>> -> memref<40x128xf32, #tpu.memory_space<hbm>>
    %dma_wait3A_197 = arith.constant 0 : i32
    %dma_wait3A_198 = arith.constant 0 : i32
    %dma_wait3A_199 = tpu.memref_slice %arg3[%dma_wait3A_197, %dma_wait3A_198] : memref<160000x128xf32, #tpu.memory_space<hbm>> -> memref<40x128xf32, #tpu.memory_space<hbm>>
    tpu.wait_dma2 semaphore(%arg25 : memref<!tpu.dma_semaphore, #tpu.memory_space<semaphore_mem>>) src(%dma_wait3A_199 : memref<40x128xf32, #tpu.memory_space<hbm>>) dst(%arg15 : memref<40x128xf32, #tpu.memory_space<vmem>>)
    %dma_wait3A_200 = arith.constant 0 : i32
    %dma_wait3A_201 = arith.constant 0 : i32
    %dma_wait3A_202 = tpu.memref_slice %arg4[%dma_wait3A_200, %dma_wait3A_201] : memref<160000x128xf32, #tpu.memory_space<hbm>> -> memref<40x128xf32, #tpu.memory_space<hbm>>
    %dma_wait3A_203 = arith.constant 0 : i32
    %dma_wait3A_204 = arith.constant 0 : i32
    %dma_wait3A_205 = tpu.memref_slice %arg4[%dma_wait3A_203, %dma_wait3A_204] : memref<160000x128xf32, #tpu.memory_space<hbm>> -> memref<40x128xf32, #tpu.memory_space<hbm>>
    tpu.wait_dma2 semaphore(%arg26 : memref<!tpu.dma_semaphore, #tpu.memory_space<semaphore_mem>>) src(%dma_wait3A_205 : memref<40x128xf32, #tpu.memory_space<hbm>>) dst(%arg16 : memref<40x128xf32, #tpu.memory_space<vmem>>)
    %barrier3A_206 = arith.constant 0 : index
    tpu.barrier barrier_id(%barrier3A_206)
    %mul3A_207 = arith.constant 640 : i32
    %mul3A_208 = arith.muli %arg1, %mul3A_207 : i32
    %mul3A_209 = arith.constant 640 : i32
    %mul3A_210 = arith.muli %arg1, %mul3A_209 : i32
    "tpu.region"() ({
      %run_scoped3A = tpu.sem_alloc : memref<!tpu.dma_semaphore, #tpu.memory_space<semaphore_mem>>
      %dma_start3A_215 = arith.constant 0 : i32
      %dma_start3A_216 = tpu.memref_slice %arg7[%arg0, %mul3A_210, %dma_start3A_215] : memref<2x10240x128xf32, #tpu.memory_space<hbm>> -> memref<1x640x128xf32, #tpu.memory_space<hbm>>
      %dma_start3A_217 = tpu.memref_squeeze %dma_start3A_216 : memref<1x640x128xf32, #tpu.memory_space<hbm>> -> memref<640x128xf32, #tpu.memory_space<hbm>>
      %dma_start3A_218 = arith.constant 0 : i32
      %dma_start3A_219 = tpu.memref_slice %arg20[%mul3A_208, %dma_start3A_218] : memref<10240x128xf32, #tpu.memory_space<vmem_shared>> -> memref<640x128xf32, #tpu.memory_space<vmem_shared>>
      tpu.enqueue_dma source(%dma_start3A_219 : memref<640x128xf32, #tpu.memory_space<vmem_shared>>) target(%dma_start3A_217 : memref<640x128xf32, #tpu.memory_space<hbm>>) target_semaphore(%run_scoped3A : memref<!tpu.dma_semaphore, #tpu.memory_space<semaphore_mem>>)
      %dma_wait3A_220 = arith.constant 0 : i32
      %dma_wait3A_221 = tpu.memref_slice %arg7[%arg0, %mul3A_210, %dma_wait3A_220] : memref<2x10240x128xf32, #tpu.memory_space<hbm>> -> memref<1x640x128xf32, #tpu.memory_space<hbm>>
      %dma_wait3A_222 = tpu.memref_squeeze %dma_wait3A_221 : memref<1x640x128xf32, #tpu.memory_space<hbm>> -> memref<640x128xf32, #tpu.memory_space<hbm>>
      %dma_wait3A_223 = arith.constant 0 : i32
      %dma_wait3A_224 = tpu.memref_slice %arg20[%mul3A_208, %dma_wait3A_223] : memref<10240x128xf32, #tpu.memory_space<vmem_shared>> -> memref<640x128xf32, #tpu.memory_space<vmem_shared>>
      tpu.wait_dma2 semaphore(%run_scoped3A : memref<!tpu.dma_semaphore, #tpu.memory_space<semaphore_mem>>) src(%dma_wait3A_224 : memref<640x128xf32, #tpu.memory_space<vmem_shared>>) dst(%dma_wait3A_222 : memref<640x128xf32, #tpu.memory_space<hbm>>)
      tpu.yield
    }) : () -> ()
    %mul3A_211 = arith.constant 80 : i32
    %mul3A_212 = arith.muli %arg1, %mul3A_211 : i32
    %mul3A_213 = arith.constant 80 : i32
    %mul3A_214 = arith.muli %arg1, %mul3A_213 : i32
    "tpu.region"() ({
      %run_scoped3A = tpu.sem_alloc : memref<!tpu.dma_semaphore, #tpu.memory_space<semaphore_mem>>
      %dma_start3A_215 = arith.constant 0 : i32
      %dma_start3A_216 = tpu.memref_slice %arg8[%arg0, %mul3A_214, %dma_start3A_215] : memref<2x1280x128xf32, #tpu.memory_space<hbm>> -> memref<1x80x128xf32, #tpu.memory_space<hbm>>
      %dma_start3A_217 = tpu.memref_squeeze %dma_start3A_216 : memref<1x80x128xf32, #tpu.memory_space<hbm>> -> memref<80x128xf32, #tpu.memory_space<hbm>>
      %dma_start3A_218 = arith.constant 0 : i32
      %dma_start3A_219 = tpu.memref_slice %arg21[%mul3A_212, %dma_start3A_218] : memref<1280x128xf32, #tpu.memory_space<vmem_shared>> -> memref<80x128xf32, #tpu.memory_space<vmem_shared>>
      tpu.enqueue_dma source(%dma_start3A_219 : memref<80x128xf32, #tpu.memory_space<vmem_shared>>) target(%dma_start3A_217 : memref<80x128xf32, #tpu.memory_space<hbm>>) target_semaphore(%run_scoped3A : memref<!tpu.dma_semaphore, #tpu.memory_space<semaphore_mem>>)
      %dma_wait3A_220 = arith.constant 0 : i32
      %dma_wait3A_221 = tpu.memref_slice %arg8[%arg0, %mul3A_214, %dma_wait3A_220] : memref<2x1280x128xf32, #tpu.memory_space<hbm>> -> memref<1x80x128xf32, #tpu.memory_space<hbm>>
      %dma_wait3A_222 = tpu.memref_squeeze %dma_wait3A_221 : memref<1x80x128xf32, #tpu.memory_space<hbm>> -> memref<80x128xf32, #tpu.memory_space<hbm>>
      %dma_wait3A_223 = arith.constant 0 : i32
      %dma_wait3A_224 = tpu.memref_slice %arg21[%mul3A_212, %dma_wait3A_223] : memref<1280x128xf32, #tpu.memory_space<vmem_shared>> -> memref<80x128xf32, #tpu.memory_space<vmem_shared>>
      tpu.wait_dma2 semaphore(%run_scoped3A : memref<!tpu.dma_semaphore, #tpu.memory_space<semaphore_mem>>) src(%dma_wait3A_224 : memref<80x128xf32, #tpu.memory_space<vmem_shared>>) dst(%dma_wait3A_222 : memref<80x128xf32, #tpu.memory_space<hbm>>)
      tpu.yield
    }) : () -> ()
    return
  }
}

module attributes {stable_mosaic.version = 14 : i64} {
  func.func @_node_body(%arg0: memref<10000x128xf32, #tpu.memory_space<vmem>>, %arg1: memref<128x128xf32, #tpu.memory_space<vmem>>, %arg2: memref<1x128xf32, #tpu.memory_space<vmem>>, %arg3: memref<128x128xf32, #tpu.memory_space<vmem>>, %arg4: memref<10000x128xf32, #tpu.memory_space<vmem>>, %arg5: memref<10000x128xf32, #tpu.memory_space<vmem>>) attributes {dimension_semantics = [], scalar_prefetch = 0 : i64, scratch_operands = 0 : i64, tpu.core_type = #tpu.core_type<tc>} {
    %get3A = arith.constant 0 : index
    %get3A_0 = arith.constant 0 : index
    %get3A_1 = vector.load %arg0[%get3A, %get3A_0] : memref<10000x128xf32, #tpu.memory_space<vmem>>, vector<10000x128xf32>
    %get3A_2 = arith.constant 0 : index
    %get3A_3 = arith.constant 0 : index
    %get3A_4 = vector.load %arg1[%get3A_2, %get3A_3] : memref<128x128xf32, #tpu.memory_space<vmem>>, vector<128x128xf32>
    %dot_general3A = arith.constant dense<0.000000e+00> : vector<10000x128xf32>
    %dot_general3A_5 = tpu.matmul %get3A_1, %get3A_4, %dot_general3A {dimension_numbers = #tpu.dot_dimension_numbers<[1], [0], [0], [1], [0, 0, 1, 1], [], []>, precision = #tpu.contract_precision<fp32>, transpose_lhs_hint = false} : vector<10000x128xf32>, vector<128x128xf32>, vector<10000x128xf32> -> vector<10000x128xf32>
    %get3A_6 = arith.constant 0 : index
    %get3A_7 = arith.constant 0 : index
    %get3A_8 = vector.load %arg2[%get3A_6, %get3A_7] : memref<1x128xf32, #tpu.memory_space<vmem>>, vector<1x128xf32>
    %add3A = vector.broadcast %get3A_8 : vector<1x128xf32> to vector<10000x128xf32>
    %add3A_9 = arith.addf %dot_general3A_5, %add3A : vector<10000x128xf32>
    %max3A = arith.constant 0.000000e+00 : f32
    %max3A_10 = vector.broadcast %max3A : f32 to vector<10000x128xf32>
    %max3A_11 = arith.maximumf %add3A_9, %max3A_10 : vector<10000x128xf32>
    %swap3A = arith.constant 0 : index
    %swap3A_12 = arith.constant 0 : index
    %swap3A_13 = vector.load %arg4[%swap3A, %swap3A_12] : memref<10000x128xf32, #tpu.memory_space<vmem>>, vector<10000x128xf32>
    tpu.vector_store %arg4[%swap3A, %swap3A_12], %max3A_11 {strides = array<i32>} : memref<10000x128xf32, #tpu.memory_space<vmem>>, vector<10000x128xf32>,
    %get3A_14 = arith.constant 0 : index
    %get3A_15 = arith.constant 0 : index
    %get3A_16 = vector.load %arg3[%get3A_14, %get3A_15] : memref<128x128xf32, #tpu.memory_space<vmem>>, vector<128x128xf32>
    %dot_general3A_17 = arith.constant dense<0.000000e+00> : vector<10000x128xf32>
    %dot_general3A_18 = tpu.matmul %max3A_11, %get3A_16, %dot_general3A_17 {dimension_numbers = #tpu.dot_dimension_numbers<[1], [0], [0], [1], [0, 0, 1, 1], [], []>, precision = #tpu.contract_precision<fp32>, transpose_lhs_hint = false} : vector<10000x128xf32>, vector<128x128xf32>, vector<10000x128xf32> -> vector<10000x128xf32>
    %swap3A_19 = arith.constant 0 : index
    %swap3A_20 = arith.constant 0 : index
    %swap3A_21 = vector.load %arg5[%swap3A_19, %swap3A_20] : memref<10000x128xf32, #tpu.memory_space<vmem>>, vector<10000x128xf32>
    tpu.vector_store %arg5[%swap3A_19, %swap3A_20], %dot_general3A_18 {strides = array<i32>} : memref<10000x128xf32, #tpu.memory_space<vmem>>, vector<10000x128xf32>,
    return
  }
}

module attributes {stable_mosaic.version = 14 : i64} {
  func.func @_edge_body(%arg0: i32, %arg1: memref<2000x32xbf16, #tpu.memory_space<vmem>>, %arg2: memref<32x256xbf16, #tpu.memory_space<vmem>>, %arg3: memref<1x256xf32, #tpu.memory_space<vmem>>, %arg4: memref<256x256xbf16, #tpu.memory_space<vmem>>, %arg5: memref<1x256xf32, #tpu.memory_space<vmem>>, %arg6: memref<2000x128xf32, #tpu.memory_space<vmem>>, %arg7: memref<2000x128xf32, #tpu.memory_space<vmem>>) attributes {dimension_semantics = [#tpu.dimension_semantics<arbitrary>], iteration_bounds = array<i64: 80>, scalar_prefetch = 0 : i64, scratch_operands = 0 : i64, tpu.core_type = #tpu.core_type<tc>, window_params = [{transform_indices = @transform_0, window_bounds = array<i64: 2000, 32>}, {pipeline_mode = #tpu.pipeline_mode<synchronous>, transform_indices = @transform_1, window_bounds = array<i64: 32, 256>}, {pipeline_mode = #tpu.pipeline_mode<synchronous>, transform_indices = @transform_2, window_bounds = array<i64: 1, 256>}, {pipeline_mode = #tpu.pipeline_mode<synchronous>, transform_indices = @transform_3, window_bounds = array<i64: 256, 256>}, {pipeline_mode = #tpu.pipeline_mode<synchronous>, transform_indices = @transform_4, window_bounds = array<i64: 1, 256>}, {transform_indices = @transform_5, window_bounds = array<i64: 2000, 128>}, {transform_indices = @transform_6, window_bounds = array<i64: 2000, 128>}]} {
    %get3A = arith.constant 0 : index
    %get3A_0 = arith.constant 0 : index
    %get3A_1 = vector.load %arg1[%get3A, %get3A_0] : memref<2000x32xbf16, #tpu.memory_space<vmem>>, vector<2000x32xbf16>
    %get3A_2 = arith.constant 0 : index
    %get3A_3 = arith.constant 0 : index
    %get3A_4 = vector.load %arg2[%get3A_2, %get3A_3] : memref<32x256xbf16, #tpu.memory_space<vmem>>, vector<32x256xbf16>
    %dot_general3A = arith.constant dense<0.000000e+00> : vector<2000x256xf32>
    %dot_general3A_5 = tpu.matmul %get3A_1, %get3A_4, %dot_general3A {dimension_numbers = #tpu.dot_dimension_numbers<[1], [0], [0], [1], [0, 0, 1, 1], [], []>, transpose_lhs_hint = false} : vector<2000x32xbf16>, vector<32x256xbf16>, vector<2000x256xf32> -> vector<2000x256xf32>
    %get3A_6 = arith.constant 0 : index
    %get3A_7 = arith.constant 0 : index
    %get3A_8 = vector.load %arg3[%get3A_6, %get3A_7] : memref<1x256xf32, #tpu.memory_space<vmem>>, vector<1x256xf32>
    %add3A = vector.broadcast %get3A_8 : vector<1x256xf32> to vector<2000x256xf32>
    %add3A_9 = arith.addf %dot_general3A_5, %add3A : vector<2000x256xf32>
    %max3A = arith.constant 0.000000e+00 : f32
    %max3A_10 = vector.broadcast %max3A : f32 to vector<2000x256xf32>
    %max3A_11 = arith.maximumf %add3A_9, %max3A_10 : vector<2000x256xf32>
    %convert_element_type3A = arith.truncf %max3A_11 : vector<2000x256xf32> to vector<2000x256xbf16>
    %get3A_12 = arith.constant 0 : index
    %get3A_13 = arith.constant 0 : index
    %get3A_14 = vector.load %arg4[%get3A_12, %get3A_13] : memref<256x256xbf16, #tpu.memory_space<vmem>>, vector<256x256xbf16>
    %dot_general3A_15 = arith.constant dense<0.000000e+00> : vector<2000x256xf32>
    %dot_general3A_16 = tpu.matmul %convert_element_type3A, %get3A_14, %dot_general3A_15 {dimension_numbers = #tpu.dot_dimension_numbers<[1], [0], [0], [1], [0, 0, 1, 1], [], []>, transpose_lhs_hint = false} : vector<2000x256xbf16>, vector<256x256xbf16>, vector<2000x256xf32> -> vector<2000x256xf32>
    %get3A_17 = arith.constant 0 : index
    %get3A_18 = arith.constant 0 : index
    %get3A_19 = vector.load %arg5[%get3A_17, %get3A_18] : memref<1x256xf32, #tpu.memory_space<vmem>>, vector<1x256xf32>
    %add3A_20 = vector.broadcast %get3A_19 : vector<1x256xf32> to vector<2000x256xf32>
    %add3A_21 = arith.addf %dot_general3A_16, %add3A_20 : vector<2000x256xf32>
    %slice3A = vector.extract_strided_slice %add3A_21 {offsets = [0, 0], sizes = [2000, 128], strides = [1, 1]} : vector<2000x256xf32> to vector<2000x128xf32>
    %swap3A = arith.constant 0 : index
    %swap3A_22 = arith.constant 0 : index
    %swap3A_23 = vector.load %arg6[%swap3A, %swap3A_22] : memref<2000x128xf32, #tpu.memory_space<vmem>>, vector<2000x128xf32>
    tpu.vector_store %arg6[%swap3A, %swap3A_22], %slice3A {strides = array<i32>} : memref<2000x128xf32, #tpu.memory_space<vmem>>, vector<2000x128xf32>,
    %slice3A_24 = vector.extract_strided_slice %add3A_21 {offsets = [0, 128], sizes = [2000, 128], strides = [1, 1]} : vector<2000x256xf32> to vector<2000x128xf32>
    %swap3A_25 = arith.constant 0 : index
    %swap3A_26 = arith.constant 0 : index
    %swap3A_27 = vector.load %arg7[%swap3A_25, %swap3A_26] : memref<2000x128xf32, #tpu.memory_space<vmem>>, vector<2000x128xf32>
    tpu.vector_store %arg7[%swap3A_25, %swap3A_26], %slice3A_24 {strides = array<i32>} : memref<2000x128xf32, #tpu.memory_space<vmem>>, vector<2000x128xf32>,
    return
  }
  func.func @transform_0(%arg0: i32) -> (i32, i32) {
    %c0_i32 = arith.constant 0 : i32
    %c0_i32_0 = arith.constant 0 : i32
    return %arg0, %c0_i32 : i32, i32
  }
  func.func @transform_1(%arg0: i32) -> (i32, i32) {
    %c0_i32 = arith.constant 0 : i32
    %c0_i32_0 = arith.constant 0 : i32
    %c0_i32_1 = arith.constant 0 : i32
    return %c0_i32, %c0_i32_0 : i32, i32
  }
  func.func @transform_2(%arg0: i32) -> (i32, i32) {
    %c0_i32 = arith.constant 0 : i32
    %c0_i32_0 = arith.constant 0 : i32
    %c0_i32_1 = arith.constant 0 : i32
    return %c0_i32, %c0_i32_0 : i32, i32
  }
  func.func @transform_3(%arg0: i32) -> (i32, i32) {
    %c0_i32 = arith.constant 0 : i32
    %c0_i32_0 = arith.constant 0 : i32
    %c0_i32_1 = arith.constant 0 : i32
    return %c0_i32, %c0_i32_0 : i32, i32
  }
  func.func @transform_4(%arg0: i32) -> (i32, i32) {
    %c0_i32 = arith.constant 0 : i32
    %c0_i32_0 = arith.constant 0 : i32
    %c0_i32_1 = arith.constant 0 : i32
    return %c0_i32, %c0_i32_0 : i32, i32
  }
  func.func @transform_5(%arg0: i32) -> (i32, i32) {
    %c0_i32 = arith.constant 0 : i32
    %c0_i32_0 = arith.constant 0 : i32
    return %arg0, %c0_i32 : i32, i32
  }
  func.func @transform_6(%arg0: i32) -> (i32, i32) {
    %c0_i32 = arith.constant 0 : i32
    %c0_i32_0 = arith.constant 0 : i32
    return %arg0, %c0_i32 : i32, i32
  }
}

module attributes {stable_mosaic.version = 14 : i64} {
  func.func @_upd_body(%arg0: i32, %arg1: memref<2000x128xf32, #tpu.memory_space<vmem>>, %arg2: memref<2x2000x128xf32, #tpu.memory_space<vmem>>, %arg3: memref<2000x1xf32, #tpu.memory_space<vmem>>, %arg4: memref<128x128xf32, #tpu.memory_space<vmem>>, %arg5: memref<128x128xf32, #tpu.memory_space<vmem>>, %arg6: memref<128x128xf32, #tpu.memory_space<vmem>>, %arg7: memref<1x128xf32, #tpu.memory_space<vmem>>, %arg8: memref<2000x128xf32, #tpu.memory_space<vmem>>) attributes {dimension_semantics = [#tpu.dimension_semantics<arbitrary>], iteration_bounds = array<i64: 5>, scalar_prefetch = 0 : i64, scratch_operands = 0 : i64, tpu.core_type = #tpu.core_type<tc>, window_params = [{transform_indices = @transform_0, window_bounds = array<i64: 2000, 128>}, {transform_indices = @transform_1, window_bounds = array<i64: 2, 2000, 128>}, {transform_indices = @transform_2, window_bounds = array<i64: 2000, 1>}, {pipeline_mode = #tpu.pipeline_mode<synchronous>, transform_indices = @transform_3, window_bounds = array<i64: 128, 128>}, {pipeline_mode = #tpu.pipeline_mode<synchronous>, transform_indices = @transform_4, window_bounds = array<i64: 128, 128>}, {pipeline_mode = #tpu.pipeline_mode<synchronous>, transform_indices = @transform_5, window_bounds = array<i64: 128, 128>}, {pipeline_mode = #tpu.pipeline_mode<synchronous>, transform_indices = @transform_6, window_bounds = array<i64: 1, 128>}, {transform_indices = @transform_7, window_bounds = array<i64: 2000, 128>}]} {
    %get3A = arith.constant 0 : index
    %get3A_0 = arith.constant 0 : index
    %get3A_1 = arith.constant 0 : index
    %get3A_2 = vector.load %arg2[%get3A, %get3A_0, %get3A_1] : memref<2x2000x128xf32, #tpu.memory_space<vmem>>, vector<1x2000x128xf32>
    %get3A_3 = vector.shape_cast %get3A_2 : vector<1x2000x128xf32> to vector<2000x128xf32>
    %get3A_4 = arith.constant 1 : index
    %get3A_5 = arith.constant 0 : index
    %get3A_6 = arith.constant 0 : index
    %get3A_7 = vector.load %arg2[%get3A_4, %get3A_5, %get3A_6] : memref<2x2000x128xf32, #tpu.memory_space<vmem>>, vector<1x2000x128xf32>
    %get3A_8 = vector.shape_cast %get3A_7 : vector<1x2000x128xf32> to vector<2000x128xf32>
    %add3A = arith.addf %get3A_3, %get3A_8 : vector<2000x128xf32>
    %get3A_9 = arith.constant 0 : index
    %get3A_10 = arith.constant 0 : index
    %get3A_11 = vector.load %arg3[%get3A_9, %get3A_10] : memref<2000x1xf32, #tpu.memory_space<vmem>>, vector<2000x1xf32>
    %max3A = arith.constant 1.000000e+00 : f32
    %max3A_12 = vector.broadcast %max3A : f32 to vector<2000x1xf32>
    %max3A_13 = arith.maximumf %get3A_11, %max3A_12 : vector<2000x1xf32>
    %div3A = vector.broadcast %max3A_13 : vector<2000x1xf32> to vector<2000x128xf32>
    %div3A_14 = arith.divf %add3A, %div3A : vector<2000x128xf32>
    %get3A_15 = arith.constant 0 : index
    %get3A_16 = arith.constant 0 : index
    %get3A_17 = vector.load %arg1[%get3A_15, %get3A_16] : memref<2000x128xf32, #tpu.memory_space<vmem>>, vector<2000x128xf32>
    %get3A_18 = arith.constant 0 : index
    %get3A_19 = arith.constant 0 : index
    %get3A_20 = vector.load %arg4[%get3A_18, %get3A_19] : memref<128x128xf32, #tpu.memory_space<vmem>>, vector<128x128xf32>
    %dot_general3A = arith.constant dense<0.000000e+00> : vector<2000x128xf32>
    %dot_general3A_21 = tpu.matmul %get3A_17, %get3A_20, %dot_general3A {dimension_numbers = #tpu.dot_dimension_numbers<[1], [0], [0], [1], [0, 0, 1, 1], [], []>, precision = #tpu.contract_precision<fp32>, transpose_lhs_hint = false} : vector<2000x128xf32>, vector<128x128xf32>, vector<2000x128xf32> -> vector<2000x128xf32>
    %get3A_22 = arith.constant 0 : index
    %get3A_23 = arith.constant 0 : index
    %get3A_24 = vector.load %arg5[%get3A_22, %get3A_23] : memref<128x128xf32, #tpu.memory_space<vmem>>, vector<128x128xf32>
    %dot_general3A_25 = arith.constant dense<0.000000e+00> : vector<2000x128xf32>
    %dot_general3A_26 = tpu.matmul %add3A, %get3A_24, %dot_general3A_25 {dimension_numbers = #tpu.dot_dimension_numbers<[1], [0], [0], [1], [0, 0, 1, 1], [], []>, precision = #tpu.contract_precision<fp32>, transpose_lhs_hint = false} : vector<2000x128xf32>, vector<128x128xf32>, vector<2000x128xf32> -> vector<2000x128xf32>
    %add3A_27 = arith.addf %dot_general3A_21, %dot_general3A_26 : vector<2000x128xf32>
    %get3A_28 = arith.constant 0 : index
    %get3A_29 = arith.constant 0 : index
    %get3A_30 = vector.load %arg6[%get3A_28, %get3A_29] : memref<128x128xf32, #tpu.memory_space<vmem>>, vector<128x128xf32>
    %dot_general3A_31 = arith.constant dense<0.000000e+00> : vector<2000x128xf32>
    %dot_general3A_32 = tpu.matmul %div3A_14, %get3A_30, %dot_general3A_31 {dimension_numbers = #tpu.dot_dimension_numbers<[1], [0], [0], [1], [0, 0, 1, 1], [], []>, precision = #tpu.contract_precision<fp32>, transpose_lhs_hint = false} : vector<2000x128xf32>, vector<128x128xf32>, vector<2000x128xf32> -> vector<2000x128xf32>
    %add3A_33 = arith.addf %add3A_27, %dot_general3A_32 : vector<2000x128xf32>
    %get3A_34 = arith.constant 0 : index
    %get3A_35 = arith.constant 0 : index
    %get3A_36 = vector.load %arg7[%get3A_34, %get3A_35] : memref<1x128xf32, #tpu.memory_space<vmem>>, vector<1x128xf32>
    %add3A_37 = vector.broadcast %get3A_36 : vector<1x128xf32> to vector<2000x128xf32>
    %add3A_38 = arith.addf %add3A_33, %add3A_37 : vector<2000x128xf32>
    %max3A_39 = arith.constant 0.000000e+00 : f32
    %max3A_40 = vector.broadcast %max3A_39 : f32 to vector<2000x128xf32>
    %max3A_41 = arith.maximumf %add3A_38, %max3A_40 : vector<2000x128xf32>
    %swap3A = arith.constant 0 : index
    %swap3A_42 = arith.constant 0 : index
    %swap3A_43 = vector.load %arg8[%swap3A, %swap3A_42] : memref<2000x128xf32, #tpu.memory_space<vmem>>, vector<2000x128xf32>
    tpu.vector_store %arg8[%swap3A, %swap3A_42], %max3A_41 {strides = array<i32>} : memref<2000x128xf32, #tpu.memory_space<vmem>>, vector<2000x128xf32>,
    return
  }
  func.func @transform_0(%arg0: i32) -> (i32, i32) {
    %c0_i32 = arith.constant 0 : i32
    %c0_i32_0 = arith.constant 0 : i32
    return %arg0, %c0_i32 : i32, i32
  }
  func.func @transform_1(%arg0: i32) -> (i32, i32, i32) {
    %c0_i32 = arith.constant 0 : i32
    %c0_i32_0 = arith.constant 0 : i32
    %c0_i32_1 = arith.constant 0 : i32
    return %c0_i32, %arg0, %c0_i32_0 : i32, i32, i32
  }
  func.func @transform_2(%arg0: i32) -> (i32, i32) {
    %c0_i32 = arith.constant 0 : i32
    %c0_i32_0 = arith.constant 0 : i32
    return %arg0, %c0_i32 : i32, i32
  }
  func.func @transform_3(%arg0: i32) -> (i32, i32) {
    %c0_i32 = arith.constant 0 : i32
    %c0_i32_0 = arith.constant 0 : i32
    %c0_i32_1 = arith.constant 0 : i32
    return %c0_i32, %c0_i32_0 : i32, i32
  }
  func.func @transform_4(%arg0: i32) -> (i32, i32) {
    %c0_i32 = arith.constant 0 : i32
    %c0_i32_0 = arith.constant 0 : i32
    %c0_i32_1 = arith.constant 0 : i32
    return %c0_i32, %c0_i32_0 : i32, i32
  }
  func.func @transform_5(%arg0: i32) -> (i32, i32) {
    %c0_i32 = arith.constant 0 : i32
    %c0_i32_0 = arith.constant 0 : i32
    %c0_i32_1 = arith.constant 0 : i32
    return %c0_i32, %c0_i32_0 : i32, i32
  }
  func.func @transform_6(%arg0: i32) -> (i32, i32) {
    %c0_i32 = arith.constant 0 : i32
    %c0_i32_0 = arith.constant 0 : i32
    %c0_i32_1 = arith.constant 0 : i32
    return %c0_i32, %c0_i32_0 : i32, i32
  }
  func.func @transform_7(%arg0: i32) -> (i32, i32) {
    %c0_i32 = arith.constant 0 : i32
    %c0_i32_0 = arith.constant 0 : i32
    return %arg0, %c0_i32 : i32, i32
  }
}

</mosaic_0001>

<sc_bundles>
// kernel: kernel.6.cloned.1.call-start
scs
__scs_entry_jumppad:
0x0: {  	(pc) =	sbr.rel $0x88, $3  }
0x1: {  	(tag) =	ssettag $0x0;
	lr =	simm.s32 $0x1  }
0x2: {  	[smem:$0x3F96] =	sst lr;
	_ =	strace $0xD0000000  }
0x3: {  	_ = 	snop  }
0x4: {  	_ = 	snop  }
0x5: {  	_ = 	snop  }
0x6: {  	_ = 	snop  }
0x7: {  	_ = 	snop  }
__scs_overlays_trampoline_lowered:
0x8: {  	[smem:$0x3FA5] =	sst s0  }
0x9: {  	[smem:$0x3FA6] =	sst s1  }
0xa: {  	[smem:$0x3FA7] =	sst s2  }
0xb: {  	[smem:$0x3FA8] =	sst s3  }
0xc: {  	[smem:$0x3FA9] =	sst s4  }
0xd: {  	[smem:$0x3FAA] =	sst s5  }
0xe: {  	[smem:$0x3FAB] =	sst s6  }
0xf: {  	[smem:$0x3FAC] =	sst s7  }
0x10: {  	[smem:$0x3FAD] =	sst s8  }
0x11: {  	[smem:$0x3FAE] =	sst s9;
	s0 =	simm.s32 @!p0 $0x0  }
0x12: {  	s1 =	sld [smem:$0x3F94];
	s0 =	simm.s32 @p0 $0x1  }
0x13: {  	[smem:$0x3FAF] =	sst s0;
	s0 =	simm.s32 @!p1 $0x0  }
0x14: {  	s2 =	sld [smem:$0x3F93];
	s0 =	simm.s32 @p1 $0x1  }
0x15: {  	[smem:$0x3FB0] =	sst s0;
	s0 =	simm.s32 @!p2 $0x0  }
0x16: {  	s3 =	sld [smem:$0x3FDB];
	s0 =	simm.s32 @p2 $0x1  }
0x17: {  	s4 =	simm.s32 $0x1BF5;
	[smem:$0x3FB2] =	sst s0  }
0x18: {  	s0 =	sld [smem:$0x3F95];
	_ =	swait.ge [sflag:s4], $0x0  }
0x19: {  	s7 =	sld [smem:$0x3F96]  }
0x1a: {  	s8 =	sadd.s32 $0xFFFFE003, lr  }
0x1b: {  	s9 =	sadd.s32 $0xFFFFFEF7, lr;
	s5 =	simm.s32 $0xFFFFFFFF;
	p2 =	slt.u32 s8, $0xFFFFF086  }
0x1c: {  	p1 =	slt.u32 s9, $0xF7A;
	s5 =	simm.s32 @!p2 $0x0  }
0x1d: {  	s5 =	simm.s32 @p1 $0x1;
	p0 =	seq.s32 s7, s2  }
0x1e: {  	s7 =	smul.u32 @!p0 $0xF7A, s2;
	p2 =	seq.s32 @!p0 s5, $0x0  }
0x1f: {  	s9 =	smul.u32 $0xF7A, s1;
	s8 =	simm.s32 @!p0 $0x1BF5;
	p2 =	por !p2, p0  }
0x20: {  	[sflag:s8] =	ssyncset.s32 @!p0 $0xFFFFF086;
	s6 =	sadd.s32 @!p0 s3, s7;
	s7 =	simm.s32 @!p0 $0x108  }
0x21: {  	s3 =	sadd.s32 s3, s9;
	s6 =	sadd.s32 @!p0 $0x88, s6;
	s7 =	simm.s32 @p2 $0x1082  }
0x22: {  	[simem:s7], [sflag:s8] =	dma.local @!p0 [hbm:s6], $0xF7A  }
0x23: {  	s9 =	sor.u32 $0xD0000000, s2;
	s6 =	simm.s32 $0x108;
	_ =	swait.ge @!p0 [sflag:s8], $0x0  }
0x24: {  	s3 =	sadd.s32 $0x88, s3;
	s6 =	simm.s32 @!p1 $0x1082;
	[sflag:s4] =	ssyncset.s32 $0xFFFFF086  }
0x25: {  	[simem:s6], [sflag:s4] =	dma.local [hbm:s3], $0xF7A  }
0x26: {  	[smem:$0x3F96] =	sst s1;
	(tag) =	ssettag s2;
	_ =	strace s9  }
0x27: {  	s1 =	sld [smem:$0x3FA6]  }
0x28: {  	s2 =	sld [smem:$0x3FA7]  }
0x29: {  	s4 =	sld [smem:$0x3FA9]  }
0x2a: {  	p0 =	seq.s32 s5, $0x0;
	s5 =	sld [smem:$0x3FAA]  }
0x2b: {  	s6 =	sld [smem:$0x3FAB]  }
0x2c: {  	s7 =	sld [smem:$0x3FAC]  }
0x2d: {  	s3 =	simm.s32 $0x108;
	s8 =	sld [smem:$0x3FAD]  }
0x2e: {  	s3 =	simm.s32 @!p0 $0x1082;
	s9 =	sld [smem:$0x3FAE]  }
0x2f: {  	lr =	sadd.s32 s0, s3;
	s0 =	sld [smem:$0x3FA5]  }
0x30: {  	s3 =	sld [smem:$0x3FA8]  }
0x31: {  	[smem:$0x3FB1] =	sst s10  }
0x32: {  	s10 =	sld [smem:$0x3FAF];
	_ =	sdelay $0x3  }
0x33: {  	p0 =	seq.s32 s10, $0x1;
	s10 =	sld [smem:$0x3FB1];
	_ =	sdelay $0x3  }
0x34: {  	[smem:$0x3FB1] =	sst s10  }
0x35: {  	s10 =	sld [smem:$0x3FB0];
	_ =	sdelay $0x3  }
0x36: {  	p1 =	seq.s32 s10, $0x1;
	s10 =	sld [smem:$0x3FB1];
	_ =	sdelay $0x3  }
0x37: {  	[smem:$0x3FB1] =	sst s10  }
0x38: {  	s10 =	sld [smem:$0x3FB2]  }
0x39: {  	_ = 	snop;
	(pc) =	sbr.ind lr, $3  }
0x3a: {  	_ = 	snop  }
0x3b: {  	_ = 	snop  }
0x3c: {  	p2 =	seq.s32 s10, $0x1;
	s10 =	sld [smem:$0x3FB1]  }
0x3d: {  	_ =	shalt  }
0x3e: {  	_ =	shalt  }
0x3f: {  	_ =	shalt  }
0x40: {  	_ =	shalt  }
0x41: {  	_ =	shalt  }
0x42: {  	_ =	shalt  }
0x43: {  	_ =	shalt  }
0x44: {  	_ =	shalt  }
0x45: {  	_ =	shalt  }
0x46: {  	_ =	shalt  }
0x47: {  	_ =	shalt  }
0x48: {  	_ =	shalt  }
0x49: {  	_ =	shalt  }
0x4a: {  	_ =	shalt  }
0x4b: {  	_ =	shalt  }
0x4c: {  	_ =	shalt  }
0x4d: {  	_ =	shalt  }
0x4e: {  	_ =	shalt  }
0x4f: {  	_ =	shalt  }
0x50: {  	_ =	shalt  }
0x51: {  	_ =	shalt  }
0x52: {  	_ =	shalt  }
0x53: {  	_ =	shalt  }
0x54: {  	_ =	shalt  }
0x55: {  	_ =	shalt  }
0x56: {  	_ =	shalt  }
0x57: {  	_ =	shalt  }
0x58: {  	_ =	shalt  }
0x59: {  	_ =	shalt  }
0x5a: {  	_ =	shalt  }
0x5b: {  	_ =	shalt  }
0x5c: {  	_ =	shalt  }
0x5d: {  	_ =	shalt  }
0x5e: {  	_ =	shalt  }
0x5f: {  	_ =	shalt  }
0x60: {  	_ =	shalt  }
0x61: {  	_ =	shalt  }
0x62: {  	_ =	shalt  }
0x63: {  	_ =	shalt  }
0x64: {  	_ =	shalt  }
0x65: {  	_ =	shalt  }
0x66: {  	_ =	shalt  }
0x67: {  	_ =	shalt  }
0x68: {  	_ =	shalt  }
0x69: {  	_ =	shalt  }
0x6a: {  	_ =	shalt  }
0x6b: {  	_ =	shalt  }
0x6c: {  	_ =	shalt  }
0x6d: {  	_ =	shalt  }
0x6e: {  	_ =	shalt  }
0x6f: {  	_ =	shalt  }
0x70: {  	_ =	shalt  }
0x71: {  	_ =	shalt  }
0x72: {  	_ =	shalt  }
0x73: {  	_ =	shalt  }
0x74: {  	_ =	shalt  }
0x75: {  	_ =	shalt  }
0x76: {  	_ =	shalt  }
0x77: {  	_ =	shalt  }
0x78: {  	_ =	shalt  }
0x79: {  	_ =	shalt  }
0x7a: {  	_ =	shalt  }
0x7b: {  	_ =	shalt  }
0x7c: {  	_ =	shalt  }
0x7d: {  	_ =	shalt  }
0x7e: {  	_ =	shalt  }
0x7f: {  	_ =	shalt  }
0x80: {  	_ =	shalt  }
0x81: {  	_ =	shalt  }
0x82: {  	_ =	shalt  }
0x83: {  	_ =	shalt  }
0x84: {  	_ =	shalt  }
0x85: {  	_ =	shalt  }
0x86: {  	_ =	shalt  }
0x87: {  	_ =	shalt  }
.Lfunc_end0:
.L_simem_size_0:
called_computation_lowered:
.L_overlay_start_0:
0x88: {  	s2 =	sld [smem:$0x3FD9]  }
0x89: {  	s3 =	sld [smem:$0x3FFE];
	_ =	sdelay $0x1  }
0x8a: {  	s1 =	srdreg.scid  }
0x8b: {  	s0 =	sand.u32 $0x1, s1  }
0x8c: {  	s16 =	sshll.u32 s0, $0xA;
	s2 =	sadd.s32 s3, s2  }
0x8d: {  	s2 =	sadd.s32 s2, s16  }
0x8e: {  	[smem:$0x3FBD] =	sst s2  }
0x8f: {  	_ = 	snop  }
0x90: {  	(tm) =	ssettm $0x1  }
0x91: {  	s17 =	sld [smem:$0x3FFB];
	_ =	sdelay $0x3  }
0x92: {  	_ =	strace s17  }
0x93: {  	s2 =	sld [smem:$0x3FFC];
	_ =	sdelay $0x3  }
0x94: {  	_ =	strace s2  }
0x95: {  	s2 =	sld [smem:$0x3FFD];
	_ =	sdelay $0x3  }
0x96: {  	_ =	strace s2  }
0x97: {  	_ =	strace $0x8FFFFFFF  }
0x98: {  	s18 =	sld [smem:$0x3FDB];
	_ =	sdelay $0x1  }
0x99: {  	s19 =	simm.s32 $_scs_section_size  }
0x9a: {  	s4 =	simm.s32 $_size__tile_overlayer_lowered;
	s5 =	simm.s32 $_tile_overlayer_lowered  }
0x9b: {  	s22 =	simm.s32 $0x1BFF;
	s21 =	sshll.u32 s5, $0x1;
	s2 =	sadd.s32 s19, s18  }
0x9c: {  	s6 =	simm.s32 $0x0;
	s20 =	sshll.u32 s4, $0x1;
	s4 =	sadd.s32 s21, s2  }
0x9d: {  	[timem:s6], [sflag:s22] =	dma.local [hbm:s4], s20  }
0x9e: {  	_ =	swait.ge [sflag:s22], s20  }
0x9f: {  	s3 =	ssub.s32 $0x0, s20;
	[sflag:s22] =	ssyncset.done $0x0  }
0xa0: {  	[sflag:s22] =	ssyncadd.s32 s3;
	_ =	sdelay $0x1  }
0xa1: {  	s23 =	simm.s32 $0x1B8B  }
0xa2: {  	_ =	swait.ge [sflag:s23], $0x1  }
0xa3: {  	[sflag:s23] =	ssyncset.done $0x0  }
0xa4: {  	s25 =	simm.s32 $0x1B8E;
	s24 =	sld [smem:$0x3FFE];
	[sflag:s23] =	ssyncadd.s32 $0xFFFFFFFF  }
0xa5: {  	s26 =	simm.s32 $execute0_lowered;
	[smem:$0x3FD2] =	sst s25  }
0xa6: {  	s4 =	sshll.u32 s26, $0x1;
	_ =	strace $0x80000046;
	[dreg:$0x1] =	wrdreg $0xFFFFFFFF  }
0xa7: {  	s28 =	simm.s32 $_size_execute0_lowered;
	s2 =	sadd.s32 s2, s4;
	[dreg:$0x0] =	wrdreg $0x0  }
0xa8: {  	s4 =	sshll.u32 s28, $0x1;
	[dreg:$0x2] =	wrdreg s2  }
0xa9: {  	[dreg:$0x3] =	wrdreg s4  }
0xaa: {  	[dreg:$0x4] =	wrdreg $0xC0  }
0xab: {  	_ =	task [dreg:s6], $0x5FFFF  }
0xac: {  	[dreg:$0x1] =	wrdreg $0xFFFFFFFF  }
0xad: {  	[dreg:$0x0] =	wrdreg $0x60  }
0xae: {  	[dreg:$0x2] =	wrdreg s24  }
0xaf: {  	[dreg:$0x3] =	wrdreg $0x82800  }
0xb0: {  	[dreg:$0x4] =	wrdreg $0x1C2800  }
0xb1: {  	[dreg:$0x5] =	wrdreg $0x9  }
0xb2: {  	_ =	task.clear_ibuf [dreg:s6], $0x6FFFF;
	_ =	strace $0x90000046  }
0xb3: {  	s29 =	simm.s32 $0x9;
	_ =	strace $0x80000048  }
0xb4: {  	_ =	swait.ge [sflag:s29], $0x1  }
0xb5: {  	[sflag:s29] =	ssyncadd.s32 $0xFFFFFFFF  }
0xb6: {  	_ =	strace $0x90000048  }
0xb7: {  	_ =	sfence  }
0xb8: {  	s30 =	sld [smem:$0x0];
	_ =	sdelay $0x2  }
0xb9: {  	s31 =	sshll.u32 s1, $0xD;
	s1 =	sshrl.u32 s1, $0x2  }
0xba: {  	s3 =	sand.u32 $0x4000, s31;
	s1 =	sadd.s32 s1, s30  }
0xbb: {  	s0 =	sor.u32 s3, s0;
	s1 =	sshll.u32 s1, $0x11  }
0xbc: {  	s0 =	sor.u32 s1, s0  }
0xbd: {  	s0 =	sadd.s32 $0x8F2B, s0  }
0xbe: {  	[sflag:s0] =	ssyncadd.remote.s32 $0x1  }
0xbf: {  	_ =	sfence.sel $0xFFFF  }
0xc0: {  	[dreg:$0x0] =	wrdreg $0xFFFFFFFF;
	(pc) =	sbr.abs _section_cstart, $3  }
0xc1: {  	[dreg:$0x1] =	wrdreg $0xFFFFFFFF  }
0xc2: {  	_ =	task.clear_ibuf [dreg:s6], $0x2FFFF;
	_ =	strace $0x9FFFFFFF  }
0xc3: {  	(tm) =	ssettm $0x7FFFFFFF  }
tec
execute0_lowered:
.L_overlay_start_1:
0x0: {  	(tag) =	ssettag $0x1  }
0x1: {  	s0 =	rddreg [dreg:$0x0]  }
0x2: {  	s1 =	rddreg [dreg:$0x1]  }
0x3: {  	s2 =	rddreg [dreg:$0x2]  }
0x4: {  	s22 =	simm.s32 $0x0;
	s3 =	srdreg.scid;
	s16 =	stileid.u32  }
0x5: {  	s28 =	simm.s32 $0x1;
	s29 =	simm.s32 $0x7A80;
	s8 =	smul.u32 $0x14000, s16  }
0x6: {  	s30 =	simm.s32 $0x10;
	s31 =	simm.s32 $0x5200;
	s11 =	smul.u32 $0x2800, s16  }
0x7: {  	[smem:$0x7FF] =	sst s22;
	s3 =	sand.u32 $0x1, s3;
	s13 =	smul.u32 $0xA000, s16  }
0x8: {  	s5 =	sadd.s32 $0x16A00, s0;
	s6 =	sadd.s32 $0x3AC600, s0;
	s24 =	smul.u32 $0x50000, s16  }
0x9: {  	s7 =	sadd.s32 $0x61D600, s0;
	s9 =	sadd.s32 $0x2E00, s0;
	s4 =	smul.u32 $0x140000, s3  }
0xa: {  	s10 =	smul.u32 $0x28000, s3;
	s14 =	sshll.u32 s3, $0x4;
	s3 =	ssub.s32 $0x2, s3  }
0xb: {  	_ =	strace $0x80000047;
	s12 =	sor.u32 s16, s14;
	s14 =	sshrl.u32 s3, $0x1  }
0xc: {  	s13 =	sshrl.u32 s13, $0x2;
	s16 =	sshrl.u32 s24, $0x2;
	s4 =	sadd.s32 s8, s4  }
0xd: {  	s8 =	sadd.s32 $0xCC00, s0;
	s10 =	sadd.s32 s11, s10;
	s3 =	ssub.s32 s3, s14  }
0xe: {  	s25 =	sadd.s32 s13, s2;
	s16 =	sadd.s32 s16, s1;
	s4 =	sshrl.u32 s4, $0x3  }
0xf: {  	s15 =	sshrl.u32 s10, $0x3;
	s10 =	smul.u32 $0x2710, s12;
	[dreg:$0x5] =	wrdreg s25  }
0x10: {  	s24 =	sadd.s32 $0xF000, s16;
	[dreg:$0xf] =	wrdreg s16;
	s4 =	sadd.s32 s4, s0  }
0x11: {  	s0 =	sadd.s32 s15, s0;
	[dreg:$0x17] =	wrdreg s24;
	s4 =	sadd.s32 $0x47C00, s4  }
0x12: {  	s17 =	sshrl.u32 s10, $0x3;
	s0 =	sadd.s32 $0x3DC00, s0;
	[dreg:$0xe] =	wrdreg s4  }
0x13: {  	s15 =	smul.u32 $0x13880, s12;
	s18 =	sadd.s32 s8, s17;
	[dreg:$0x10] =	wrdreg s0  }
0x14: {  	s11 =	smul.u32 $0x1388, s12;
	s19 =	sadd.s32 s9, s17;
	[dreg:$0x6] =	wrdreg s18  }
0x15: {  	s14 =	simm.s32 $0x80;
	s20 =	sadd.s32 s6, s15;
	[dreg:$0x7] =	wrdreg s19  }
0x16: {  	s12 =	smul.u32 $0x9C400, s12;
	s21 =	sadd.s32 s7, s15;
	[dreg:$0x8] =	wrdreg s20  }
0x17: {  	s23 =	sadd.s32 $0x4D8, s17;
	s17 =	smax.u32 s3, $0x1;
	[dreg:$0x9] =	wrdreg s21  }
0x18: {  	s24 =	simm.s32 $0x2980;
	s26 =	sadd.s32 s8, s23;
	[dreg:$0x11] =	wrdreg s17  }
0x19: {  	s12 =	sshrl.u32 s12, $0x3;
	s13 =	sadd.s32 s9, s23;
	[dreg:$0xa] =	wrdreg s26  }
0x1a: {  	s3 =	simm.s32 $0x5280;
	s18 =	sadd.s32 $0x2800, s16;
	[dreg:$0xb] =	wrdreg s13  }
0x1b: {  	s0 =	simm.s32 $0x6;
	s19 =	sadd.s32 $0x5000, s16;
	[dreg:$0x12] =	wrdreg s18  }
0x1c: {  	s12 =	sadd.s32 $0x13600, s12;
	s20 =	sadd.s32 $0x7800, s16;
	[dreg:$0x13] =	wrdreg s19  }
0x1d: {  	s21 =	sadd.s32 $0xA000, s16;
	s23 =	sadd.s32 $0xC800, s16;
	[dreg:$0x14] =	wrdreg s20  }
0x1e: {  	s17 =	simm.s32 $0x2;
	s15 =	sadd.s32 s6, s12;
	[dreg:$0x15] =	wrdreg s21  }
0x1f: {  	s12 =	sadd.s32 s7, s12;
	[dreg:$0x16] =	wrdreg s23;
	s26 =	sadd.s32 $0x11800, s16  }
0x20: {  	s13 =	simm.s32 $0x7;
	s18 =	simm.s32 $0x3;
	[dreg:$0xc] =	wrdreg s15  }
0x21: {  	v1 =	vlaneseq.u32;
	s19 =	simm.s32 $0x50;
	s20 =	simm.s32 $0x4;
	[dreg:$0xd] =	wrdreg s12  }
0x22: {  	v0 =	vimm.f32 $0.0e+00;
	v2 =	vimm.f32 $1.000000000e+00;
	v1 =	vmul.u32 $0x80, v1;
	s21 =	simm.s32 $0x5;
	s23 =	simm.s32 $0x2900;
	[dreg:$0x18] =	wrdreg s26  }
.LBB2_1:
0x23: {  	s4 =	simm.s32 $0x70;
	s12 =	simm.s32 $0x3C0  }
.LBB2_2:
0x24: {  	p0 =	sne.s32 s12, $0x9FC0;
	[tilespmem:s4+$0x5280] =	vst v0  }
0x25: {  	[tilespmem:s4+$0x5210] =	vst v0  }
0x26: {  	[tilespmem:s4+$0x5220] =	vst v0  }
.Ltmp0:
0x27: {  	[tilespmem:s4+$0x5230] =	vst v0;
	(pc) =	sbr.rel @p0 .LBB2_2-.Ltmp0, $4  }
0x28: {  	[tilespmem:s4+$0x5240] =	vst v0  }
0x29: {  	[tilespmem:s4+$0x5250] =	vst v0  }
0x2a: {  	[tilespmem:s4+$0x5260] =	vst v0  }
0x2b: {  	[tilespmem:s4+$0x5270] =	vst v0;
	s4 =	sshra.s32 s12, $0x2;
	s12 =	sadd.s32 $0x200, s12  }
0x2c: {  	[tilespmem:s4+$0x5280] =	vst v0  }
0x2d: {  	[tilespmem:s4+$0x5210] =	vst v0  }
0x2e: {  	[tilespmem:s4+$0x5220] =	vst v0  }
0x2f: {  	[tilespmem:s4+$0x5230] =	vst v0  }
0x30: {  	[tilespmem:s4+$0x5240] =	vst v0  }
0x31: {  	[tilespmem:s4+$0x5250] =	vst v0  }
0x32: {  	[tilespmem:s4+$0x5260] =	vst v0  }
0x33: {  	[dreg:$0x4] =	wrdreg s22;
	[tilespmem:s4+$0x5270] =	vst v0;
	s4 =	simm.s32 $0x0;
	s12 =	simm.s32 $0x200  }
.LBB2_4:
0x34: {  	p0 =	sne.s32 s12, $0x1E00;
	[tilespmem:s4+$0x7AF0] =	vst v0  }
0x35: {  	[tilespmem:s4+$0x7A80] =	vst v0  }
0x36: {  	[tilespmem:s4+$0x7A90] =	vst v0  }
.Ltmp1:
0x37: {  	[tilespmem:s4+$0x7AA0] =	vst v0;
	(pc) =	sbr.rel @p0 .LBB2_4-.Ltmp1, $4  }
0x38: {  	[tilespmem:s4+$0x7AB0] =	vst v0  }
0x39: {  	[tilespmem:s4+$0x7AC0] =	vst v0  }
0x3a: {  	[tilespmem:s4+$0x7AD0] =	vst v0  }
0x3b: {  	[tilespmem:s4+$0x7AE0] =	vst v0;
	s4 =	sshra.s32 s12, $0x2;
	s12 =	sadd.s32 $0x200, s12  }
0x3c: {  	[tilespmem:s4+$0x7AF0] =	vst v0  }
0x3d: {  	[tilespmem:s4+$0x7A80] =	vst v0  }
0x3e: {  	[tilespmem:s4+$0x7A90] =	vst v0  }
0x3f: {  	[tilespmem:s4+$0x7AA0] =	vst v0  }
0x40: {  	[tilespmem:s4+$0x7AB0] =	vst v0  }
0x41: {  	[tilespmem:s4+$0x7AC0] =	vst v0  }
0x42: {  	[tilespmem:s4+$0x7AD0] =	vst v0  }
0x43: {  	[tilespmem:s4+$0x7AE0] =	vst v0  }
0x44: {  	[spmem:s16] =	stream.linear.scatter [tilespmem:s3], [sflag:$0x7], $0x2800, $0x38;
	[tilespmem:$0x1EA80] =	vst v63  }
0x45: {  	_ =	swait.ge [sflag:s13], $0x2800  }
0x46: {  	[sflag:s13] =	ssyncset.done $0x0  }
0x47: {  	s26 =	rddreg [dreg:$0x12];
	[sflag:s13] =	ssyncadd.s32 $0xFFFFD800  }
0x48: {  	[spmem:s26] =	stream.linear.scatter [tilespmem:s3], [sflag:$0x7], $0x2800, $0x38;
	[tilespmem:$0x1EA80] =	vst v63  }
0x49: {  	_ =	swait.ge [sflag:s13], $0x2800  }
0x4a: {  	[sflag:s13] =	ssyncset.done $0x0  }
0x4b: {  	s12 =	rddreg [dreg:$0x13];
	[sflag:s13] =	ssyncadd.s32 $0xFFFFD800  }
0x4c: {  	[spmem:s12] =	stream.linear.scatter [tilespmem:s3], [sflag:$0x7], $0x2800, $0x38;
	[tilespmem:$0x1EA80] =	vst v63  }
0x4d: {  	_ =	swait.ge [sflag:s13], $0x2800  }
0x4e: {  	[sflag:s13] =	ssyncset.done $0x0  }
0x4f: {  	s15 =	rddreg [dreg:$0x14];
	[sflag:s13] =	ssyncadd.s32 $0xFFFFD800  }
0x50: {  	[spmem:s15] =	stream.linear.scatter [tilespmem:s3], [sflag:$0x7], $0x2800, $0x38;
	[tilespmem:$0x1EA80] =	vst v63  }
0x51: {  	_ =	swait.ge [sflag:s13], $0x2800  }
0x52: {  	[sflag:s13] =	ssyncset.done $0x0  }
0x53: {  	s16 =	rddreg [dreg:$0x15];
	[sflag:s13] =	ssyncadd.s32 $0xFFFFD800  }
0x54: {  	[spmem:s16] =	stream.linear.scatter [tilespmem:s3], [sflag:$0x7], $0x2800, $0x38;
	[tilespmem:$0x1EA80] =	vst v63  }
0x55: {  	_ =	swait.ge [sflag:s13], $0x2800  }
0x56: {  	[sflag:s13] =	ssyncset.done $0x0  }
0x57: {  	s22 =	rddreg [dreg:$0x16];
	[sflag:s13] =	ssyncadd.s32 $0xFFFFD800  }
0x58: {  	[spmem:s22] =	stream.linear.scatter [tilespmem:s3], [sflag:$0x7], $0x2800, $0x38;
	[tilespmem:$0x1EA80] =	vst v63  }
0x59: {  	_ =	swait.ge [sflag:s13], $0x2800  }
0x5a: {  	[sflag:s13] =	ssyncset.done $0x0  }
0x5b: {  	s26 =	rddreg [dreg:$0x17];
	[sflag:s13] =	ssyncadd.s32 $0xFFFFD800  }
0x5c: {  	[spmem:s26] =	stream.linear.scatter [tilespmem:s3], [sflag:$0x7], $0x2800, $0x38;
	[tilespmem:$0x1EA80] =	vst v63  }
0x5d: {  	_ =	swait.ge [sflag:s13], $0x2800  }
0x5e: {  	[sflag:s13] =	ssyncset.done $0x0  }
0x5f: {  	s12 =	rddreg [dreg:$0x18];
	[sflag:s13] =	ssyncadd.s32 $0xFFFFD800  }
0x60: {  	[spmem:s12] =	stream.linear.scatter [tilespmem:s3], [sflag:$0x7], $0x2800, $0x38;
	[tilespmem:$0x1EA80] =	vst v63  }
0x61: {  	_ =	swait.ge [sflag:s13], $0x2800  }
0x62: {  	[sflag:s13] =	ssyncset.done $0x0  }
0x63: {  	[sflag:s13] =	ssyncadd.s32 $0xFFFFD800  }
0x64: {  	[spmem:s25] =	stream.linear.scatter [tilespmem:s3], [sflag:$0x7], $0x2800, $0x38;
	[tilespmem:$0x1EA80] =	vst v63  }
0x65: {  	_ =	swait.ge [sflag:s13], $0x2800  }
0x66: {  	[sflag:s13] =	ssyncset.done $0x0  }
0x67: {  	[sflag:s13] =	ssyncadd.s32 $0xFFFFD800  }
0x68: {  	[bflag:$0x0] =	sbarrier.arrive $0xFFFF  }
0x69: {  	s12 =	simm.s32 $0x0;
	s15 =	rddreg [dreg:$0x6]  }
0x6a: {  	[tilespmem:s12], [sflag:$0x2] =	stream.linear.gather [hbm4b:s15+s12], $0x50, $0x38;
	[tilespmem:$0x1EA80] =	vst v63  }
0x6b: {  	s16 =	rddreg [dreg:$0x7]  }
0x6c: {  	[tilespmem:s14], [sflag:$0x3] =	stream.linear.gather [hbm4b:s16+s12], $0x50, $0x38;
	[tilespmem:$0x1EA80] =	vst v63  }
0x6d: {  	s22 =	rddreg [dreg:$0x8];
	s15 =	simm.s32 $0x100  }
0x6e: {  	[tilespmem:s15], [sflag:$0x4] =	stream.linear.gather [hbm4b:s22+s12], $0x1400, $0x38;
	[tilespmem:$0x1EA80] =	vst v63  }
0x6f: {  	s26 =	simm.s32 $0x1500;
	s25 =	rddreg [dreg:$0x9];
	s22 =	simm.s32 $0x0  }
0x70: {  	[tilespmem:s26], [sflag:$0x5] =	stream.linear.gather [hbm4b:s25+s12], $0x1400, $0x38;
	[tilespmem:$0x1EA80] =	vst v63  }
.LBB2_6:
0x71: {  	_ =	swait.ge [sflag:s17], $0x50  }
0x72: {  	[sflag:s17] =	ssyncset.done $0x0  }
0x73: {  	[sflag:s17] =	ssyncadd.s32 $0xFFFFFFB0  }
0x74: {  	_ =	swait.ge [sflag:s18], $0x50  }
0x75: {  	[sflag:s18] =	ssyncset.done $0x0  }
0x76: {  	[sflag:s18] =	ssyncadd.s32 $0xFFFFFFB0  }
0x77: {  	[tilespmem:s3], [sflag:$0x1] =	stream.indirect.gather [hbm4b:s5+s19], $0x80, s12, s19, $0xb8;
	[tilespmem:$0x1EA80] =	vst v63  }
0x78: {  	s4 =	sshllo.u32 s22, $0x1;
	_ =	swait.ge [sflag:s20], $0x1400  }
0x79: {  	s15 =	smul.u32 $0x50, s4;
	[sflag:s20] =	ssyncset.done $0x0  }
0x7a: {  	[sflag:s20] =	ssyncadd.s32 $0xFFFFEC00  }
0x7b: {  	s4 =	smul.u32 $0x28, s4;
	s15 =	sadd.s32 s10, s15;
	_ =	swait.ge [sflag:s21], $0x1400  }
0x7c: {  	s15 =	sshrl.u32 s15, $0x3;
	[sflag:s21] =	ssyncset.done $0x0  }
0x7d: {  	s4 =	sadd.s32 s11, s4;
	s16 =	sadd.s32 s8, s15;
	[sflag:s21] =	ssyncadd.s32 $0xFFFFEC00  }
0x7e: {  	[tilespmem:s23], [sflag:$0x2] =	stream.linear.gather [hbm4b:s16+s12], $0x50, $0x38;
	[tilespmem:$0x1EA80] =	vst v63  }
0x7f: {  	s4 =	sshll.u32 s4, $0x4;
	s15 =	sadd.s32 s9, s15  }
0x80: {  	[tilespmem:s24], [sflag:$0x3] =	stream.linear.gather [hbm4b:s15+s12], $0x50, $0x38;
	[tilespmem:$0x1EA80] =	vst v63  }
0x81: {  	s25 =	simm.s32 $0x2A00;
	s16 =	sadd.s32 s6, s4  }
0x82: {  	[tilespmem:s25], [sflag:$0x4] =	stream.linear.gather [hbm4b:s16+s12], $0x1400, $0x38;
	[tilespmem:$0x1EA80] =	vst v63  }
0x83: {  	s26 =	simm.s32 $0x3E00;
	s4 =	sadd.s32 s7, s4  }
0x84: {  	[tilespmem:s26], [sflag:$0x5] =	stream.linear.gather [hbm4b:s4+s12], $0x1400, $0x38;
	[tilespmem:$0x1EA80] =	vst v63  }
0x85: {  	_ =	swait.ge [sflag:s28], $0x2800  }
0x86: {  	[sflag:s28] =	ssyncset.done $0x0  }
0x87: {  	s15 =	simm.s32 $0x5300;
	[sflag:s28] =	ssyncadd.s32 $0xFFFFD800  }
0x88: {  	v10 =	vld [tilespmem:s15+$0x20]  }
0x89: {  	v12 =	vld [tilespmem:s15+$0x0]  }
0x8a: {  	v11 =	vld [tilespmem:s15+$0x30]  }
0x8b: {  	v15 =	vld [tilespmem:s15+$0x50]  }
0x8c: {  	v19 =	vld [tilespmem:s15+$0xFFFFFFD0]  }
0x8d: {  	v22 =	vld [tilespmem:s15+$0xFFFFFF80]  }
0x8e: {  	v3 =	vld [tilespmem:s15+$0xFFFFFF90]  }
0x8f: {  	v6 =	vld [tilespmem:s15+$0xFFFFFFA0]  }
0x90: {  	v18 =	vld [tilespmem:s15+$0x10]  }
0x91: {  	v7 =	vld [tilespmem:s15+$0xFFFFFFB0]  }
0x92: {  	v21 =	vld [tilespmem:s15+$0x60]  }
0x93: {  	v9 =	vld [tilespmem:s15+$0xFFFFFFF0]  }
0x94: {  	s16 =	simm.s32 $0x0;
	v8 =	vld [tilespmem:s15+$0xFFFFFFE0]  }
0x95: {  	v23 =	vld [tilespmem:s16+$0x1560]  }
0x96: {  	v13 =	vld [tilespmem:s16+$0x1530]  }
0x97: {  	v20 =	vld [tilespmem:s16+$0x1510]  }
0x98: {  	v16 =	vld [tilespmem:s16+$0x1520]  }
0x99: {  	v5 =	vld [tilespmem:s16+$0x1570]  }
0x9a: {  	v24 =	vld [tilespmem:s16+$0x100]  }
0x9b: {  	v25 =	vld [tilespmem:s16+$0x1550]  }
0x9c: {  	v4 =	vld [tilespmem:s16+$0x1540]  }
0x9d: {  	v26 =	vld [tilespmem:s16+$0x1500]  }
0x9e: {  	v27 =	vld [tilespmem:s16+$0x150]  }
0x9f: {  	v14 =	vld [tilespmem:s16+$0x170]  }
0xa0: {  	v17 =	vadd.f32 v13, v11;
	v13 =	vld [tilespmem:s16+$0x160];
	v28 =	vadd.f32 v16, v10  }
0xa1: {  	v16 =	vadd.f32 v25, v15;
	v15 =	vld [tilespmem:s16+$0x130];
	v11 =	vadd.f32 v20, v18  }
0xa2: {  	v18 =	vld [tilespmem:s16+$0x120];
	v20 =	vadd.f32 v26, v12;
	v10 =	vadd.f32 v23, v21  }
0xa3: {  	s25 =	simm.s32 $0x200;
	s4 =	sshll.u32 s22, $0x1;
	s26 =	simm.s32 $0x5400;
	v12 =	vld [tilespmem:s16+$0x140];
	v22 =	vadd.f32 v24, v22;
	v19 =	vadd.f32 v27, v19;
	v21 =	vmax.f32 v28, $0.0e+00  }
.LBB2_7:
0xa4: {  	p0 =	sne.s32 s25, $0x4E00;
	v23 =	vld [tilespmem:s16+$0x110];
	s16 =	sshra.s32 s25, $0x2;
	s25 =	sadd.s32 $0x200, s25;
	v9 =	vadd.f32 v14, v9;
	v14 =	vmax.f32 v17, $0.0e+00  }
0xa5: {  	v20 =	vmax.f32 v20, $0.0e+00;
	v17 =	vld [tilespmem:s15+$0x70];
	v22 =	vmax.f32 v22, $0.0e+00;
	v19 =	vmax.f32 v19, $0.0e+00;
	[tilespmem:s15+$0x20] =	vst v21  }
0xa6: {  	v8 =	vadd.f32 v13, v8;
	v21 =	vld [tilespmem:s26+$0x20];
	v7 =	vadd.f32 v15, v7;
	v13 =	vmax.f32 v9, $0.0e+00;
	[tilespmem:s15+$0x0] =	vst v20  }
0xa7: {  	v9 =	vld [tilespmem:s15+$0xFFFFFFC0];
	v6 =	vadd.f32 v18, v6;
	[tilespmem:s15+$0x30] =	vst v14;
	v14 =	vmax.f32 v16, $0.0e+00  }
0xa8: {  	v8 =	vmax.f32 v8, $0.0e+00;
	v20 =	vld [tilespmem:s26+$0x0];
	v7 =	vmax.f32 v7, $0.0e+00;
	[tilespmem:s15+$0x50] =	vst v14  }
0xa9: {  	v14 =	vld [tilespmem:s15+$0x40];
	[tilespmem:s15+$0xFFFFFF80] =	vst v22;
	v3 =	vadd.f32 v23, v3;
	v6 =	vmax.f32 v6, $0.0e+00  }
0xaa: {  	v15 =	vld [tilespmem:s26+$0x30];
	[tilespmem:s15+$0xFFFFFFA0] =	vst v6  }
0xab: {  	v6 =	vmax.f32 v11, $0.0e+00;
	v5 =	vadd.f32 v5, v17;
	v16 =	vld [tilespmem:s26+$0x50];
	v3 =	vmax.f32 v3, $0.0e+00;
	[tilespmem:s15+$0xFFFFFFD0] =	vst v19  }
0xac: {  	v19 =	vld [tilespmem:s26+$0xFFFFFFD0];
	[tilespmem:s15+$0xFFFFFF90] =	vst v3;
	v9 =	vadd.f32 v12, v9  }
0xad: {  	v5 =	vmax.f32 v5, $0.0e+00;
	v22 =	vld [tilespmem:s26+$0xFFFFFF80];
	[tilespmem:s15+$0x10] =	vst v6;
	v6 =	vmax.f32 v10, $0.0e+00  }
0xae: {  	v3 =	vld [tilespmem:s26+$0xFFFFFF90];
	v9 =	vmax.f32 v9, $0.0e+00;
	v4 =	vadd.f32 v4, v14;
	[tilespmem:s15+$0x60] =	vst v6  }
0xaf: {  	v6 =	vld [tilespmem:s26+$0xFFFFFFA0];
	[tilespmem:s15+$0xFFFFFFB0] =	vst v7  }
0xb0: {  	v10 =	vld [tilespmem:s26+$0x10];
	[tilespmem:s15+$0xFFFFFFC0] =	vst v9  }
0xb1: {  	v7 =	vld [tilespmem:s26+$0xFFFFFFB0];
	[tilespmem:s15+$0x70] =	vst v5  }
0xb2: {  	v12 =	vld [tilespmem:s26+$0x60];
	[tilespmem:s15+$0xFFFFFFE0] =	vst v8  }
0xb3: {  	v4 =	vmax.f32 v4, $0.0e+00;
	v9 =	vld [tilespmem:s26+$0xFFFFFFF0];
	[tilespmem:s15+$0xFFFFFFF0] =	vst v13  }
0xb4: {  	v8 =	vld [tilespmem:s26+$0xFFFFFFE0];
	[tilespmem:s15+$0x40] =	vst v4;
	s15 =	smov.u32 s26  }
0xb5: {  	v23 =	vld [tilespmem:s16+$0x1560]  }
0xb6: {  	v4 =	vld [tilespmem:s16+$0x1530]  }
0xb7: {  	v11 =	vld [tilespmem:s16+$0x1510]  }
0xb8: {  	v18 =	vld [tilespmem:s16+$0x1520]  }
0xb9: {  	v5 =	vld [tilespmem:s16+$0x1570]  }
0xba: {  	v24 =	vld [tilespmem:s16+$0x100]  }
0xbb: {  	v25 =	vld [tilespmem:s16+$0x1550];
	v17 =	vadd.f32 v4, v15  }
0xbc: {  	v4 =	vld [tilespmem:s16+$0x1540]  }
0xbd: {  	v26 =	vld [tilespmem:s16+$0x1500]  }
0xbe: {  	v27 =	vld [tilespmem:s16+$0x150]  }
.Ltmp2:
0xbf: {  	v14 =	vld [tilespmem:s16+$0x170];
	(pc) =	sbr.rel @p0 .LBB2_7-.Ltmp2, $4  }
0xc0: {  	v21 =	vadd.f32 v18, v21;
	v13 =	vld [tilespmem:s16+$0x160];
	v16 =	vadd.f32 v25, v16  }
0xc1: {  	v11 =	vadd.f32 v11, v10;
	v15 =	vld [tilespmem:s16+$0x130]  }
0xc2: {  	v10 =	vadd.f32 v23, v12;
	v21 =	vmax.f32 v21, $0.0e+00;
	v18 =	vld [tilespmem:s16+$0x120];
	v20 =	vadd.f32 v26, v20  }
0xc3: {  	s26 =	sadd.s32 $0x100, s26;
	v22 =	vadd.f32 v24, v22;
	v12 =	vld [tilespmem:s16+$0x140];
	v19 =	vadd.f32 v27, v19  }
0xc4: {  	v23 =	vld [tilespmem:s16+$0x110];
	v20 =	vmax.f32 v20, $0.0e+00;
	[tilespmem:s15+$0x20] =	vst v21  }
0xc5: {  	v17 =	vmax.f32 v17, $0.0e+00;
	[tilespmem:s15+$0x0] =	vst v20  }
0xc6: {  	v16 =	vmax.f32 v16, $0.0e+00;
	[tilespmem:s15+$0x30] =	vst v17  }
0xc7: {  	v11 =	vmax.f32 v11, $0.0e+00;
	v20 =	vld [tilespmem:s15+$0x70];
	[tilespmem:s15+$0x50] =	vst v16  }
0xc8: {  	v10 =	vmax.f32 v10, $0.0e+00;
	[tilespmem:s15+$0x10] =	vst v11;
	v6 =	vadd.f32 v18, v6;
	v18 =	vld [tilespmem:s15+$0xFFFFFFC0]  }
0xc9: {  	v17 =	vmax.f32 v22, $0.0e+00;
	[tilespmem:s15+$0x60] =	vst v10  }
0xca: {  	[tilespmem:s15+$0xFFFFFF80] =	vst v17;
	v3 =	vadd.f32 v23, v3;
	v6 =	vmax.f32 v6, $0.0e+00  }
0xcb: {  	v16 =	vmax.f32 v19, $0.0e+00;
	[tilespmem:s15+$0xFFFFFFA0] =	vst v6;
	v6 =	vadd.f32 v15, v7;
	v7 =	vld [tilespmem:s15+$0x40]  }
0xcc: {  	[tilespmem:s15+$0xFFFFFFD0] =	vst v16;
	v5 =	vadd.f32 v5, v20;
	v3 =	vmax.f32 v3, $0.0e+00  }
0xcd: {  	[tilespmem:s15+$0xFFFFFF90] =	vst v3;
	v3 =	vadd.f32 v12, v18;
	v6 =	vmax.f32 v6, $0.0e+00  }
0xce: {  	v8 =	vadd.f32 v13, v8;
	v5 =	vmax.f32 v5, $0.0e+00;
	[tilespmem:s15+$0xFFFFFFB0] =	vst v6  }
0xcf: {  	v6 =	vadd.f32 v14, v9;
	[tilespmem:s15+$0x70] =	vst v5;
	v3 =	vmax.f32 v3, $0.0e+00  }
0xd0: {  	[tilespmem:s15+$0xFFFFFFC0] =	vst v3;
	v3 =	vmax.f32 v8, $0.0e+00;
	v4 =	vadd.f32 v4, v7  }
0xd1: {  	v5 =	vmax.f32 v6, $0.0e+00;
	[tilespmem:s15+$0xFFFFFFE0] =	vst v3  }
0xd2: {  	[tilespmem:s15+$0xFFFFFFF0] =	vst v5;
	v3 =	vmax.f32 v4, $0.0e+00  }
0xd3: {  	[tilespmem:s15+$0x40] =	vst v3  }
0xd4: {  	[spmem:s1] =	stream.indirect.scatter.add.f32 [tilespmem:s3], [sflag:$0x6], $0x80, s14, s19, $0xb8;
	[tilespmem:$0x1EA80] =	vst v63  }
0xd5: {  	v3 =	vld [tilespmem:$0x80];
	_ =	sdelay $0x4  }
0xd6: {  	v4 =	vshll.u32 v3, $0x4  }
0xd7: {  	v4 =	vand.u32 $0x70, v4  }
0xd8: {  	v4 =	vor.u32 v1, v4;
	_ =	sdelay $0x2  }
0xd9: {  	v3 =	vshrl.u32 v3, $0x3  }
0xda: {  	[tilespmem:$0x5200] =	vst v3  }
0xdb: {  	[tilespmem:v4+s29+$0x0] =	vst.idx.msk $0xffff, v2  }
0xdc: {  	[spmem:s2] =	stream.indirect.scatter.add.f32 [tilespmem:s29], [sflag:$0x7], $0x80, s31, s30, $0xb8;
	[tilespmem:$0x1EA80] =	vst v63  }
0xdd: {  	_ =	swait.ge [sflag:s13], $0x800  }
0xde: {  	[sflag:s13] =	ssyncset.done $0x0  }
0xdf: {  	[sflag:s13] =	ssyncadd.s32 $0xFFFFF800  }
0xe0: {  	[tilespmem:v4+s29+$0x0] =	vst.idx.msk $0xffff, v0  }
0xe1: {  	v3 =	vld [tilespmem:$0x90];
	_ =	sdelay $0x4  }
0xe2: {  	v4 =	vshll.u32 v3, $0x4  }
0xe3: {  	v4 =	vand.u32 $0x70, v4  }
0xe4: {  	v4 =	vor.u32 v1, v4;
	_ =	sdelay $0x2  }
0xe5: {  	v3 =	vshrl.u32 v3, $0x3  }
0xe6: {  	[tilespmem:$0x5200] =	vst v3  }
0xe7: {  	[tilespmem:v4+s29+$0x0] =	vst.idx.msk $0xffff, v2  }
0xe8: {  	[spmem:s2] =	stream.indirect.scatter.add.f32 [tilespmem:s29], [sflag:$0x7], $0x80, s31, s30, $0xb8;
	[tilespmem:$0x1EA80] =	vst v63  }
0xe9: {  	_ =	swait.ge [sflag:s13], $0x800  }
0xea: {  	[sflag:s13] =	ssyncset.done $0x0  }
0xeb: {  	[sflag:s13] =	ssyncadd.s32 $0xFFFFF800  }
0xec: {  	[tilespmem:v4+s29+$0x0] =	vst.idx.msk $0xffff, v0  }
0xed: {  	v3 =	vld [tilespmem:$0xA0];
	_ =	sdelay $0x4  }
0xee: {  	v4 =	vshll.u32 v3, $0x4  }
0xef: {  	v4 =	vand.u32 $0x70, v4  }
0xf0: {  	v4 =	vor.u32 v1, v4;
	_ =	sdelay $0x2  }
0xf1: {  	v3 =	vshrl.u32 v3, $0x3  }
0xf2: {  	[tilespmem:$0x5200] =	vst v3  }
0xf3: {  	[tilespmem:v4+s29+$0x0] =	vst.idx.msk $0xffff, v2  }
0xf4: {  	[spmem:s2] =	stream.indirect.scatter.add.f32 [tilespmem:s29], [sflag:$0x7], $0x80, s31, s30, $0xb8;
	[tilespmem:$0x1EA80] =	vst v63  }
0xf5: {  	_ =	swait.ge [sflag:s13], $0x800  }
0xf6: {  	[sflag:s13] =	ssyncset.done $0x0  }
0xf7: {  	[sflag:s13] =	ssyncadd.s32 $0xFFFFF800  }
0xf8: {  	[tilespmem:v4+s29+$0x0] =	vst.idx.msk $0xffff, v0  }
0xf9: {  	v3 =	vld [tilespmem:$0xB0];
	_ =	sdelay $0x4  }
0xfa: {  	v4 =	vshll.u32 v3, $0x4  }
0xfb: {  	v4 =	vand.u32 $0x70, v4  }
0xfc: {  	v4 =	vor.u32 v1, v4;
	_ =	sdelay $0x2  }
0xfd: {  	v3 =	vshrl.u32 v3, $0x3  }
0xfe: {  	[tilespmem:$0x5200] =	vst v3  }
0xff: {  	[tilespmem:v4+s29+$0x0] =	vst.idx.msk $0xffff, v2  }
0x100: {  	[spmem:s2] =	stream.indirect.scatter.add.f32 [tilespmem:s29], [sflag:$0x7], $0x80, s31, s30, $0xb8;
	[tilespmem:$0x1EA80] =	vst v63  }
0x101: {  	_ =	swait.ge [sflag:s13], $0x800  }
0x102: {  	[sflag:s13] =	ssyncset.done $0x0  }
0x103: {  	[sflag:s13] =	ssyncadd.s32 $0xFFFFF800  }
0x104: {  	[tilespmem:v4+s29+$0x0] =	vst.idx.msk $0xffff, v0  }
0x105: {  	v3 =	vld [tilespmem:$0xC0];
	_ =	sdelay $0x4  }
0x106: {  	v4 =	vshll.u32 v3, $0x4  }
0x107: {  	v4 =	vand.u32 $0x70, v4  }
0x108: {  	v4 =	vor.u32 v1, v4;
	_ =	sdelay $0x2  }
0x109: {  	v3 =	vshrl.u32 v3, $0x3  }
0x10a: {  	[tilespmem:$0x5200] =	vst v3  }
0x10b: {  	[tilespmem:v4+s29+$0x0] =	vst.idx.msk $0xffff, v2  }
0x10c: {  	[spmem:s2] =	stream.indirect.scatter.add.f32 [tilespmem:s29], [sflag:$0x7], $0x80, s31, s30, $0xb8;
	[tilespmem:$0x1EA80] =	vst v63  }
0x10d: {  	_ =	swait.ge [sflag:s13], $0x800  }
0x10e: {  	[sflag:s13] =	ssyncset.done $0x0  }
0x10f: {  	[sflag:s13] =	ssyncadd.s32 $0xFFFFF800  }
0x110: {  	[tilespmem:v4+s29+$0x0] =	vst.idx.msk $0xffff, v0  }
0x111: {  	_ =	swait.ge [sflag:s0], $0x2800  }
0x112: {  	[sflag:s0] =	ssyncset.done $0x0  }
0x113: {  	[sflag:s0] =	ssyncadd.s32 $0xFFFFD800  }
0x114: {  	_ =	swait.ge [sflag:s17], $0x50  }
0x115: {  	[sflag:s17] =	ssyncset.done $0x0  }
0x116: {  	[sflag:s17] =	ssyncadd.s32 $0xFFFFFFB0  }
0x117: {  	_ =	swait.ge [sflag:s18], $0x50  }
0x118: {  	[sflag:s18] =	ssyncset.done $0x0  }
0x119: {  	[sflag:s18] =	ssyncadd.s32 $0xFFFFFFB0  }
0x11a: {  	[tilespmem:s3], [sflag:$0x1] =	stream.indirect.gather [hbm4b:s5+s19], $0x80, s23, s19, $0xb8;
	[tilespmem:$0x1EA80] =	vst v63  }
0x11b: {  	s4 =	sadd.s32 $0x2, s4;
	_ =	swait.ge [sflag:s20], $0x1400  }
0x11c: {  	s25 =	smul.u32 $0x50, s4;
	[sflag:s20] =	ssyncset.done $0x0  }
0x11d: {  	s4 =	smul.u32 $0x28, s4;
	[sflag:s20] =	ssyncadd.s32 $0xFFFFEC00  }
0x11e: {  	s15 =	sadd.s32 s10, s25;
	_ =	swait.ge [sflag:s21], $0x1400  }
0x11f: {  	s4 =	sadd.s32 s11, s4;
	s15 =	sshrl.u32 s15, $0x3;
	[sflag:s21] =	ssyncset.done $0x0  }
0x120: {  	s25 =	simm.s32 $0x0;
	s26 =	sadd.s32 s8, s15;
	[sflag:s21] =	ssyncadd.s32 $0xFFFFEC00  }
0x121: {  	[tilespmem:s25], [sflag:$0x2] =	stream.linear.gather [hbm4b:s26+s25], $0x50, $0x38;
	[tilespmem:$0x1EA80] =	vst v63  }
0x122: {  	s4 =	sshll.u32 s4, $0x4;
	s15 =	sadd.s32 s9, s15  }
0x123: {  	[tilespmem:s14], [sflag:$0x3] =	stream.linear.gather [hbm4b:s15+s25], $0x50, $0x38;
	[tilespmem:$0x1EA80] =	vst v63  }
0x124: {  	s16 =	sadd.s32 s6, s4;
	s26 =	simm.s32 $0x100  }
0x125: {  	[tilespmem:s26], [sflag:$0x4] =	stream.linear.gather [hbm4b:s16+s25], $0x1400, $0x38;
	[tilespmem:$0x1EA80] =	vst v63  }
0x126: {  	s4 =	sadd.s32 s7, s4;
	s26 =	simm.s32 $0x1500  }
0x127: {  	[tilespmem:s26], [sflag:$0x5] =	stream.linear.gather [hbm4b:s4+s25], $0x1400, $0x38;
	[tilespmem:$0x1EA80] =	vst v63  }
0x128: {  	_ =	swait.ge [sflag:s28], $0x2800  }
0x129: {  	[sflag:s28] =	ssyncset.done $0x0  }
0x12a: {  	s4 =	simm.s32 $0x5300;
	[sflag:s28] =	ssyncadd.s32 $0xFFFFD800  }
0x12b: {  	v10 =	vld [tilespmem:s4+$0x20]  }
0x12c: {  	v12 =	vld [tilespmem:s4+$0x0]  }
0x12d: {  	v11 =	vld [tilespmem:s4+$0x30]  }
0x12e: {  	v15 =	vld [tilespmem:s4+$0x50]  }
0x12f: {  	v19 =	vld [tilespmem:s4+$0xFFFFFFD0]  }
0x130: {  	v22 =	vld [tilespmem:s4+$0xFFFFFF80]  }
0x131: {  	v3 =	vld [tilespmem:s4+$0xFFFFFF90]  }
0x132: {  	v6 =	vld [tilespmem:s4+$0xFFFFFFA0]  }
0x133: {  	v18 =	vld [tilespmem:s4+$0x10]  }
0x134: {  	v7 =	vld [tilespmem:s4+$0xFFFFFFB0]  }
0x135: {  	v21 =	vld [tilespmem:s4+$0x60]  }
0x136: {  	v9 =	vld [tilespmem:s4+$0xFFFFFFF0]  }
0x137: {  	s15 =	simm.s32 $0x0;
	v8 =	vld [tilespmem:s4+$0xFFFFFFE0]  }
0x138: {  	v23 =	vld [tilespmem:s15+$0x3E60]  }
0x139: {  	v13 =	vld [tilespmem:s15+$0x3E30]  }
0x13a: {  	v20 =	vld [tilespmem:s15+$0x3E10]  }
0x13b: {  	v16 =	vld [tilespmem:s15+$0x3E20]  }
0x13c: {  	v5 =	vld [tilespmem:s15+$0x3E70]  }
0x13d: {  	v24 =	vld [tilespmem:s15+$0x2A00]  }
0x13e: {  	v25 =	vld [tilespmem:s15+$0x3E50]  }
0x13f: {  	v4 =	vld [tilespmem:s15+$0x3E40]  }
0x140: {  	v26 =	vld [tilespmem:s15+$0x3E00]  }
0x141: {  	v27 =	vld [tilespmem:s15+$0x2A50]  }
0x142: {  	v14 =	vld [tilespmem:s15+$0x2A70]  }
0x143: {  	v17 =	vadd.f32 v13, v11;
	v13 =	vld [tilespmem:s15+$0x2A60];
	v28 =	vadd.f32 v16, v10  }
0x144: {  	v16 =	vadd.f32 v25, v15;
	v15 =	vld [tilespmem:s15+$0x2A30];
	v11 =	vadd.f32 v20, v18  }
0x145: {  	v18 =	vld [tilespmem:s15+$0x2A20];
	v20 =	vadd.f32 v26, v12;
	v10 =	vadd.f32 v23, v21  }
0x146: {  	s16 =	simm.s32 $0x200;
	s25 =	simm.s32 $0x5400;
	v12 =	vld [tilespmem:s15+$0x2A40];
	v22 =	vadd.f32 v24, v22;
	v19 =	vadd.f32 v27, v19;
	v21 =	vmax.f32 v28, $0.0e+00  }
.LBB2_9:
0x147: {  	p0 =	sne.s32 s16, $0x4E00;
	v23 =	vld [tilespmem:s15+$0x2A10];
	s15 =	sshra.s32 s16, $0x2;
	s16 =	sadd.s32 $0x200, s16;
	v9 =	vadd.f32 v14, v9;
	v14 =	vmax.f32 v17, $0.0e+00  }
0x148: {  	v20 =	vmax.f32 v20, $0.0e+00;
	v17 =	vld [tilespmem:s4+$0x70];
	v22 =	vmax.f32 v22, $0.0e+00;
	v19 =	vmax.f32 v19, $0.0e+00;
	[tilespmem:s4+$0x20] =	vst v21  }
0x149: {  	v8 =	vadd.f32 v13, v8;
	v21 =	vld [tilespmem:s25+$0x20];
	v7 =	vadd.f32 v15, v7;
	v13 =	vmax.f32 v9, $0.0e+00;
	[tilespmem:s4+$0x0] =	vst v20  }
0x14a: {  	v9 =	vld [tilespmem:s4+$0xFFFFFFC0];
	v6 =	vadd.f32 v18, v6;
	[tilespmem:s4+$0x30] =	vst v14;
	v14 =	vmax.f32 v16, $0.0e+00  }
0x14b: {  	v8 =	vmax.f32 v8, $0.0e+00;
	v20 =	vld [tilespmem:s25+$0x0];
	v7 =	vmax.f32 v7, $0.0e+00;
	[tilespmem:s4+$0x50] =	vst v14  }
0x14c: {  	v14 =	vld [tilespmem:s4+$0x40];
	[tilespmem:s4+$0xFFFFFF80] =	vst v22;
	v3 =	vadd.f32 v23, v3;
	v6 =	vmax.f32 v6, $0.0e+00  }
0x14d: {  	v15 =	vld [tilespmem:s25+$0x30];
	[tilespmem:s4+$0xFFFFFFA0] =	vst v6  }
0x14e: {  	v6 =	vmax.f32 v11, $0.0e+00;
	v5 =	vadd.f32 v5, v17;
	v16 =	vld [tilespmem:s25+$0x50];
	v3 =	vmax.f32 v3, $0.0e+00;
	[tilespmem:s4+$0xFFFFFFD0] =	vst v19  }
0x14f: {  	v19 =	vld [tilespmem:s25+$0xFFFFFFD0];
	[tilespmem:s4+$0xFFFFFF90] =	vst v3;
	v9 =	vadd.f32 v12, v9  }
0x150: {  	v5 =	vmax.f32 v5, $0.0e+00;
	v22 =	vld [tilespmem:s25+$0xFFFFFF80];
	[tilespmem:s4+$0x10] =	vst v6;
	v6 =	vmax.f32 v10, $0.0e+00  }
0x151: {  	v3 =	vld [tilespmem:s25+$0xFFFFFF90];
	v9 =	vmax.f32 v9, $0.0e+00;
	v4 =	vadd.f32 v4, v14;
	[tilespmem:s4+$0x60] =	vst v6  }
0x152: {  	v6 =	vld [tilespmem:s25+$0xFFFFFFA0];
	[tilespmem:s4+$0xFFFFFFB0] =	vst v7  }
0x153: {  	v10 =	vld [tilespmem:s25+$0x10];
	[tilespmem:s4+$0xFFFFFFC0] =	vst v9  }
0x154: {  	v7 =	vld [tilespmem:s25+$0xFFFFFFB0];
	[tilespmem:s4+$0x70] =	vst v5  }
0x155: {  	v12 =	vld [tilespmem:s25+$0x60];
	[tilespmem:s4+$0xFFFFFFE0] =	vst v8  }
0x156: {  	v4 =	vmax.f32 v4, $0.0e+00;
	v9 =	vld [tilespmem:s25+$0xFFFFFFF0];
	[tilespmem:s4+$0xFFFFFFF0] =	vst v13  }
0x157: {  	v8 =	vld [tilespmem:s25+$0xFFFFFFE0];
	[tilespmem:s4+$0x40] =	vst v4;
	s4 =	smov.u32 s25  }
0x158: {  	v23 =	vld [tilespmem:s15+$0x3E60]  }
0x159: {  	v4 =	vld [tilespmem:s15+$0x3E30]  }
0x15a: {  	v11 =	vld [tilespmem:s15+$0x3E10]  }
0x15b: {  	v18 =	vld [tilespmem:s15+$0x3E20]  }
0x15c: {  	v5 =	vld [tilespmem:s15+$0x3E70]  }
0x15d: {  	v24 =	vld [tilespmem:s15+$0x2A00]  }
0x15e: {  	v25 =	vld [tilespmem:s15+$0x3E50];
	v17 =	vadd.f32 v4, v15  }
0x15f: {  	v4 =	vld [tilespmem:s15+$0x3E40]  }
0x160: {  	v26 =	vld [tilespmem:s15+$0x3E00]  }
0x161: {  	v27 =	vld [tilespmem:s15+$0x2A50]  }
.Ltmp3:
0x162: {  	v14 =	vld [tilespmem:s15+$0x2A70];
	(pc) =	sbr.rel @p0 .LBB2_9-.Ltmp3, $4  }
0x163: {  	v21 =	vadd.f32 v18, v21;
	v13 =	vld [tilespmem:s15+$0x2A60];
	v16 =	vadd.f32 v25, v16  }
0x164: {  	v11 =	vadd.f32 v11, v10;
	v15 =	vld [tilespmem:s15+$0x2A30]  }
0x165: {  	v10 =	vadd.f32 v23, v12;
	v21 =	vmax.f32 v21, $0.0e+00;
	v18 =	vld [tilespmem:s15+$0x2A20];
	v20 =	vadd.f32 v26, v20  }
0x166: {  	s25 =	sadd.s32 $0x100, s25;
	v22 =	vadd.f32 v24, v22;
	v12 =	vld [tilespmem:s15+$0x2A40];
	v19 =	vadd.f32 v27, v19  }
0x167: {  	v23 =	vld [tilespmem:s15+$0x2A10];
	v20 =	vmax.f32 v20, $0.0e+00;
	[tilespmem:s4+$0x20] =	vst v21  }
0x168: {  	v17 =	vmax.f32 v17, $0.0e+00;
	[tilespmem:s4+$0x0] =	vst v20  }
0x169: {  	v16 =	vmax.f32 v16, $0.0e+00;
	[tilespmem:s4+$0x30] =	vst v17  }
0x16a: {  	v11 =	vmax.f32 v11, $0.0e+00;
	[tilespmem:s4+$0x50] =	vst v16  }
0x16b: {  	v51 =	vld [tilespmem:s4+$0x70];
	v10 =	vmax.f32 v10, $0.0e+00;
	[tilespmem:s4+$0x10] =	vst v11  }
0x16c: {  	v53 =	vld [tilespmem:s4+$0xFFFFFFC0];
	v57 =	vadd.f32 v14, v9;
	v52 =	vmax.f32 v22, $0.0e+00;
	[tilespmem:s4+$0x60] =	vst v10  }
0x16d: {  	v54 =	vmax.f32 v19, $0.0e+00;
	[tilespmem:s4+$0xFFFFFF80] =	vst v52;
	v6 =	vadd.f32 v18, v6  }
0x16e: {  	v56 =	vld [tilespmem:s4+$0x40];
	[tilespmem:s4+$0xFFFFFFD0] =	vst v54;
	v58 =	vmax.f32 v57, $0.0e+00;
	v3 =	vadd.f32 v23, v3  }
0x16f: {  	v55 =	vadd.f32 v15, v7;
	[tilespmem:s4+$0xFFFFFFF0] =	vst v58;
	v6 =	vmax.f32 v6, $0.0e+00  }
0x170: {  	v5 =	vadd.f32 v5, v51;
	[tilespmem:s4+$0xFFFFFFA0] =	vst v6;
	v3 =	vmax.f32 v3, $0.0e+00  }
0x171: {  	v6 =	vmax.f32 v55, $0.0e+00;
	[tilespmem:s4+$0xFFFFFF90] =	vst v3;
	v3 =	vadd.f32 v12, v53  }
0x172: {  	v8 =	vadd.f32 v13, v8;
	[tilespmem:s4+$0xFFFFFFB0] =	vst v6;
	v5 =	vmax.f32 v5, $0.0e+00  }
0x173: {  	v4 =	vadd.f32 v4, v56;
	[tilespmem:s4+$0x70] =	vst v5;
	v3 =	vmax.f32 v3, $0.0e+00  }
0x174: {  	[tilespmem:s4+$0xFFFFFFC0] =	vst v3;
	v3 =	vmax.f32 v8, $0.0e+00  }
0x175: {  	[tilespmem:s4+$0xFFFFFFE0] =	vst v3;
	v3 =	vmax.f32 v4, $0.0e+00  }
0x176: {  	[tilespmem:s4+$0x40] =	vst v3  }
0x177: {  	[spmem:s1] =	stream.indirect.scatter.add.f32 [tilespmem:s3], [sflag:$0x6], $0x80, s24, s19, $0xb8;
	[tilespmem:$0x1EA80] =	vst v63  }
0x178: {  	v3 =	vld [tilespmem:$0x2980];
	_ =	sdelay $0x4  }
0x179: {  	v59 =	vshll.u32 v3, $0x4  }
0x17a: {  	v4 =	vand.u32 $0x70, v59  }
0x17b: {  	v4 =	vor.u32 v1, v4;
	_ =	sdelay $0x2  }
0x17c: {  	v3 =	vshrl.u32 v3, $0x3  }
0x17d: {  	[tilespmem:$0x5200] =	vst v3  }
0x17e: {  	[tilespmem:v4+s29+$0x0] =	vst.idx.msk $0xffff, v2  }
0x17f: {  	[spmem:s2] =	stream.indirect.scatter.add.f32 [tilespmem:s29], [sflag:$0x7], $0x80, s31, s30, $0xb8;
	[tilespmem:$0x1EA80] =	vst v63  }
0x180: {  	_ =	swait.ge [sflag:s13], $0x800  }
0x181: {  	[sflag:s13] =	ssyncset.done $0x0  }
0x182: {  	[sflag:s13] =	ssyncadd.s32 $0xFFFFF800  }
0x183: {  	[tilespmem:v4+s29+$0x0] =	vst.idx.msk $0xffff, v0  }
0x184: {  	v3 =	vld [tilespmem:$0x2990];
	_ =	sdelay $0x4  }
0x185: {  	v60 =	vshll.u32 v3, $0x4  }
0x186: {  	v4 =	vand.u32 $0x70, v60  }
0x187: {  	v4 =	vor.u32 v1, v4;
	_ =	sdelay $0x2  }
0x188: {  	v3 =	vshrl.u32 v3, $0x3  }
0x189: {  	[tilespmem:$0x5200] =	vst v3  }
0x18a: {  	[tilespmem:v4+s29+$0x0] =	vst.idx.msk $0xffff, v2  }
0x18b: {  	[spmem:s2] =	stream.indirect.scatter.add.f32 [tilespmem:s29], [sflag:$0x7], $0x80, s31, s30, $0xb8;
	[tilespmem:$0x1EA80] =	vst v63  }
0x18c: {  	_ =	swait.ge [sflag:s13], $0x800  }
0x18d: {  	[sflag:s13] =	ssyncset.done $0x0  }
0x18e: {  	[sflag:s13] =	ssyncadd.s32 $0xFFFFF800  }
0x18f: {  	[tilespmem:v4+s29+$0x0] =	vst.idx.msk $0xffff, v0  }
0x190: {  	v3 =	vld [tilespmem:$0x29A0];
	_ =	sdelay $0x4  }
0x191: {  	v61 =	vshll.u32 v3, $0x4  }
0x192: {  	v4 =	vand.u32 $0x70, v61  }
0x193: {  	v4 =	vor.u32 v1, v4;
	_ =	sdelay $0x2  }
0x194: {  	v3 =	vshrl.u32 v3, $0x3  }
0x195: {  	[tilespmem:$0x5200] =	vst v3  }
0x196: {  	[tilespmem:v4+s29+$0x0] =	vst.idx.msk $0xffff, v2  }
0x197: {  	[spmem:s2] =	stream.indirect.scatter.add.f32 [tilespmem:s29], [sflag:$0x7], $0x80, s31, s30, $0xb8;
	[tilespmem:$0x1EA80] =	vst v63  }
0x198: {  	_ =	swait.ge [sflag:s13], $0x800  }
0x199: {  	[sflag:s13] =	ssyncset.done $0x0  }
0x19a: {  	[sflag:s13] =	ssyncadd.s32 $0xFFFFF800  }
0x19b: {  	[tilespmem:v4+s29+$0x0] =	vst.idx.msk $0xffff, v0  }
0x19c: {  	v3 =	vld [tilespmem:$0x29B0];
	_ =	sdelay $0x4  }
0x19d: {  	v62 =	vshll.u32 v3, $0x4  }
0x19e: {  	v4 =	vand.u32 $0x70, v62  }
0x19f: {  	v4 =	vor.u32 v1, v4;
	_ =	sdelay $0x2  }
0x1a0: {  	v3 =	vshrl.u32 v3, $0x3  }
0x1a1: {  	[tilespmem:$0x5200] =	vst v3  }
0x1a2: {  	[tilespmem:v4+s29+$0x0] =	vst.idx.msk $0xffff, v2  }
0x1a3: {  	[spmem:s2] =	stream.indirect.scatter.add.f32 [tilespmem:s29], [sflag:$0x7], $0x80, s31, s30, $0xb8;
	[tilespmem:$0x1EA80] =	vst v63  }
0x1a4: {  	_ =	swait.ge [sflag:s13], $0x800  }
0x1a5: {  	[sflag:s13] =	ssyncset.done $0x0  }
0x1a6: {  	[sflag:s13] =	ssyncadd.s32 $0xFFFFF800  }
0x1a7: {  	[tilespmem:v4+s29+$0x0] =	vst.idx.msk $0xffff, v0  }
0x1a8: {  	v3 =	vld [tilespmem:$0x29C0];
	_ =	sdelay $0x4  }
0x1a9: {  	v63 =	vshll.u32 v3, $0x4  }
0x1aa: {  	v4 =	vand.u32 $0x70, v63  }
0x1ab: {  	v4 =	vor.u32 v1, v4;
	_ =	sdelay $0x2  }
0x1ac: {  	v3 =	vshrl.u32 v3, $0x3  }
0x1ad: {  	[tilespmem:$0x5200] =	vst v3  }
0x1ae: {  	[tilespmem:v4+s29+$0x0] =	vst.idx.msk $0xffff, v2  }
0x1af: {  	[spmem:s2] =	stream.indirect.scatter.add.f32 [tilespmem:s29], [sflag:$0x7], $0x80, s31, s30, $0xb8;
	[tilespmem:$0x1EA80] =	vst v63  }
0x1b0: {  	s22 =	sadd.s32 $0x1, s22;
	_ =	swait.ge [sflag:s13], $0x800  }
0x1b1: {  	p0 =	sne.s32 s22, $0x3E;
	[sflag:s13] =	ssyncset.done $0x0  }
.Ltmp4:
0x1b2: {  	[sflag:s13] =	ssyncadd.s32 $0xFFFFF800;
	(pc) =	sbr.rel @p0 .LBB2_6-.Ltmp4, $4  }
0x1b3: {  	[tilespmem:v4+s29+$0x0] =	vst.idx.msk $0xffff, v0  }
0x1b4: {  	_ =	swait.ge [sflag:s0], $0x2800  }
0x1b5: {  	[sflag:s0] =	ssyncset.done $0x0  }
0x1b6: {  	[sflag:s0] =	ssyncadd.s32 $0xFFFFD800  }
0x1b7: {  	_ =	swait.ge [sflag:s17], $0x50  }
0x1b8: {  	[sflag:s17] =	ssyncset.done $0x0  }
0x1b9: {  	[sflag:s17] =	ssyncadd.s32 $0xFFFFFFB0  }
0x1ba: {  	_ =	swait.ge [sflag:s18], $0x50  }
0x1bb: {  	[sflag:s18] =	ssyncset.done $0x0  }
0x1bc: {  	s4 =	simm.s32 $0x0;
	[sflag:s18] =	ssyncadd.s32 $0xFFFFFFB0  }
0x1bd: {  	[tilespmem:s3], [sflag:$0x1] =	stream.indirect.gather [hbm4b:s5+s19], $0x80, s4, s19, $0xb8;
	[tilespmem:$0x1EA80] =	vst v63  }
0x1be: {  	_ =	swait.ge [sflag:s20], $0x1400  }
0x1bf: {  	[sflag:s20] =	ssyncset.done $0x0  }
0x1c0: {  	[sflag:s20] =	ssyncadd.s32 $0xFFFFEC00  }
0x1c1: {  	_ =	swait.ge [sflag:s21], $0x1400  }
0x1c2: {  	[sflag:s21] =	ssyncset.done $0x0  }
0x1c3: {  	s12 =	rddreg [dreg:$0xa];
	[sflag:s21] =	ssyncadd.s32 $0xFFFFEC00  }
0x1c4: {  	[tilespmem:s23], [sflag:$0x2] =	stream.linear.gather [hbm4b:s12+s4], $0x50, $0x38;
	[tilespmem:$0x1EA80] =	vst v63  }
0x1c5: {  	s16 =	rddreg [dreg:$0xb]  }
0x1c6: {  	[tilespmem:s24], [sflag:$0x3] =	stream.linear.gather [hbm4b:s16+s4], $0x50, $0x38;
	[tilespmem:$0x1EA80] =	vst v63  }
0x1c7: {  	s15 =	simm.s32 $0x2A00;
	s22 =	rddreg [dreg:$0xc]  }
0x1c8: {  	[tilespmem:s15], [sflag:$0x4] =	stream.linear.gather [hbm4b:s22+s4], $0x1400, $0x38;
	[tilespmem:$0x1EA80] =	vst v63  }
0x1c9: {  	s26 =	simm.s32 $0x3E00;
	s25 =	rddreg [dreg:$0xd]  }
0x1ca: {  	[tilespmem:s26], [sflag:$0x5] =	stream.linear.gather [hbm4b:s25+s4], $0x1400, $0x38;
	[tilespmem:$0x1EA80] =	vst v63  }
0x1cb: {  	_ =	swait.ge [sflag:s28], $0x2800  }
0x1cc: {  	[sflag:s28] =	ssyncset.done $0x0  }
0x1cd: {  	s4 =	simm.s32 $0x5300;
	[sflag:s28] =	ssyncadd.s32 $0xFFFFD800  }
0x1ce: {  	v10 =	vld [tilespmem:s4+$0x20]  }
0x1cf: {  	v12 =	vld [tilespmem:s4+$0x0]  }
0x1d0: {  	v11 =	vld [tilespmem:s4+$0x30]  }
0x1d1: {  	v15 =	vld [tilespmem:s4+$0x50]  }
0x1d2: {  	v19 =	vld [tilespmem:s4+$0xFFFFFFD0]  }
0x1d3: {  	v22 =	vld [tilespmem:s4+$0xFFFFFF80]  }
0x1d4: {  	v3 =	vld [tilespmem:s4+$0xFFFFFF90]  }
0x1d5: {  	v6 =	vld [tilespmem:s4+$0xFFFFFFA0]  }
0x1d6: {  	v18 =	vld [tilespmem:s4+$0x10]  }
0x1d7: {  	v7 =	vld [tilespmem:s4+$0xFFFFFFB0]  }
0x1d8: {  	v21 =	vld [tilespmem:s4+$0x60]  }
0x1d9: {  	v9 =	vld [tilespmem:s4+$0xFFFFFFF0]  }
0x1da: {  	s12 =	simm.s32 $0x0;
	v8 =	vld [tilespmem:s4+$0xFFFFFFE0]  }
0x1db: {  	v23 =	vld [tilespmem:s12+$0x1560]  }
0x1dc: {  	v13 =	vld [tilespmem:s12+$0x1530]  }
0x1dd: {  	v20 =	vld [tilespmem:s12+$0x1510]  }
0x1de: {  	v16 =	vld [tilespmem:s12+$0x1520]  }
0x1df: {  	v5 =	vld [tilespmem:s12+$0x1570]  }
0x1e0: {  	v24 =	vld [tilespmem:s12+$0x100]  }
0x1e1: {  	v25 =	vld [tilespmem:s12+$0x1550]  }
0x1e2: {  	v4 =	vld [tilespmem:s12+$0x1540]  }
0x1e3: {  	v26 =	vld [tilespmem:s12+$0x1500]  }
0x1e4: {  	v27 =	vld [tilespmem:s12+$0x150]  }
0x1e5: {  	v14 =	vld [tilespmem:s12+$0x170]  }
0x1e6: {  	v17 =	vadd.f32 v13, v11;
	v13 =	vld [tilespmem:s12+$0x160];
	v28 =	vadd.f32 v16, v10  }
0x1e7: {  	v16 =	vadd.f32 v25, v15;
	v15 =	vld [tilespmem:s12+$0x130];
	v11 =	vadd.f32 v20, v18  }
0x1e8: {  	v18 =	vld [tilespmem:s12+$0x120];
	v20 =	vadd.f32 v26, v12;
	v10 =	vadd.f32 v23, v21  }
0x1e9: {  	s16 =	simm.s32 $0x5400;
	s15 =	simm.s32 $0x200;
	v12 =	vld [tilespmem:s12+$0x140];
	v22 =	vadd.f32 v24, v22;
	v19 =	vadd.f32 v27, v19;
	v21 =	vmax.f32 v28, $0.0e+00  }
.LBB2_12:
0x1ea: {  	p0 =	sne.s32 s15, $0x4E00;
	v23 =	vld [tilespmem:s12+$0x110];
	s12 =	sshra.s32 s15, $0x2;
	s15 =	sadd.s32 $0x200, s15;
	v9 =	vadd.f32 v14, v9;
	v14 =	vmax.f32 v17, $0.0e+00  }
0x1eb: {  	v20 =	vmax.f32 v20, $0.0e+00;
	v17 =	vld [tilespmem:s4+$0x70];
	v22 =	vmax.f32 v22, $0.0e+00;
	v19 =	vmax.f32 v19, $0.0e+00;
	[tilespmem:s4+$0x20] =	vst v21  }
0x1ec: {  	v8 =	vadd.f32 v13, v8;
	v21 =	vld [tilespmem:s16+$0x20];
	v7 =	vadd.f32 v15, v7;
	v13 =	vmax.f32 v9, $0.0e+00;
	[tilespmem:s4+$0x0] =	vst v20  }
0x1ed: {  	v9 =	vld [tilespmem:s4+$0xFFFFFFC0];
	v6 =	vadd.f32 v18, v6;
	[tilespmem:s4+$0x30] =	vst v14;
	v14 =	vmax.f32 v16, $0.0e+00  }
0x1ee: {  	v8 =	vmax.f32 v8, $0.0e+00;
	v20 =	vld [tilespmem:s16+$0x0];
	v7 =	vmax.f32 v7, $0.0e+00;
	[tilespmem:s4+$0x50] =	vst v14  }
0x1ef: {  	v14 =	vld [tilespmem:s4+$0x40];
	[tilespmem:s4+$0xFFFFFF80] =	vst v22;
	v3 =	vadd.f32 v23, v3;
	v6 =	vmax.f32 v6, $0.0e+00  }
0x1f0: {  	v15 =	vld [tilespmem:s16+$0x30];
	[tilespmem:s4+$0xFFFFFFA0] =	vst v6  }
0x1f1: {  	v6 =	vmax.f32 v11, $0.0e+00;
	v5 =	vadd.f32 v5, v17;
	v16 =	vld [tilespmem:s16+$0x50];
	v3 =	vmax.f32 v3, $0.0e+00;
	[tilespmem:s4+$0xFFFFFFD0] =	vst v19  }
0x1f2: {  	v19 =	vld [tilespmem:s16+$0xFFFFFFD0];
	[tilespmem:s4+$0xFFFFFF90] =	vst v3;
	v9 =	vadd.f32 v12, v9  }
0x1f3: {  	v5 =	vmax.f32 v5, $0.0e+00;
	v22 =	vld [tilespmem:s16+$0xFFFFFF80];
	[tilespmem:s4+$0x10] =	vst v6;
	v6 =	vmax.f32 v10, $0.0e+00  }
0x1f4: {  	v3 =	vld [tilespmem:s16+$0xFFFFFF90];
	v9 =	vmax.f32 v9, $0.0e+00;
	v4 =	vadd.f32 v4, v14;
	[tilespmem:s4+$0x60] =	vst v6  }
0x1f5: {  	v6 =	vld [tilespmem:s16+$0xFFFFFFA0];
	[tilespmem:s4+$0xFFFFFFB0] =	vst v7  }
0x1f6: {  	v10 =	vld [tilespmem:s16+$0x10];
	[tilespmem:s4+$0xFFFFFFC0] =	vst v9  }
0x1f7: {  	v7 =	vld [tilespmem:s16+$0xFFFFFFB0];
	[tilespmem:s4+$0x70] =	vst v5  }
0x1f8: {  	v12 =	vld [tilespmem:s16+$0x60];
	[tilespmem:s4+$0xFFFFFFE0] =	vst v8  }
0x1f9: {  	v4 =	vmax.f32 v4, $0.0e+00;
	v9 =	vld [tilespmem:s16+$0xFFFFFFF0];
	[tilespmem:s4+$0xFFFFFFF0] =	vst v13  }
0x1fa: {  	v8 =	vld [tilespmem:s16+$0xFFFFFFE0];
	[tilespmem:s4+$0x40] =	vst v4;
	s4 =	smov.u32 s16  }
0x1fb: {  	v23 =	vld [tilespmem:s12+$0x1560]  }
0x1fc: {  	v4 =	vld [tilespmem:s12+$0x1530]  }
0x1fd: {  	v11 =	vld [tilespmem:s12+$0x1510]  }
0x1fe: {  	v18 =	vld [tilespmem:s12+$0x1520]  }
0x1ff: {  	v5 =	vld [tilespmem:s12+$0x1570]  }
0x200: {  	v24 =	vld [tilespmem:s12+$0x100]  }
0x201: {  	v25 =	vld [tilespmem:s12+$0x1550];
	v17 =	vadd.f32 v4, v15  }
0x202: {  	v4 =	vld [tilespmem:s12+$0x1540]  }
0x203: {  	v26 =	vld [tilespmem:s12+$0x1500]  }
0x204: {  	v27 =	vld [tilespmem:s12+$0x150]  }
.Ltmp5:
0x205: {  	v14 =	vld [tilespmem:s12+$0x170];
	(pc) =	sbr.rel @p0 .LBB2_12-.Ltmp5, $4  }
0x206: {  	v21 =	vadd.f32 v18, v21;
	v13 =	vld [tilespmem:s12+$0x160];
	v16 =	vadd.f32 v25, v16  }
0x207: {  	v11 =	vadd.f32 v11, v10;
	v15 =	vld [tilespmem:s12+$0x130]  }
0x208: {  	v10 =	vadd.f32 v23, v12;
	v21 =	vmax.f32 v21, $0.0e+00;
	v18 =	vld [tilespmem:s12+$0x120];
	v20 =	vadd.f32 v26, v20  }
0x209: {  	s16 =	sadd.s32 $0x100, s16;
	v22 =	vadd.f32 v24, v22;
	v12 =	vld [tilespmem:s12+$0x140];
	v19 =	vadd.f32 v27, v19  }
0x20a: {  	v23 =	vld [tilespmem:s12+$0x110];
	v20 =	vmax.f32 v20, $0.0e+00;
	[tilespmem:s4+$0x20] =	vst v21  }
0x20b: {  	v17 =	vmax.f32 v17, $0.0e+00;
	[tilespmem:s4+$0x0] =	vst v20  }
0x20c: {  	v16 =	vmax.f32 v16, $0.0e+00;
	[tilespmem:s4+$0x30] =	vst v17  }
0x20d: {  	v11 =	vmax.f32 v11, $0.0e+00;
	[tilespmem:s4+$0x50] =	vst v16  }
0x20e: {  	v51 =	vld [tilespmem:s4+$0x70];
	v10 =	vmax.f32 v10, $0.0e+00;
	[tilespmem:s4+$0x10] =	vst v11  }
0x20f: {  	v53 =	vld [tilespmem:s4+$0xFFFFFFC0];
	v57 =	vadd.f32 v14, v9;
	v52 =	vmax.f32 v22, $0.0e+00;
	[tilespmem:s4+$0x60] =	vst v10  }
0x210: {  	v54 =	vmax.f32 v19, $0.0e+00;
	[tilespmem:s4+$0xFFFFFF80] =	vst v52;
	v6 =	vadd.f32 v18, v6  }
0x211: {  	v56 =	vld [tilespmem:s4+$0x40];
	[tilespmem:s4+$0xFFFFFFD0] =	vst v54;
	v58 =	vmax.f32 v57, $0.0e+00;
	v3 =	vadd.f32 v23, v3  }
0x212: {  	v55 =	vadd.f32 v15, v7;
	[tilespmem:s4+$0xFFFFFFF0] =	vst v58;
	v6 =	vmax.f32 v6, $0.0e+00  }
0x213: {  	v5 =	vadd.f32 v5, v51;
	[tilespmem:s4+$0xFFFFFFA0] =	vst v6;
	v3 =	vmax.f32 v3, $0.0e+00  }
0x214: {  	v6 =	vmax.f32 v55, $0.0e+00;
	[tilespmem:s4+$0xFFFFFF90] =	vst v3;
	v3 =	vadd.f32 v12, v53  }
0x215: {  	v8 =	vadd.f32 v13, v8;
	[tilespmem:s4+$0xFFFFFFB0] =	vst v6;
	v5 =	vmax.f32 v5, $0.0e+00  }
0x216: {  	v4 =	vadd.f32 v4, v56;
	[tilespmem:s4+$0x70] =	vst v5;
	v3 =	vmax.f32 v3, $0.0e+00  }
0x217: {  	[tilespmem:s4+$0xFFFFFFC0] =	vst v3;
	v3 =	vmax.f32 v8, $0.0e+00  }
0x218: {  	[tilespmem:s4+$0xFFFFFFE0] =	vst v3;
	v3 =	vmax.f32 v4, $0.0e+00  }
0x219: {  	[tilespmem:s4+$0x40] =	vst v3  }
0x21a: {  	[spmem:s1] =	stream.indirect.scatter.add.f32 [tilespmem:s3], [sflag:$0x6], $0x80, s14, s19, $0xb8;
	[tilespmem:$0x1EA80] =	vst v63  }
0x21b: {  	v3 =	vld [tilespmem:$0x80];
	_ =	sdelay $0x4  }
0x21c: {  	v59 =	vshll.u32 v3, $0x4  }
0x21d: {  	v4 =	vand.u32 $0x70, v59  }
0x21e: {  	v4 =	vor.u32 v1, v4;
	_ =	sdelay $0x2  }
0x21f: {  	v3 =	vshrl.u32 v3, $0x3  }
0x220: {  	[tilespmem:$0x5200] =	vst v3  }
0x221: {  	[tilespmem:v4+s29+$0x0] =	vst.idx.msk $0xffff, v2  }
0x222: {  	[spmem:s2] =	stream.indirect.scatter.add.f32 [tilespmem:s29], [sflag:$0x7], $0x80, s31, s30, $0xb8;
	[tilespmem:$0x1EA80] =	vst v63  }
0x223: {  	_ =	swait.ge [sflag:s13], $0x800  }
0x224: {  	[sflag:s13] =	ssyncset.done $0x0  }
0x225: {  	[sflag:s13] =	ssyncadd.s32 $0xFFFFF800  }
0x226: {  	[tilespmem:v4+s29+$0x0] =	vst.idx.msk $0xffff, v0  }
0x227: {  	v3 =	vld [tilespmem:$0x90];
	_ =	sdelay $0x4  }
0x228: {  	v60 =	vshll.u32 v3, $0x4  }
0x229: {  	v4 =	vand.u32 $0x70, v60  }
0x22a: {  	v4 =	vor.u32 v1, v4;
	_ =	sdelay $0x2  }
0x22b: {  	v3 =	vshrl.u32 v3, $0x3  }
0x22c: {  	[tilespmem:$0x5200] =	vst v3  }
0x22d: {  	[tilespmem:v4+s29+$0x0] =	vst.idx.msk $0xffff, v2  }
0x22e: {  	[spmem:s2] =	stream.indirect.scatter.add.f32 [tilespmem:s29], [sflag:$0x7], $0x80, s31, s30, $0xb8;
	[tilespmem:$0x1EA80] =	vst v63  }
0x22f: {  	_ =	swait.ge [sflag:s13], $0x800  }
0x230: {  	[sflag:s13] =	ssyncset.done $0x0  }
0x231: {  	[sflag:s13] =	ssyncadd.s32 $0xFFFFF800  }
0x232: {  	[tilespmem:v4+s29+$0x0] =	vst.idx.msk $0xffff, v0  }
0x233: {  	v3 =	vld [tilespmem:$0xA0];
	_ =	sdelay $0x4  }
0x234: {  	v61 =	vshll.u32 v3, $0x4  }
0x235: {  	v4 =	vand.u32 $0x70, v61  }
0x236: {  	v4 =	vor.u32 v1, v4;
	_ =	sdelay $0x2  }
0x237: {  	v3 =	vshrl.u32 v3, $0x3  }
0x238: {  	[tilespmem:$0x5200] =	vst v3  }
0x239: {  	[tilespmem:v4+s29+$0x0] =	vst.idx.msk $0xffff, v2  }
0x23a: {  	[spmem:s2] =	stream.indirect.scatter.add.f32 [tilespmem:s29], [sflag:$0x7], $0x80, s31, s30, $0xb8;
	[tilespmem:$0x1EA80] =	vst v63  }
0x23b: {  	_ =	swait.ge [sflag:s13], $0x800  }
0x23c: {  	[sflag:s13] =	ssyncset.done $0x0  }
0x23d: {  	[sflag:s13] =	ssyncadd.s32 $0xFFFFF800  }
0x23e: {  	[tilespmem:v4+s29+$0x0] =	vst.idx.msk $0xffff, v0  }
0x23f: {  	v3 =	vld [tilespmem:$0xB0];
	_ =	sdelay $0x4  }
0x240: {  	v62 =	vshll.u32 v3, $0x4  }
0x241: {  	v4 =	vand.u32 $0x70, v62  }
0x242: {  	v4 =	vor.u32 v1, v4;
	_ =	sdelay $0x2  }
0x243: {  	v3 =	vshrl.u32 v3, $0x3  }
0x244: {  	[tilespmem:$0x5200] =	vst v3  }
0x245: {  	[tilespmem:v4+s29+$0x0] =	vst.idx.msk $0xffff, v2  }
0x246: {  	[spmem:s2] =	stream.indirect.scatter.add.f32 [tilespmem:s29], [sflag:$0x7], $0x80, s31, s30, $0xb8;
	[tilespmem:$0x1EA80] =	vst v63  }
0x247: {  	_ =	swait.ge [sflag:s13], $0x800  }
0x248: {  	[sflag:s13] =	ssyncset.done $0x0  }
0x249: {  	[sflag:s13] =	ssyncadd.s32 $0xFFFFF800  }
0x24a: {  	[tilespmem:v4+s29+$0x0] =	vst.idx.msk $0xffff, v0  }
0x24b: {  	v3 =	vld [tilespmem:$0xC0];
	_ =	sdelay $0x4  }
0x24c: {  	v63 =	vshll.u32 v3, $0x4  }
0x24d: {  	v4 =	vand.u32 $0x70, v63  }
0x24e: {  	v4 =	vor.u32 v1, v4;
	_ =	sdelay $0x2  }
0x24f: {  	v3 =	vshrl.u32 v3, $0x3  }
0x250: {  	[tilespmem:$0x5200] =	vst v3  }
0x251: {  	[tilespmem:v4+s29+$0x0] =	vst.idx.msk $0xffff, v2  }
0x252: {  	[spmem:s2] =	stream.indirect.scatter.add.f32 [tilespmem:s29], [sflag:$0x7], $0x80, s31, s30, $0xb8;
	[tilespmem:$0x1EA80] =	vst v63  }
0x253: {  	_ =	swait.ge [sflag:s13], $0x800  }
0x254: {  	[sflag:s13] =	ssyncset.done $0x0  }
0x255: {  	[sflag:s13] =	ssyncadd.s32 $0xFFFFF800  }
0x256: {  	[tilespmem:v4+s29+$0x0] =	vst.idx.msk $0xffff, v0  }
0x257: {  	_ =	swait.ge [sflag:s0], $0x2800  }
0x258: {  	[sflag:s0] =	ssyncset.done $0x0  }
0x259: {  	[sflag:s0] =	ssyncadd.s32 $0xFFFFD800  }
0x25a: {  	_ =	swait.ge [sflag:s17], $0x50  }
0x25b: {  	[sflag:s17] =	ssyncset.done $0x0  }
0x25c: {  	[sflag:s17] =	ssyncadd.s32 $0xFFFFFFB0  }
0x25d: {  	_ =	swait.ge [sflag:s18], $0x50  }
0x25e: {  	[sflag:s18] =	ssyncset.done $0x0  }
0x25f: {  	[sflag:s18] =	ssyncadd.s32 $0xFFFFFFB0  }
0x260: {  	_ =	swait.ge [sflag:s20], $0x1400  }
0x261: {  	[sflag:s20] =	ssyncset.done $0x0  }
0x262: {  	[sflag:s20] =	ssyncadd.s32 $0xFFFFEC00  }
0x263: {  	_ =	swait.ge [sflag:s21], $0x1400  }
0x264: {  	[sflag:s21] =	ssyncset.done $0x0  }
0x265: {  	[sflag:s21] =	ssyncadd.s32 $0xFFFFEC00  }
0x266: {  	s25 =	stileid.u32;
	[bflag:$0x0] =	sbarrier.arrive $0xFFFF  }
0x267: {  	s4 =	sshll.u32 s25, $0x6;
	s16 =	rddreg [dreg:$0xf]  }
0x268: {  	s4 =	sor.u32 $0x1C07, s4;
	s15 =	rddreg [dreg:$0xe];
	s26 =	sshrl.u32 s16, $0x3  }
0x269: {  	[hbm:s15], [sflag:s4] =	dma.local [spmem:s26], $0x2800  }
0x26a: {  	_ =	swait.ge [sflag:s13], $0x2800  }
0x26b: {  	[sflag:s13] =	ssyncset.done $0x0;
	s25 =	rddreg [dreg:$0x5]  }
0x26c: {  	s22 =	rddreg [dreg:$0x10];
	[sflag:s13] =	ssyncadd.s32 $0xFFFFD800;
	s15 =	sshrl.u32 s25, $0x3  }
0x26d: {  	[hbm:s22], [sflag:s4] =	dma.local [spmem:s15], $0x500  }
0x26e: {  	_ =	swait.ge [sflag:s13], $0x500  }
0x26f: {  	s22 =	rddreg [dreg:$0x4]  }
0x270: {  	s26 =	rddreg [dreg:$0x11];
	s22 =	sadd.s32 $0x1, s22  }
0x271: {  	p0 =	sne.s32 s22, s26  }
.Ltmp6:
0x272: {  	_ = 	snop;
	(pc) =	sbr.rel @p0 .LBB2_1-.Ltmp6, $3  }
0x273: {  	_ =	sdelay $0x1  }
0x274: {  	[sflag:s13] =	ssyncset.done $0x0  }
0x275: {  	[sflag:s13] =	ssyncadd.s32 $0xFFFFFB00  }
0x276: {  	_ =	sfence.sel $0x180000  }
0x277: {  	[bflag:$0x0] =	sbarrier.arrive $0xFFFF  }
0x278: {  	_ =	strace $0x90000047  }
0x279: {  	s0 =	stileid.u32;
	[bflag:$0x2] =	sbarrier.arrive $0xFFFF  }
0x27a: {  	p0 =	sne.s32 s0, $0x0;
	s0 =	rddreg [dreg:$0x3]  }
0x27b: {  	s0 =	sadd.s32 @!p0 $0x100000, s0  }
0x27c: {  	[sflag:s0] =	ssyncadd.tile.s32 @!p0 $0x1;
	_ =	shalt  }
.Lfunc_end2:
_tile_overlayer_lowered:
.L_overlay_start_2:
0x27d: {  	(tag) =	ssettag $0x2  }
0x27e: {  	s0 =	rddreg [dreg:$0x0];
	s2 =	stileid.u32  }
0x27f: {  	s1 =	rddreg [dreg:$0x1];
	p0 =	sne.s32 s2, $0x0  }
0x280: {  	s3 =	rddreg [dreg:$0x2];
	[bflag:$0x3] =	sbarrier.arrive $0xFFFF;
	s2 =	simm.s32 @!p0 $0x1C07  }
0x281: {  	[timem:s3], [sflag:s2] =	dma.local @!p0 [hbm:s0], s1  }
0x282: {  	s0 =	simm.s32 @!p0 $0x7  }
0x283: {  	_ =	swait.ge @!p0 [sflag:s0], s1  }
0x284: {  	s1 =	ssub.s32 @!p0 $0x0, s1;
	[sflag:s0] =	ssyncset.done @!p0 $0x0  }
0x285: {  	[sflag:s0] =	ssyncadd.s32 @!p0 s1  }
0x286: {  	[bflag:$0x3] =	sbarrier.arrive $0xFFFF  }
0x287: {  	_ =	shalt  }

</sc_bundles>
